<compile_context>
chip_gen: v7x
topology: tpu7x:2x2x1
jax: 0.10.2.dev20260603
libtpu: 0.0.44.dev20260713+nightly
codegen_flags: <defaults>
</compile_context>

<pallas_src>
import functools

import jax
import jax.numpy as jnp
from jax import lax
from jax.experimental import pallas as pl
from jax.experimental.pallas import tpu as pltpu
from jax.experimental.pallas import tpu_sc as plsc

N_NODES = 10000
NPAD = 10240
N_EDGES = 320000
F = 128
HID = 256
NC = 2
NS = 16
NW = NC * NS
CCH = 125
GIDX = 40
KSEG = N_EDGES // NW // CCH
RPS = NPAD // NS

_MESH = plsc.VectorSubcoreMesh(core_axis_name="c", subcore_axis_name="s")


def _sc_deg_body(dst_hbm, out_hbm, acc, dstv, onesv, zv, sem):
    c = lax.axis_index("c")
    s = lax.axis_index("s")
    wid = s * NC + c

    def fill(r, _):
        for j in range(8):
            onesv[r, pl.ds(j * 16, 16)] = jnp.ones((16,), jnp.float32)
            zv[r % 16, pl.ds(j * 16, 16)] = jnp.zeros((16,), jnp.float32)
        return 0
    lax.fori_loop(0, CCH, fill, 0)

    def zfire(k, _):
        pltpu.async_copy(zv, acc.at[pl.ds(s * RPS + k * 16, 16)], sem)
        return 0
    lax.fori_loop(0, RPS // 16, zfire, 0)

    def zdrain(k, _):
        pltpu.make_async_copy(zv, acc.at[pl.ds(s * RPS, 16)], sem).wait()
        return 0
    lax.fori_loop(0, RPS // 16, zdrain, 0)
    plsc.subcore_barrier()

    pltpu.sync_copy(dst_hbm.at[wid], dstv)

    def gloop(grp, _):
        def fire(i, _):
            pltpu.async_copy(onesv, acc.at[dstv.at[grp * 16 + i]], sem,
                             add=True)
            return 0
        lax.fori_loop(0, 16, fire, 0)

        def drain(i, _):
            pltpu.make_async_copy(onesv, acc.at[dstv.at[0]], sem).wait()
            return 0
        lax.fori_loop(0, 16, drain, 0)
        return 0
    lax.fori_loop(0, KSEG // 16, gloop, 0)
    plsc.subcore_barrier()

    def ofire(k, _):
        rb = s * RPS + k * 64
        pltpu.async_copy(acc.at[pl.ds(rb, 64)], out_hbm.at[c, pl.ds(rb, 64)],
                         sem)
        return 0
    lax.fori_loop(0, RPS // 64, ofire, 0)

    def odrain(k, _):
        rb = s * RPS
        pltpu.make_async_copy(acc.at[pl.ds(rb, 64)],
                              out_hbm.at[c, pl.ds(rb, 64)], sem).wait()
        return 0
    lax.fori_loop(0, RPS // 64, odrain, 0)


_sc_deg = functools.partial(
    pl.kernel,
    out_type=jax.ShapeDtypeStruct((NC, NPAD, F), jnp.float32),
    mesh=_MESH,
    scratch_types=[
        pltpu.VMEM_SHARED((NPAD, F), jnp.float32),
        pltpu.VMEM((KSEG, CCH), jnp.int32),
        pltpu.VMEM((CCH, F), jnp.float32),
        pltpu.VMEM((16, F), jnp.float32),
        pltpu.SemaphoreType.DMA,
    ],
)(_sc_deg_body)


def _sc_segsum_body(src_hbm, dst_hbm, feat_hbm, out_hbm,
                    acc, srcv, dstv, rows0, rows1, sg0, sg1):
    c = lax.axis_index("c")
    s = lax.axis_index("s")
    wid = s * NC + c

    def fz(r, _):
        for j in range(8):
            rows0[r, pl.ds(j * 16, 16)] = jnp.zeros((16,), jnp.float32)
        return 0
    lax.fori_loop(0, 16, fz, 0)
    zsrc = rows0.at[pl.ds(0, 16)]

    def zfire(k, _):
        pltpu.async_copy(zsrc, acc.at[pl.ds(s * RPS + k * 16, 16)], sg0)
        return 0
    lax.fori_loop(0, RPS // 16, zfire, 0)

    def zdrain(k, _):
        pltpu.make_async_copy(zsrc, acc.at[pl.ds(s * RPS, 16)], sg0).wait()
        return 0
    lax.fori_loop(0, RPS // 16, zdrain, 0)
    plsc.subcore_barrier()

    for gg in range(KSEG // GIDX):
        pltpu.sync_copy(src_hbm.at[wid, pl.ds(gg * GIDX, GIDX)], srcv)
        pltpu.sync_copy(dst_hbm.at[wid, pl.ds(gg * GIDX, GIDX)], dstv)
        pltpu.async_copy(feat_hbm.at[srcv.at[0]], rows0, sg0)

        def eloop(g, _):
            j0 = 2 * g
            j1 = j0 + 1
            jn = lax.rem(j0 + 2, GIDX)
            pltpu.make_async_copy(feat_hbm.at[srcv.at[j0]], rows0,
                                  sg0).wait()
            pltpu.async_copy(feat_hbm.at[srcv.at[j1]], rows1, sg1)
            pltpu.sync_copy(rows0, acc.at[dstv.at[j0]], add=True)
            pltpu.make_async_copy(feat_hbm.at[srcv.at[j1]], rows1,
                                  sg1).wait()
            pltpu.async_copy(feat_hbm.at[srcv.at[jn]], rows0, sg0)
            pltpu.sync_copy(rows1, acc.at[dstv.at[j1]], add=True)
            return 0
        lax.fori_loop(0, GIDX // 2, eloop, 0)
        pltpu.make_async_copy(feat_hbm.at[srcv.at[0]], rows0, sg0).wait()
    plsc.subcore_barrier()

    def ofire(k, _):
        rb = s * RPS + k * 64
        pltpu.async_copy(acc.at[pl.ds(rb, 64)], out_hbm.at[c, pl.ds(rb, 64)],
                         sg0)
        return 0
    lax.fori_loop(0, RPS // 64, ofire, 0)

    def odrain(k, _):
        rb = s * RPS
        pltpu.make_async_copy(acc.at[pl.ds(rb, 64)],
                              out_hbm.at[c, pl.ds(rb, 64)], sg0).wait()
        return 0
    lax.fori_loop(0, RPS // 64, odrain, 0)


_sc_segsum = functools.partial(
    pl.kernel,
    out_type=jax.ShapeDtypeStruct((NC, NPAD, F), jnp.float32),
    mesh=_MESH,
    scratch_types=[
        pltpu.VMEM_SHARED((NPAD, F), jnp.float32),
        pltpu.VMEM((GIDX, CCH), jnp.int32),
        pltpu.VMEM((GIDX, CCH), jnp.int32),
        pltpu.VMEM((CCH, F), jnp.float32),
        pltpu.VMEM((CCH, F), jnp.float32),
        pltpu.SemaphoreType.DMA,
        pltpu.SemaphoreType.DMA,
    ],
)(_sc_segsum_body)


def _tc_pre_body(degref, xref, xsref, dvref):
    dv = lax.rsqrt(degref[0] + degref[1] + 1.0)
    dvref[...] = dv
    xsref[...] = xref[...] * dv


def _tc_prescale(degp, x_pad):
    BR = 1024
    return pl.pallas_call(
        _tc_pre_body,
        grid=(NPAD // BR,),
        in_specs=[
            pl.BlockSpec((NC, BR, F), lambda i: (0, i, 0)),
            pl.BlockSpec((BR, F), lambda i: (i, 0)),
        ],
        out_specs=[
            pl.BlockSpec((BR, F), lambda i: (i, 0)),
            pl.BlockSpec((BR, F), lambda i: (i, 0)),
        ],
        out_shape=[
            jax.ShapeDtypeStruct((NPAD, F), jnp.float32),
            jax.ShapeDtypeStruct((NPAD, F), jnp.float32),
        ],
    )(degp, x_pad)


def _tc_mm_body(pref, xsref, dvref, w1ref, b1ref, w2ref, href, hwref):
    a = (pref[0] + pref[1] + xsref[...]) * dvref[...]
    h = jnp.dot(a, w1ref[...], preferred_element_type=jnp.float32)
    h = jnp.maximum(h + b1ref[...], 0.0)
    href[...] = h
    hw = jnp.dot(h, w2ref[...], preferred_element_type=jnp.float32)
    hwref[...] = hw * dvref[...]


def _tc_matmul(p, xs, dinv, W1, b1, W2):
    BR = 1000
    return pl.pallas_call(
        _tc_mm_body,
        grid=(NPAD // BR,),
        in_specs=[
            pl.BlockSpec((NC, BR, F), lambda i: (0, i, 0)),
            pl.BlockSpec((BR, F), lambda i: (i, 0)),
            pl.BlockSpec((BR, F), lambda i: (i, 0)),
            pl.BlockSpec((F, HID), lambda i: (0, 0)),
            pl.BlockSpec((1, HID), lambda i: (0, 0)),
            pl.BlockSpec((HID, F), lambda i: (0, 0)),
        ],
        out_specs=[
            pl.BlockSpec((BR, HID), lambda i: (i, 0)),
            pl.BlockSpec((BR, F), lambda i: (i, 0)),
        ],
        out_shape=[
            jax.ShapeDtypeStruct((N_NODES, HID), jnp.float32),
            jax.ShapeDtypeStruct((NPAD, F), jnp.float32),
        ],
    )(p, xs, dinv, W1, b1, W2)


def _tc_fin_body(qref, hwref, dvref, b2ref, oref):
    oref[...] = (qref[0] + qref[1] + hwref[...]) * dvref[...] + b2ref[...]


def _tc_final(q, hws, dinv, b2):
    BR = 1000
    return pl.pallas_call(
        _tc_fin_body,
        grid=(NPAD // BR,),
        in_specs=[
            pl.BlockSpec((NC, BR, F), lambda i: (0, i, 0)),
            pl.BlockSpec((BR, F), lambda i: (i, 0)),
            pl.BlockSpec((BR, F), lambda i: (i, 0)),
            pl.BlockSpec((1, F), lambda i: (0, 0)),
        ],
        out_specs=pl.BlockSpec((BR, F), lambda i: (i, 0)),
        out_shape=jax.ShapeDtypeStruct((N_NODES, F), jnp.float32),
    )(q, hws, dinv, b2)


def kernel(x, edge_index, W1, b1, W2, b2):
    src = edge_index[0].astype(jnp.int32)
    dst = edge_index[1].astype(jnp.int32)
    x_pad = jnp.pad(x, ((0, NPAD - N_NODES), (0, 0)))
    src_sc = src.reshape(NW, KSEG, CCH)
    dst_sc = dst.reshape(NW, KSEG, CCH)

    degp = _sc_deg(dst_sc)
    xs, dinv = _tc_prescale(degp, x_pad)
    p = _sc_segsum(src_sc, dst_sc, xs)
    h, hws = _tc_matmul(p, xs, dinv, W1, b1.reshape(1, HID), W2)
    q = _sc_segsum(src_sc, dst_sc, hws)
    logits = _tc_final(q, hws, dinv, b2.reshape(1, F))
    return h, logits

# --- scband reference (transcript-rebuilt; emitter-appended) ---
"""Pipeline reference for scband-border-gcn-53721450938845 (READ-ONLY COPY).

The authoritative reference and input builder live on the scoring server;
editing this copy changes nothing except your own understanding.
"""

import jax, jax.numpy as jnp
import numpy as np

N_NODES = 10000
N_EDGES = 320000
IN_DIM = 128
HID_DIM = 256
OUT_DIM = 128


def gcn_conv(x, src, dst, W, b, num_nodes):
    # PyG GCNConv: add self-loops, symmetric normalization, linear, scatter-add, bias
    loop = jnp.arange(num_nodes, dtype=src.dtype)
    src_f = jnp.concatenate([src, loop])
    dst_f = jnp.concatenate([dst, loop])
    ew = jnp.ones(src_f.shape[0], dtype=x.dtype)
    deg = jax.ops.segment_sum(ew, dst_f, num_segments=num_nodes)
    dinv = jnp.where(deg > 0, deg ** -0.5, 0.0)
    norm = dinv[src_f] * dinv[dst_f]
    xw = x @ W
    msg = norm[:, None] * jnp.take(xw, src_f, axis=0)
    out = jax.ops.segment_sum(msg, dst_f, num_segments=num_nodes)
    return out + b


def setup_inputs(seed: int = 0) -> dict:
    key = jax.random.key(seed)
    k1, k2, k3, k4, k5, k6 = jax.random.split(key, 6)
    x = jax.random.normal(k1, (N_NODES, IN_DIM), dtype=jnp.float32)
    edge_index = jax.random.randint(k2, (2, N_EDGES), 0, N_NODES, dtype=jnp.int64)
    s1 = (1.0 / IN_DIM) ** 0.5
    s2 = (1.0 / HID_DIM) ** 0.5
    W1 = jax.random.uniform(k3, (IN_DIM, HID_DIM), dtype=jnp.float32, minval=-s1, maxval=s1)
    b1 = jnp.zeros((HID_DIM,), dtype=jnp.float32)
    W2 = jax.random.uniform(k4, (HID_DIM, OUT_DIM), dtype=jnp.float32, minval=-s2, maxval=s2)
    b2 = jnp.zeros((OUT_DIM,), dtype=jnp.float32)
    return {"x": x, "edge_index": edge_index, "W1": W1, "b1": b1, "W2": W2, "b2": b2}


def reference(x, edge_index, W1, b1, W2, b2):
    # border_node / weight_border are None -> pure 2-layer GCN path.
    # Dropout is identity in eval mode.
    src, dst = edge_index[0], edge_index[1]
    h = gcn_conv(x, src, dst, W1, b1, N_NODES)
    h = jax.nn.relu(h)
    logits = gcn_conv(h, src, dst, W2, b2, N_NODES)
    return (h, logits)

if __name__ == "__main__":
    import jax
    _d = setup_inputs()
    print(jax.jit(kernel)(*tuple(_d.values())))

</pallas_src>

<mosaic_0001>
#map = affine_map<(d0, d1) -> (0, 0, 0)>
#map1 = affine_map<(d0, d1) -> (0, 0)>
module attributes {stable_mosaic.version = 14 : i64} {
  func.func @_sc_segsum_body(%arg0: i32, %arg1: i32, %arg2: memref<32x80x125xi32, #tpu.memory_space<hbm>>, %arg3: memref<32x80x125xi32, #tpu.memory_space<hbm>>, %arg4: memref<10240x128xf32, #tpu.memory_space<hbm>>, %arg5: memref<2x10240x128xf32, #tpu.memory_space<hbm>>, %arg6: memref<10240x128xf32, #tpu.memory_space<vmem_shared>>, %arg7: memref<40x125xi32, #tpu.memory_space<vmem>>, %arg8: memref<40x125xi32, #tpu.memory_space<vmem>>, %arg9: memref<125x128xf32, #tpu.memory_space<vmem>>, %arg10: memref<125x128xf32, #tpu.memory_space<vmem>>, %arg11: memref<!tpu.dma_semaphore, #tpu.memory_space<semaphore_mem>>, %arg12: memref<!tpu.dma_semaphore, #tpu.memory_space<semaphore_mem>>) attributes {dimension_semantics = [#tpu.dimension_semantics<core_parallel>, #tpu.dimension_semantics<subcore_parallel>], iteration_bounds = array<i64: 2, 16>, scalar_prefetch = 0 : i64, scratch_operands = 7 : i64, tpu.core_type = #tpu.core_type<sc_vector_subcore>, window_params = [{transform_indices = #map}, {transform_indices = #map}, {transform_indices = #map1}, {transform_indices = #map}]} {
    %mul3A = arith.constant 2 : i32
    %mul3A_0 = arith.muli %arg1, %mul3A : i32
    %add3A = arith.addi %mul3A_0, %arg0 : i32
    %scan3A = arith.constant 0 : i32
    %scan3A_1 = arith.constant 0 : i32
    %scan3A_2 = arith.constant 16 : i32
    %scan3A_3 = arith.addi %scan3A_1, %scan3A_2 : i32
    %scan3A_4 = arith.constant 1 : i32
    %scan3A_5 = scf.for %scan3A_76 = %scan3A_1 to %scan3A_3 step %scan3A_4 iter_args(%scan3A_77 = %scan3A) -> (i32)  : i32 {
      %broadcast_in_dim3A = arith.constant 0.000000e+00 : f32
      %broadcast_in_dim3A_78 = vector.broadcast %broadcast_in_dim3A : f32 to vector<16xf32>
      %swap3A = arith.index_cast %scan3A_76 : i32 to index
      %swap3A_79 = arith.constant 0 : index
      %swap3A_80 = tpu.vector_load %arg9[%swap3A, %swap3A_79] {strides = array<i32>} : memref<125x128xf32, #tpu.memory_space<vmem>>, vector<1x16xf32>,
      %swap3A_81 = vector.shape_cast %swap3A_80 : vector<1x16xf32> to vector<16xf32>
      %swap3A_82 = vector.shape_cast %broadcast_in_dim3A_78 : vector<16xf32> to vector<1x16xf32>
      tpu.vector_store %arg9[%swap3A, %swap3A_79], %swap3A_82 {strides = array<i32>} : memref<125x128xf32, #tpu.memory_space<vmem>>, vector<1x16xf32>,
      %broadcast_in_dim3A_83 = arith.constant 0.000000e+00 : f32
      %broadcast_in_dim3A_84 = vector.broadcast %broadcast_in_dim3A_83 : f32 to vector<16xf32>
      %swap3A_85 = arith.index_cast %scan3A_76 : i32 to index
      %swap3A_86 = arith.constant 16 : index
      %swap3A_87 = tpu.vector_load %arg9[%swap3A_85, %swap3A_86] {strides = array<i32>} : memref<125x128xf32, #tpu.memory_space<vmem>>, vector<1x16xf32>,
      %swap3A_88 = vector.shape_cast %swap3A_87 : vector<1x16xf32> to vector<16xf32>
      %swap3A_89 = vector.shape_cast %broadcast_in_dim3A_84 : vector<16xf32> to vector<1x16xf32>
      tpu.vector_store %arg9[%swap3A_85, %swap3A_86], %swap3A_89 {strides = array<i32>} : memref<125x128xf32, #tpu.memory_space<vmem>>, vector<1x16xf32>,
      %broadcast_in_dim3A_90 = arith.constant 0.000000e+00 : f32
      %broadcast_in_dim3A_91 = vector.broadcast %broadcast_in_dim3A_90 : f32 to vector<16xf32>
      %swap3A_92 = arith.index_cast %scan3A_76 : i32 to index
      %swap3A_93 = arith.constant 32 : index
      %swap3A_94 = tpu.vector_load %arg9[%swap3A_92, %swap3A_93] {strides = array<i32>} : memref<125x128xf32, #tpu.memory_space<vmem>>, vector<1x16xf32>,
      %swap3A_95 = vector.shape_cast %swap3A_94 : vector<1x16xf32> to vector<16xf32>
      %swap3A_96 = vector.shape_cast %broadcast_in_dim3A_91 : vector<16xf32> to vector<1x16xf32>
      tpu.vector_store %arg9[%swap3A_92, %swap3A_93], %swap3A_96 {strides = array<i32>} : memref<125x128xf32, #tpu.memory_space<vmem>>, vector<1x16xf32>,
      %broadcast_in_dim3A_97 = arith.constant 0.000000e+00 : f32
      %broadcast_in_dim3A_98 = vector.broadcast %broadcast_in_dim3A_97 : f32 to vector<16xf32>
      %swap3A_99 = arith.index_cast %scan3A_76 : i32 to index
      %swap3A_100 = arith.constant 48 : index
      %swap3A_101 = tpu.vector_load %arg9[%swap3A_99, %swap3A_100] {strides = array<i32>} : memref<125x128xf32, #tpu.memory_space<vmem>>, vector<1x16xf32>,
      %swap3A_102 = vector.shape_cast %swap3A_101 : vector<1x16xf32> to vector<16xf32>
      %swap3A_103 = vector.shape_cast %broadcast_in_dim3A_98 : vector<16xf32> to vector<1x16xf32>
      tpu.vector_store %arg9[%swap3A_99, %swap3A_100], %swap3A_103 {strides = array<i32>} : memref<125x128xf32, #tpu.memory_space<vmem>>, vector<1x16xf32>,
      %broadcast_in_dim3A_104 = arith.constant 0.000000e+00 : f32
      %broadcast_in_dim3A_105 = vector.broadcast %broadcast_in_dim3A_104 : f32 to vector<16xf32>
      %swap3A_106 = arith.index_cast %scan3A_76 : i32 to index
      %swap3A_107 = arith.constant 64 : index
      %swap3A_108 = tpu.vector_load %arg9[%swap3A_106, %swap3A_107] {strides = array<i32>} : memref<125x128xf32, #tpu.memory_space<vmem>>, vector<1x16xf32>,
      %swap3A_109 = vector.shape_cast %swap3A_108 : vector<1x16xf32> to vector<16xf32>
      %swap3A_110 = vector.shape_cast %broadcast_in_dim3A_105 : vector<16xf32> to vector<1x16xf32>
      tpu.vector_store %arg9[%swap3A_106, %swap3A_107], %swap3A_110 {strides = array<i32>} : memref<125x128xf32, #tpu.memory_space<vmem>>, vector<1x16xf32>,
      %broadcast_in_dim3A_111 = arith.constant 0.000000e+00 : f32
      %broadcast_in_dim3A_112 = vector.broadcast %broadcast_in_dim3A_111 : f32 to vector<16xf32>
      %swap3A_113 = arith.index_cast %scan3A_76 : i32 to index
      %swap3A_114 = arith.constant 80 : index
      %swap3A_115 = tpu.vector_load %arg9[%swap3A_113, %swap3A_114] {strides = array<i32>} : memref<125x128xf32, #tpu.memory_space<vmem>>, vector<1x16xf32>,
      %swap3A_116 = vector.shape_cast %swap3A_115 : vector<1x16xf32> to vector<16xf32>
      %swap3A_117 = vector.shape_cast %broadcast_in_dim3A_112 : vector<16xf32> to vector<1x16xf32>
      tpu.vector_store %arg9[%swap3A_113, %swap3A_114], %swap3A_117 {strides = array<i32>} : memref<125x128xf32, #tpu.memory_space<vmem>>, vector<1x16xf32>,
      %broadcast_in_dim3A_118 = arith.constant 0.000000e+00 : f32
      %broadcast_in_dim3A_119 = vector.broadcast %broadcast_in_dim3A_118 : f32 to vector<16xf32>
      %swap3A_120 = arith.index_cast %scan3A_76 : i32 to index
      %swap3A_121 = arith.constant 96 : index
      %swap3A_122 = tpu.vector_load %arg9[%swap3A_120, %swap3A_121] {strides = array<i32>} : memref<125x128xf32, #tpu.memory_space<vmem>>, vector<1x16xf32>,
      %swap3A_123 = vector.shape_cast %swap3A_122 : vector<1x16xf32> to vector<16xf32>
      %swap3A_124 = vector.shape_cast %broadcast_in_dim3A_119 : vector<16xf32> to vector<1x16xf32>
      tpu.vector_store %arg9[%swap3A_120, %swap3A_121], %swap3A_124 {strides = array<i32>} : memref<125x128xf32, #tpu.memory_space<vmem>>, vector<1x16xf32>,
      %broadcast_in_dim3A_125 = arith.constant 0.000000e+00 : f32
      %broadcast_in_dim3A_126 = vector.broadcast %broadcast_in_dim3A_125 : f32 to vector<16xf32>
      %swap3A_127 = arith.index_cast %scan3A_76 : i32 to index
      %swap3A_128 = arith.constant 112 : index
      %swap3A_129 = tpu.vector_load %arg9[%swap3A_127, %swap3A_128] {strides = array<i32>} : memref<125x128xf32, #tpu.memory_space<vmem>>, vector<1x16xf32>,
      %swap3A_130 = vector.shape_cast %swap3A_129 : vector<1x16xf32> to vector<16xf32>
      %swap3A_131 = vector.shape_cast %broadcast_in_dim3A_126 : vector<16xf32> to vector<1x16xf32>
      tpu.vector_store %arg9[%swap3A_127, %swap3A_128], %swap3A_131 {strides = array<i32>} : memref<125x128xf32, #tpu.memory_space<vmem>>, vector<1x16xf32>,
      %scan3A_132 = arith.constant 0 : i32
      scf.yield %scan3A_132 : i32
    }
    %scan3A_6 = arith.constant 16 : i32
    %scan3A_7 = arith.constant 0 : i32
    %scan3A_8 = arith.constant 0 : i32
    %scan3A_9 = arith.constant 40 : i32
    %scan3A_10 = arith.addi %scan3A_8, %scan3A_9 : i32
    %scan3A_11 = arith.constant 1 : i32
    %scan3A_12 = scf.for %scan3A_76 = %scan3A_8 to %scan3A_10 step %scan3A_11 iter_args(%scan3A_77 = %scan3A_7) -> (i32)  : i32 {
      %mul3A_78 = arith.constant 640 : i32
      %mul3A_79 = arith.muli %arg1, %mul3A_78 : i32
      %mul3A_80 = arith.constant 16 : i32
      %mul3A_81 = arith.muli %scan3A_76, %mul3A_80 : i32
      %add3A_82 = arith.addi %mul3A_79, %mul3A_81 : i32
      %dma_start3A_83 = arith.constant 0 : i32
      %dma_start3A_84 = arith.constant 0 : i32
      %dma_start3A_85 = tpu.memref_slice %arg9[%dma_start3A_83, %dma_start3A_84] : memref<125x128xf32, #tpu.memory_space<vmem>> -> memref<16x128xf32, #tpu.memory_space<vmem>>
      %dma_start3A_86 = arith.constant 0 : i32
      %dma_start3A_87 = tpu.memref_slice %arg6[%add3A_82, %dma_start3A_86] : memref<10240x128xf32, #tpu.memory_space<vmem_shared>> -> memref<16x128xf32, #tpu.memory_space<vmem_shared>>
      %dma_start3A_88 = arith.constant 0 : i32
      %dma_start3A_89 = tpu.memref_slice %arg6[%add3A_82, %dma_start3A_88] : memref<10240x128xf32, #tpu.memory_space<vmem_shared>> -> memref<16x128xf32, #tpu.memory_space<vmem_shared>>
      %dma_start3A_90 = arith.constant 0 : i32
      %dma_start3A_91 = arith.constant 0 : i32
      %dma_start3A_92 = tpu.memref_slice %arg9[%dma_start3A_90, %dma_start3A_91] : memref<125x128xf32, #tpu.memory_space<vmem>> -> memref<16x128xf32, #tpu.memory_space<vmem>>
      tpu.enqueue_dma source(%dma_start3A_92 : memref<16x128xf32, #tpu.memory_space<vmem>>) target(%dma_start3A_89 : memref<16x128xf32, #tpu.memory_space<vmem_shared>>) target_semaphore(%arg11 : memref<!tpu.dma_semaphore, #tpu.memory_space<semaphore_mem>>)
      %scan3A_93 = arith.constant 0 : i32
      scf.yield %scan3A_93 : i32
    }
    %scan3A_13 = arith.constant 40 : i32
    %scan3A_14 = arith.constant 0 : i32
    %scan3A_15 = arith.constant 0 : i32
    %scan3A_16 = arith.constant 40 : i32
    %scan3A_17 = arith.addi %scan3A_15, %scan3A_16 : i32
    %scan3A_18 = arith.constant 1 : i32
    %scan3A_19 = scf.for %scan3A_76 = %scan3A_15 to %scan3A_17 step %scan3A_18 iter_args(%scan3A_77 = %scan3A_14) -> (i32)  : i32 {
      %mul3A_78 = arith.constant 640 : i32
      %mul3A_79 = arith.muli %arg1, %mul3A_78 : i32
      %dma_wait3A_80 = arith.constant 0 : i32
      %dma_wait3A_81 = arith.constant 0 : i32
      %dma_wait3A_82 = tpu.memref_slice %arg9[%dma_wait3A_80, %dma_wait3A_81] : memref<125x128xf32, #tpu.memory_space<vmem>> -> memref<16x128xf32, #tpu.memory_space<vmem>>
      %dma_wait3A_83 = arith.constant 0 : i32
      %dma_wait3A_84 = tpu.memref_slice %arg6[%mul3A_79, %dma_wait3A_83] : memref<10240x128xf32, #tpu.memory_space<vmem_shared>> -> memref<16x128xf32, #tpu.memory_space<vmem_shared>>
      %dma_wait3A_85 = arith.constant 0 : i32
      %dma_wait3A_86 = tpu.memref_slice %arg6[%mul3A_79, %dma_wait3A_85] : memref<10240x128xf32, #tpu.memory_space<vmem_shared>> -> memref<16x128xf32, #tpu.memory_space<vmem_shared>>
      %dma_wait3A_87 = arith.constant 0 : i32
      %dma_wait3A_88 = arith.constant 0 : i32
      %dma_wait3A_89 = tpu.memref_slice %arg9[%dma_wait3A_87, %dma_wait3A_88] : memref<125x128xf32, #tpu.memory_space<vmem>> -> memref<16x128xf32, #tpu.memory_space<vmem>>
      tpu.wait_dma2 semaphore(%arg11 : memref<!tpu.dma_semaphore, #tpu.memory_space<semaphore_mem>>) src(%dma_wait3A_89 : memref<16x128xf32, #tpu.memory_space<vmem>>) dst(%dma_wait3A_86 : memref<16x128xf32, #tpu.memory_space<vmem_shared>>)
      %scan3A_90 = arith.constant 0 : i32
      scf.yield %scan3A_90 : i32
    }
    %scan3A_20 = arith.constant 40 : i32
    %barrier3A = arith.constant 0 : index
    tpu.barrier barrier_id(%barrier3A)
    "tpu.region"() ({
      %run_scoped3A = tpu.sem_alloc : memref<!tpu.dma_semaphore, #tpu.memory_space<semaphore_mem>>
      %dma_start3A_76 = arith.constant 0 : i32
      %dma_start3A_77 = arith.constant 0 : i32
      %dma_start3A_78 = tpu.memref_slice %arg2[%add3A, %dma_start3A_76, %dma_start3A_77] : memref<32x80x125xi32, #tpu.memory_space<hbm>> -> memref<1x40x125xi32, #tpu.memory_space<hbm>>
      %dma_start3A_79 = tpu.memref_squeeze %dma_start3A_78 : memref<1x40x125xi32, #tpu.memory_space<hbm>> -> memref<40x125xi32, #tpu.memory_space<hbm>>
      %dma_start3A_80 = arith.constant 0 : i32
      %dma_start3A_81 = arith.constant 0 : i32
      %dma_start3A_82 = tpu.memref_slice %arg2[%add3A, %dma_start3A_80, %dma_start3A_81] : memref<32x80x125xi32, #tpu.memory_space<hbm>> -> memref<1x40x125xi32, #tpu.memory_space<hbm>>
      %dma_start3A_83 = tpu.memref_squeeze %dma_start3A_82 : memref<1x40x125xi32, #tpu.memory_space<hbm>> -> memref<40x125xi32, #tpu.memory_space<hbm>>
      tpu.enqueue_dma source(%dma_start3A_83 : memref<40x125xi32, #tpu.memory_space<hbm>>) target(%arg7 : memref<40x125xi32, #tpu.memory_space<vmem>>) target_semaphore(%run_scoped3A : memref<!tpu.dma_semaphore, #tpu.memory_space<semaphore_mem>>)
      %dma_wait3A_84 = arith.constant 0 : i32
      %dma_wait3A_85 = arith.constant 0 : i32
      %dma_wait3A_86 = tpu.memref_slice %arg2[%add3A, %dma_wait3A_84, %dma_wait3A_85] : memref<32x80x125xi32, #tpu.memory_space<hbm>> -> memref<1x40x125xi32, #tpu.memory_space<hbm>>
      %dma_wait3A_87 = tpu.memref_squeeze %dma_wait3A_86 : memref<1x40x125xi32, #tpu.memory_space<hbm>> -> memref<40x125xi32, #tpu.memory_space<hbm>>
      %dma_wait3A_88 = arith.constant 0 : i32
      %dma_wait3A_89 = arith.constant 0 : i32
      %dma_wait3A_90 = tpu.memref_slice %arg2[%add3A, %dma_wait3A_88, %dma_wait3A_89] : memref<32x80x125xi32, #tpu.memory_space<hbm>> -> memref<1x40x125xi32, #tpu.memory_space<hbm>>
      %dma_wait3A_91 = tpu.memref_squeeze %dma_wait3A_90 : memref<1x40x125xi32, #tpu.memory_space<hbm>> -> memref<40x125xi32, #tpu.memory_space<hbm>>
      tpu.wait_dma2 semaphore(%run_scoped3A : memref<!tpu.dma_semaphore, #tpu.memory_space<semaphore_mem>>) src(%dma_wait3A_91 : memref<40x125xi32, #tpu.memory_space<hbm>>) dst(%arg7 : memref<40x125xi32, #tpu.memory_space<vmem>>)
      tpu.yield
    }) : () -> ()
    "tpu.region"() ({
      %run_scoped3A = tpu.sem_alloc : memref<!tpu.dma_semaphore, #tpu.memory_space<semaphore_mem>>
      %dma_start3A_76 = arith.constant 0 : i32
      %dma_start3A_77 = arith.constant 0 : i32
      %dma_start3A_78 = tpu.memref_slice %arg3[%add3A, %dma_start3A_76, %dma_start3A_77] : memref<32x80x125xi32, #tpu.memory_space<hbm>> -> memref<1x40x125xi32, #tpu.memory_space<hbm>>
      %dma_start3A_79 = tpu.memref_squeeze %dma_start3A_78 : memref<1x40x125xi32, #tpu.memory_space<hbm>> -> memref<40x125xi32, #tpu.memory_space<hbm>>
      %dma_start3A_80 = arith.constant 0 : i32
      %dma_start3A_81 = arith.constant 0 : i32
      %dma_start3A_82 = tpu.memref_slice %arg3[%add3A, %dma_start3A_80, %dma_start3A_81] : memref<32x80x125xi32, #tpu.memory_space<hbm>> -> memref<1x40x125xi32, #tpu.memory_space<hbm>>
      %dma_start3A_83 = tpu.memref_squeeze %dma_start3A_82 : memref<1x40x125xi32, #tpu.memory_space<hbm>> -> memref<40x125xi32, #tpu.memory_space<hbm>>
      tpu.enqueue_dma source(%dma_start3A_83 : memref<40x125xi32, #tpu.memory_space<hbm>>) target(%arg8 : memref<40x125xi32, #tpu.memory_space<vmem>>) target_semaphore(%run_scoped3A : memref<!tpu.dma_semaphore, #tpu.memory_space<semaphore_mem>>)
      %dma_wait3A_84 = arith.constant 0 : i32
      %dma_wait3A_85 = arith.constant 0 : i32
      %dma_wait3A_86 = tpu.memref_slice %arg3[%add3A, %dma_wait3A_84, %dma_wait3A_85] : memref<32x80x125xi32, #tpu.memory_space<hbm>> -> memref<1x40x125xi32, #tpu.memory_space<hbm>>
      %dma_wait3A_87 = tpu.memref_squeeze %dma_wait3A_86 : memref<1x40x125xi32, #tpu.memory_space<hbm>> -> memref<40x125xi32, #tpu.memory_space<hbm>>
      %dma_wait3A_88 = arith.constant 0 : i32
      %dma_wait3A_89 = arith.constant 0 : i32
      %dma_wait3A_90 = tpu.memref_slice %arg3[%add3A, %dma_wait3A_88, %dma_wait3A_89] : memref<32x80x125xi32, #tpu.memory_space<hbm>> -> memref<1x40x125xi32, #tpu.memory_space<hbm>>
      %dma_wait3A_91 = tpu.memref_squeeze %dma_wait3A_90 : memref<1x40x125xi32, #tpu.memory_space<hbm>> -> memref<40x125xi32, #tpu.memory_space<hbm>>
      tpu.wait_dma2 semaphore(%run_scoped3A : memref<!tpu.dma_semaphore, #tpu.memory_space<semaphore_mem>>) src(%dma_wait3A_91 : memref<40x125xi32, #tpu.memory_space<hbm>>) dst(%arg8 : memref<40x125xi32, #tpu.memory_space<vmem>>)
      tpu.yield
    }) : () -> ()
    %dma_start3A = arith.constant 0 : i32
    %dma_start3A_21 = arith.constant 0 : i32
    %dma_start3A_22 = tpu.memref_slice %arg7[%dma_start3A, %dma_start3A_21] : memref<40x125xi32, #tpu.memory_space<vmem>> -> memref<1x125xi32, #tpu.memory_space<vmem>>
    %dma_start3A_23 = tpu.memref_squeeze %dma_start3A_22 : memref<1x125xi32, #tpu.memory_space<vmem>> -> memref<125xi32, #tpu.memory_space<vmem>>
    %dma_start3A_24 = arith.constant 0 : i32
    %dma_start3A_25 = arith.constant 0 : i32
    %dma_start3A_26 = tpu.memref_slice %arg4[%dma_start3A_24, %dma_start3A_25] : memref<10240x128xf32, #tpu.memory_space<hbm>> -> memref<10240x128xf32, #tpu.memory_space<hbm>>
    tpu.enqueue_indirect_dma source(%dma_start3A_26 : memref<10240x128xf32, #tpu.memory_space<hbm>>) target(%arg9 : memref<125x128xf32, #tpu.memory_space<vmem>>) offsets(%dma_start3A_23 : memref<125xi32, #tpu.memory_space<vmem>>) semaphore(%arg11 : memref<!tpu.dma_semaphore, #tpu.memory_space<semaphore_mem>>)
    %scan3A_27 = arith.constant 0 : i32
    %scan3A_28 = arith.constant 0 : i32
    %scan3A_29 = arith.constant 20 : i32
    %scan3A_30 = arith.addi %scan3A_28, %scan3A_29 : i32
    %scan3A_31 = arith.constant 1 : i32
    %scan3A_32 = scf.for %scan3A_76 = %scan3A_28 to %scan3A_30 step %scan3A_31 iter_args(%scan3A_77 = %scan3A_27) -> (i32)  : i32 {
      %mul3A_78 = arith.constant 2 : i32
      %mul3A_79 = arith.muli %mul3A_78, %scan3A_76 : i32
      %add3A_80 = arith.constant 1 : i32
      %add3A_81 = arith.addi %mul3A_79, %add3A_80 : i32
      %add3A_82 = arith.constant 2 : i32
      %add3A_83 = arith.addi %mul3A_79, %add3A_82 : i32
      %rem3A = arith.constant 40 : i32
      %rem3A_84 = arith.remsi %add3A_83, %rem3A : i32
      %dma_wait3A_85 = arith.constant 0 : i32
      %dma_wait3A_86 = tpu.memref_slice %arg7[%mul3A_79, %dma_wait3A_85] : memref<40x125xi32, #tpu.memory_space<vmem>> -> memref<1x125xi32, #tpu.memory_space<vmem>>
      %dma_wait3A_87 = tpu.memref_squeeze %dma_wait3A_86 : memref<1x125xi32, #tpu.memory_space<vmem>> -> memref<125xi32, #tpu.memory_space<vmem>>
      %dma_wait3A_88 = arith.constant 0 : i32
      %dma_wait3A_89 = arith.constant 0 : i32
      %dma_wait3A_90 = tpu.memref_slice %arg4[%dma_wait3A_88, %dma_wait3A_89] : memref<10240x128xf32, #tpu.memory_space<hbm>> -> memref<10240x128xf32, #tpu.memory_space<hbm>>
      tpu.wait_indirect_dma semaphore(%arg11 : memref<!tpu.dma_semaphore, #tpu.memory_space<semaphore_mem>>) src(%dma_wait3A_90 : memref<10240x128xf32, #tpu.memory_space<hbm>>) dst(%arg9 : memref<125x128xf32, #tpu.memory_space<vmem>>)
      %dma_start3A_91 = arith.constant 0 : i32
      %dma_start3A_92 = tpu.memref_slice %arg7[%add3A_81, %dma_start3A_91] : memref<40x125xi32, #tpu.memory_space<vmem>> -> memref<1x125xi32, #tpu.memory_space<vmem>>
      %dma_start3A_93 = tpu.memref_squeeze %dma_start3A_92 : memref<1x125xi32, #tpu.memory_space<vmem>> -> memref<125xi32, #tpu.memory_space<vmem>>
      %dma_start3A_94 = arith.constant 0 : i32
      %dma_start3A_95 = arith.constant 0 : i32
      %dma_start3A_96 = tpu.memref_slice %arg4[%dma_start3A_94, %dma_start3A_95] : memref<10240x128xf32, #tpu.memory_space<hbm>> -> memref<10240x128xf32, #tpu.memory_space<hbm>>
      tpu.enqueue_indirect_dma source(%dma_start3A_96 : memref<10240x128xf32, #tpu.memory_space<hbm>>) target(%arg10 : memref<125x128xf32, #tpu.memory_space<vmem>>) offsets(%dma_start3A_93 : memref<125xi32, #tpu.memory_space<vmem>>) semaphore(%arg12 : memref<!tpu.dma_semaphore, #tpu.memory_space<semaphore_mem>>)
      "tpu.region"() ({
        %run_scoped3A = tpu.sem_alloc : memref<!tpu.dma_semaphore, #tpu.memory_space<semaphore_mem>>
        %dma_start3A_110 = arith.constant 0 : i32
        %dma_start3A_111 = tpu.memref_slice %arg8[%mul3A_79, %dma_start3A_110] : memref<40x125xi32, #tpu.memory_space<vmem>> -> memref<1x125xi32, #tpu.memory_space<vmem>>
        %dma_start3A_112 = tpu.memref_squeeze %dma_start3A_111 : memref<1x125xi32, #tpu.memory_space<vmem>> -> memref<125xi32, #tpu.memory_space<vmem>>
        %dma_start3A_113 = arith.constant 0 : i32
        %dma_start3A_114 = arith.constant 0 : i32
        %dma_start3A_115 = tpu.memref_slice %arg6[%dma_start3A_113, %dma_start3A_114] : memref<10240x128xf32, #tpu.memory_space<vmem_shared>> -> memref<10240x128xf32, #tpu.memory_space<vmem_shared>>
        tpu.enqueue_indirect_dma source(%arg9 : memref<125x128xf32, #tpu.memory_space<vmem>>) target(%dma_start3A_115 : memref<10240x128xf32, #tpu.memory_space<vmem_shared>>) offsets(%dma_start3A_112 : memref<125xi32, #tpu.memory_space<vmem>>) semaphore(%run_scoped3A : memref<!tpu.dma_semaphore, #tpu.memory_space<semaphore_mem>>) {add = true}
        %dma_wait3A_116 = arith.constant 0 : i32
        %dma_wait3A_117 = tpu.memref_slice %arg8[%mul3A_79, %dma_wait3A_116] : memref<40x125xi32, #tpu.memory_space<vmem>> -> memref<1x125xi32, #tpu.memory_space<vmem>>
        %dma_wait3A_118 = tpu.memref_squeeze %dma_wait3A_117 : memref<1x125xi32, #tpu.memory_space<vmem>> -> memref<125xi32, #tpu.memory_space<vmem>>
        %dma_wait3A_119 = arith.constant 0 : i32
        %dma_wait3A_120 = arith.constant 0 : i32
        %dma_wait3A_121 = tpu.memref_slice %arg6[%dma_wait3A_119, %dma_wait3A_120] : memref<10240x128xf32, #tpu.memory_space<vmem_shared>> -> memref<10240x128xf32, #tpu.memory_space<vmem_shared>>
        tpu.wait_indirect_dma semaphore(%run_scoped3A : memref<!tpu.dma_semaphore, #tpu.memory_space<semaphore_mem>>) src(%arg9 : memref<125x128xf32, #tpu.memory_space<vmem>>) dst(%dma_wait3A_121 : memref<10240x128xf32, #tpu.memory_space<vmem_shared>>)
        tpu.yield
      }) : () -> ()
      %dma_wait3A_97 = arith.constant 0 : i32
      %dma_wait3A_98 = tpu.memref_slice %arg7[%add3A_81, %dma_wait3A_97] : memref<40x125xi32, #tpu.memory_space<vmem>> -> memref<1x125xi32, #tpu.memory_space<vmem>>
      %dma_wait3A_99 = tpu.memref_squeeze %dma_wait3A_98 : memref<1x125xi32, #tpu.memory_space<vmem>> -> memref<125xi32, #tpu.memory_space<vmem>>
      %dma_wait3A_100 = arith.constant 0 : i32
      %dma_wait3A_101 = arith.constant 0 : i32
      %dma_wait3A_102 = tpu.memref_slice %arg4[%dma_wait3A_100, %dma_wait3A_101] : memref<10240x128xf32, #tpu.memory_space<hbm>> -> memref<10240x128xf32, #tpu.memory_space<hbm>>
      tpu.wait_indirect_dma semaphore(%arg12 : memref<!tpu.dma_semaphore, #tpu.memory_space<semaphore_mem>>) src(%dma_wait3A_102 : memref<10240x128xf32, #tpu.memory_space<hbm>>) dst(%arg10 : memref<125x128xf32, #tpu.memory_space<vmem>>)
      %dma_start3A_103 = arith.constant 0 : i32
      %dma_start3A_104 = tpu.memref_slice %arg7[%rem3A_84, %dma_start3A_103] : memref<40x125xi32, #tpu.memory_space<vmem>> -> memref<1x125xi32, #tpu.memory_space<vmem>>
      %dma_start3A_105 = tpu.memref_squeeze %dma_start3A_104 : memref<1x125xi32, #tpu.memory_space<vmem>> -> memref<125xi32, #tpu.memory_space<vmem>>
      %dma_start3A_106 = arith.constant 0 : i32
      %dma_start3A_107 = arith.constant 0 : i32
      %dma_start3A_108 = tpu.memref_slice %arg4[%dma_start3A_106, %dma_start3A_107] : memref<10240x128xf32, #tpu.memory_space<hbm>> -> memref<10240x128xf32, #tpu.memory_space<hbm>>
      tpu.enqueue_indirect_dma source(%dma_start3A_108 : memref<10240x128xf32, #tpu.memory_space<hbm>>) target(%arg9 : memref<125x128xf32, #tpu.memory_space<vmem>>) offsets(%dma_start3A_105 : memref<125xi32, #tpu.memory_space<vmem>>) semaphore(%arg11 : memref<!tpu.dma_semaphore, #tpu.memory_space<semaphore_mem>>)
      "tpu.region"() ({
        %run_scoped3A = tpu.sem_alloc : memref<!tpu.dma_semaphore, #tpu.memory_space<semaphore_mem>>
        %dma_start3A_110 = arith.constant 0 : i32
        %dma_start3A_111 = tpu.memref_slice %arg8[%add3A_81, %dma_start3A_110] : memref<40x125xi32, #tpu.memory_space<vmem>> -> memref<1x125xi32, #tpu.memory_space<vmem>>
        %dma_start3A_112 = tpu.memref_squeeze %dma_start3A_111 : memref<1x125xi32, #tpu.memory_space<vmem>> -> memref<125xi32, #tpu.memory_space<vmem>>
        %dma_start3A_113 = arith.constant 0 : i32
        %dma_start3A_114 = arith.constant 0 : i32
        %dma_start3A_115 = tpu.memref_slice %arg6[%dma_start3A_113, %dma_start3A_114] : memref<10240x128xf32, #tpu.memory_space<vmem_shared>> -> memref<10240x128xf32, #tpu.memory_space<vmem_shared>>
        tpu.enqueue_indirect_dma source(%arg10 : memref<125x128xf32, #tpu.memory_space<vmem>>) target(%dma_start3A_115 : memref<10240x128xf32, #tpu.memory_space<vmem_shared>>) offsets(%dma_start3A_112 : memref<125xi32, #tpu.memory_space<vmem>>) semaphore(%run_scoped3A : memref<!tpu.dma_semaphore, #tpu.memory_space<semaphore_mem>>) {add = true}
        %dma_wait3A_116 = arith.constant 0 : i32
        %dma_wait3A_117 = tpu.memref_slice %arg8[%add3A_81, %dma_wait3A_116] : memref<40x125xi32, #tpu.memory_space<vmem>> -> memref<1x125xi32, #tpu.memory_space<vmem>>
        %dma_wait3A_118 = tpu.memref_squeeze %dma_wait3A_117 : memref<1x125xi32, #tpu.memory_space<vmem>> -> memref<125xi32, #tpu.memory_space<vmem>>
        %dma_wait3A_119 = arith.constant 0 : i32
        %dma_wait3A_120 = arith.constant 0 : i32
        %dma_wait3A_121 = tpu.memref_slice %arg6[%dma_wait3A_119, %dma_wait3A_120] : memref<10240x128xf32, #tpu.memory_space<vmem_shared>> -> memref<10240x128xf32, #tpu.memory_space<vmem_shared>>
        tpu.wait_indirect_dma semaphore(%run_scoped3A : memref<!tpu.dma_semaphore, #tpu.memory_space<semaphore_mem>>) src(%arg10 : memref<125x128xf32, #tpu.memory_space<vmem>>) dst(%dma_wait3A_121 : memref<10240x128xf32, #tpu.memory_space<vmem_shared>>)
        tpu.yield
      }) : () -> ()
      %scan3A_109 = arith.constant 0 : i32
      scf.yield %scan3A_109 : i32
    }
    %scan3A_33 = arith.constant 20 : i32
    %dma_wait3A = arith.constant 0 : i32
    %dma_wait3A_34 = arith.constant 0 : i32
    %dma_wait3A_35 = tpu.memref_slice %arg7[%dma_wait3A, %dma_wait3A_34] : memref<40x125xi32, #tpu.memory_space<vmem>> -> memref<1x125xi32, #tpu.memory_space<vmem>>
    %dma_wait3A_36 = tpu.memref_squeeze %dma_wait3A_35 : memref<1x125xi32, #tpu.memory_space<vmem>> -> memref<125xi32, #tpu.memory_space<vmem>>
    %dma_wait3A_37 = arith.constant 0 : i32
    %dma_wait3A_38 = arith.constant 0 : i32
    %dma_wait3A_39 = tpu.memref_slice %arg4[%dma_wait3A_37, %dma_wait3A_38] : memref<10240x128xf32, #tpu.memory_space<hbm>> -> memref<10240x128xf32, #tpu.memory_space<hbm>>
    tpu.wait_indirect_dma semaphore(%arg11 : memref<!tpu.dma_semaphore, #tpu.memory_space<semaphore_mem>>) src(%dma_wait3A_39 : memref<10240x128xf32, #tpu.memory_space<hbm>>) dst(%arg9 : memref<125x128xf32, #tpu.memory_space<vmem>>)
    "tpu.region"() ({
      %run_scoped3A = tpu.sem_alloc : memref<!tpu.dma_semaphore, #tpu.memory_space<semaphore_mem>>
      %dma_start3A_76 = arith.constant 40 : i32
      %dma_start3A_77 = arith.constant 0 : i32
      %dma_start3A_78 = tpu.memref_slice %arg2[%add3A, %dma_start3A_76, %dma_start3A_77] : memref<32x80x125xi32, #tpu.memory_space<hbm>> -> memref<1x40x125xi32, #tpu.memory_space<hbm>>
      %dma_start3A_79 = tpu.memref_squeeze %dma_start3A_78 : memref<1x40x125xi32, #tpu.memory_space<hbm>> -> memref<40x125xi32, #tpu.memory_space<hbm>>
      %dma_start3A_80 = arith.constant 40 : i32
      %dma_start3A_81 = arith.constant 0 : i32
      %dma_start3A_82 = tpu.memref_slice %arg2[%add3A, %dma_start3A_80, %dma_start3A_81] : memref<32x80x125xi32, #tpu.memory_space<hbm>> -> memref<1x40x125xi32, #tpu.memory_space<hbm>>
      %dma_start3A_83 = tpu.memref_squeeze %dma_start3A_82 : memref<1x40x125xi32, #tpu.memory_space<hbm>> -> memref<40x125xi32, #tpu.memory_space<hbm>>
      tpu.enqueue_dma source(%dma_start3A_83 : memref<40x125xi32, #tpu.memory_space<hbm>>) target(%arg7 : memref<40x125xi32, #tpu.memory_space<vmem>>) target_semaphore(%run_scoped3A : memref<!tpu.dma_semaphore, #tpu.memory_space<semaphore_mem>>)
      %dma_wait3A_84 = arith.constant 40 : i32
      %dma_wait3A_85 = arith.constant 0 : i32
      %dma_wait3A_86 = tpu.memref_slice %arg2[%add3A, %dma_wait3A_84, %dma_wait3A_85] : memref<32x80x125xi32, #tpu.memory_space<hbm>> -> memref<1x40x125xi32, #tpu.memory_space<hbm>>
      %dma_wait3A_87 = tpu.memref_squeeze %dma_wait3A_86 : memref<1x40x125xi32, #tpu.memory_space<hbm>> -> memref<40x125xi32, #tpu.memory_space<hbm>>
      %dma_wait3A_88 = arith.constant 40 : i32
      %dma_wait3A_89 = arith.constant 0 : i32
      %dma_wait3A_90 = tpu.memref_slice %arg2[%add3A, %dma_wait3A_88, %dma_wait3A_89] : memref<32x80x125xi32, #tpu.memory_space<hbm>> -> memref<1x40x125xi32, #tpu.memory_space<hbm>>
      %dma_wait3A_91 = tpu.memref_squeeze %dma_wait3A_90 : memref<1x40x125xi32, #tpu.memory_space<hbm>> -> memref<40x125xi32, #tpu.memory_space<hbm>>
      tpu.wait_dma2 semaphore(%run_scoped3A : memref<!tpu.dma_semaphore, #tpu.memory_space<semaphore_mem>>) src(%dma_wait3A_91 : memref<40x125xi32, #tpu.memory_space<hbm>>) dst(%arg7 : memref<40x125xi32, #tpu.memory_space<vmem>>)
      tpu.yield
    }) : () -> ()
    "tpu.region"() ({
      %run_scoped3A = tpu.sem_alloc : memref<!tpu.dma_semaphore, #tpu.memory_space<semaphore_mem>>
      %dma_start3A_76 = arith.constant 40 : i32
      %dma_start3A_77 = arith.constant 0 : i32
      %dma_start3A_78 = tpu.memref_slice %arg3[%add3A, %dma_start3A_76, %dma_start3A_77] : memref<32x80x125xi32, #tpu.memory_space<hbm>> -> memref<1x40x125xi32, #tpu.memory_space<hbm>>
      %dma_start3A_79 = tpu.memref_squeeze %dma_start3A_78 : memref<1x40x125xi32, #tpu.memory_space<hbm>> -> memref<40x125xi32, #tpu.memory_space<hbm>>
      %dma_start3A_80 = arith.constant 40 : i32
      %dma_start3A_81 = arith.constant 0 : i32
      %dma_start3A_82 = tpu.memref_slice %arg3[%add3A, %dma_start3A_80, %dma_start3A_81] : memref<32x80x125xi32, #tpu.memory_space<hbm>> -> memref<1x40x125xi32, #tpu.memory_space<hbm>>
      %dma_start3A_83 = tpu.memref_squeeze %dma_start3A_82 : memref<1x40x125xi32, #tpu.memory_space<hbm>> -> memref<40x125xi32, #tpu.memory_space<hbm>>
      tpu.enqueue_dma source(%dma_start3A_83 : memref<40x125xi32, #tpu.memory_space<hbm>>) target(%arg8 : memref<40x125xi32, #tpu.memory_space<vmem>>) target_semaphore(%run_scoped3A : memref<!tpu.dma_semaphore, #tpu.memory_space<semaphore_mem>>)
      %dma_wait3A_84 = arith.constant 40 : i32
      %dma_wait3A_85 = arith.constant 0 : i32
      %dma_wait3A_86 = tpu.memref_slice %arg3[%add3A, %dma_wait3A_84, %dma_wait3A_85] : memref<32x80x125xi32, #tpu.memory_space<hbm>> -> memref<1x40x125xi32, #tpu.memory_space<hbm>>
      %dma_wait3A_87 = tpu.memref_squeeze %dma_wait3A_86 : memref<1x40x125xi32, #tpu.memory_space<hbm>> -> memref<40x125xi32, #tpu.memory_space<hbm>>
      %dma_wait3A_88 = arith.constant 40 : i32
      %dma_wait3A_89 = arith.constant 0 : i32
      %dma_wait3A_90 = tpu.memref_slice %arg3[%add3A, %dma_wait3A_88, %dma_wait3A_89] : memref<32x80x125xi32, #tpu.memory_space<hbm>> -> memref<1x40x125xi32, #tpu.memory_space<hbm>>
      %dma_wait3A_91 = tpu.memref_squeeze %dma_wait3A_90 : memref<1x40x125xi32, #tpu.memory_space<hbm>> -> memref<40x125xi32, #tpu.memory_space<hbm>>
      tpu.wait_dma2 semaphore(%run_scoped3A : memref<!tpu.dma_semaphore, #tpu.memory_space<semaphore_mem>>) src(%dma_wait3A_91 : memref<40x125xi32, #tpu.memory_space<hbm>>) dst(%arg8 : memref<40x125xi32, #tpu.memory_space<vmem>>)
      tpu.yield
    }) : () -> ()
    %dma_start3A_40 = arith.constant 0 : i32
    %dma_start3A_41 = arith.constant 0 : i32
    %dma_start3A_42 = tpu.memref_slice %arg7[%dma_start3A_40, %dma_start3A_41] : memref<40x125xi32, #tpu.memory_space<vmem>> -> memref<1x125xi32, #tpu.memory_space<vmem>>
    %dma_start3A_43 = tpu.memref_squeeze %dma_start3A_42 : memref<1x125xi32, #tpu.memory_space<vmem>> -> memref<125xi32, #tpu.memory_space<vmem>>
    %dma_start3A_44 = arith.constant 0 : i32
    %dma_start3A_45 = arith.constant 0 : i32
    %dma_start3A_46 = tpu.memref_slice %arg4[%dma_start3A_44, %dma_start3A_45] : memref<10240x128xf32, #tpu.memory_space<hbm>> -> memref<10240x128xf32, #tpu.memory_space<hbm>>
    tpu.enqueue_indirect_dma source(%dma_start3A_46 : memref<10240x128xf32, #tpu.memory_space<hbm>>) target(%arg9 : memref<125x128xf32, #tpu.memory_space<vmem>>) offsets(%dma_start3A_43 : memref<125xi32, #tpu.memory_space<vmem>>) semaphore(%arg11 : memref<!tpu.dma_semaphore, #tpu.memory_space<semaphore_mem>>)
    %scan3A_47 = arith.constant 0 : i32
    %scan3A_48 = arith.constant 0 : i32
    %scan3A_49 = arith.constant 20 : i32
    %scan3A_50 = arith.addi %scan3A_48, %scan3A_49 : i32
    %scan3A_51 = arith.constant 1 : i32
    %scan3A_52 = scf.for %scan3A_76 = %scan3A_48 to %scan3A_50 step %scan3A_51 iter_args(%scan3A_77 = %scan3A_47) -> (i32)  : i32 {
      %mul3A_78 = arith.constant 2 : i32
      %mul3A_79 = arith.muli %mul3A_78, %scan3A_76 : i32
      %add3A_80 = arith.constant 1 : i32
      %add3A_81 = arith.addi %mul3A_79, %add3A_80 : i32
      %add3A_82 = arith.constant 2 : i32
      %add3A_83 = arith.addi %mul3A_79, %add3A_82 : i32
      %rem3A = arith.constant 40 : i32
      %rem3A_84 = arith.remsi %add3A_83, %rem3A : i32
      %dma_wait3A_85 = arith.constant 0 : i32
      %dma_wait3A_86 = tpu.memref_slice %arg7[%mul3A_79, %dma_wait3A_85] : memref<40x125xi32, #tpu.memory_space<vmem>> -> memref<1x125xi32, #tpu.memory_space<vmem>>
      %dma_wait3A_87 = tpu.memref_squeeze %dma_wait3A_86 : memref<1x125xi32, #tpu.memory_space<vmem>> -> memref<125xi32, #tpu.memory_space<vmem>>
      %dma_wait3A_88 = arith.constant 0 : i32
      %dma_wait3A_89 = arith.constant 0 : i32
      %dma_wait3A_90 = tpu.memref_slice %arg4[%dma_wait3A_88, %dma_wait3A_89] : memref<10240x128xf32, #tpu.memory_space<hbm>> -> memref<10240x128xf32, #tpu.memory_space<hbm>>
      tpu.wait_indirect_dma semaphore(%arg11 : memref<!tpu.dma_semaphore, #tpu.memory_space<semaphore_mem>>) src(%dma_wait3A_90 : memref<10240x128xf32, #tpu.memory_space<hbm>>) dst(%arg9 : memref<125x128xf32, #tpu.memory_space<vmem>>)
      %dma_start3A_91 = arith.constant 0 : i32
      %dma_start3A_92 = tpu.memref_slice %arg7[%add3A_81, %dma_start3A_91] : memref<40x125xi32, #tpu.memory_space<vmem>> -> memref<1x125xi32, #tpu.memory_space<vmem>>
      %dma_start3A_93 = tpu.memref_squeeze %dma_start3A_92 : memref<1x125xi32, #tpu.memory_space<vmem>> -> memref<125xi32, #tpu.memory_space<vmem>>
      %dma_start3A_94 = arith.constant 0 : i32
      %dma_start3A_95 = arith.constant 0 : i32
      %dma_start3A_96 = tpu.memref_slice %arg4[%dma_start3A_94, %dma_start3A_95] : memref<10240x128xf32, #tpu.memory_space<hbm>> -> memref<10240x128xf32, #tpu.memory_space<hbm>>
      tpu.enqueue_indirect_dma source(%dma_start3A_96 : memref<10240x128xf32, #tpu.memory_space<hbm>>) target(%arg10 : memref<125x128xf32, #tpu.memory_space<vmem>>) offsets(%dma_start3A_93 : memref<125xi32, #tpu.memory_space<vmem>>) semaphore(%arg12 : memref<!tpu.dma_semaphore, #tpu.memory_space<semaphore_mem>>)
      "tpu.region"() ({
        %run_scoped3A = tpu.sem_alloc : memref<!tpu.dma_semaphore, #tpu.memory_space<semaphore_mem>>
        %dma_start3A_110 = arith.constant 0 : i32
        %dma_start3A_111 = tpu.memref_slice %arg8[%mul3A_79, %dma_start3A_110] : memref<40x125xi32, #tpu.memory_space<vmem>> -> memref<1x125xi32, #tpu.memory_space<vmem>>
        %dma_start3A_112 = tpu.memref_squeeze %dma_start3A_111 : memref<1x125xi32, #tpu.memory_space<vmem>> -> memref<125xi32, #tpu.memory_space<vmem>>
        %dma_start3A_113 = arith.constant 0 : i32
        %dma_start3A_114 = arith.constant 0 : i32
        %dma_start3A_115 = tpu.memref_slice %arg6[%dma_start3A_113, %dma_start3A_114] : memref<10240x128xf32, #tpu.memory_space<vmem_shared>> -> memref<10240x128xf32, #tpu.memory_space<vmem_shared>>
        tpu.enqueue_indirect_dma source(%arg9 : memref<125x128xf32, #tpu.memory_space<vmem>>) target(%dma_start3A_115 : memref<10240x128xf32, #tpu.memory_space<vmem_shared>>) offsets(%dma_start3A_112 : memref<125xi32, #tpu.memory_space<vmem>>) semaphore(%run_scoped3A : memref<!tpu.dma_semaphore, #tpu.memory_space<semaphore_mem>>) {add = true}
        %dma_wait3A_116 = arith.constant 0 : i32
        %dma_wait3A_117 = tpu.memref_slice %arg8[%mul3A_79, %dma_wait3A_116] : memref<40x125xi32, #tpu.memory_space<vmem>> -> memref<1x125xi32, #tpu.memory_space<vmem>>
        %dma_wait3A_118 = tpu.memref_squeeze %dma_wait3A_117 : memref<1x125xi32, #tpu.memory_space<vmem>> -> memref<125xi32, #tpu.memory_space<vmem>>
        %dma_wait3A_119 = arith.constant 0 : i32
        %dma_wait3A_120 = arith.constant 0 : i32
        %dma_wait3A_121 = tpu.memref_slice %arg6[%dma_wait3A_119, %dma_wait3A_120] : memref<10240x128xf32, #tpu.memory_space<vmem_shared>> -> memref<10240x128xf32, #tpu.memory_space<vmem_shared>>
        tpu.wait_indirect_dma semaphore(%run_scoped3A : memref<!tpu.dma_semaphore, #tpu.memory_space<semaphore_mem>>) src(%arg9 : memref<125x128xf32, #tpu.memory_space<vmem>>) dst(%dma_wait3A_121 : memref<10240x128xf32, #tpu.memory_space<vmem_shared>>)
        tpu.yield
      }) : () -> ()
      %dma_wait3A_97 = arith.constant 0 : i32
      %dma_wait3A_98 = tpu.memref_slice %arg7[%add3A_81, %dma_wait3A_97] : memref<40x125xi32, #tpu.memory_space<vmem>> -> memref<1x125xi32, #tpu.memory_space<vmem>>
      %dma_wait3A_99 = tpu.memref_squeeze %dma_wait3A_98 : memref<1x125xi32, #tpu.memory_space<vmem>> -> memref<125xi32, #tpu.memory_space<vmem>>
      %dma_wait3A_100 = arith.constant 0 : i32
      %dma_wait3A_101 = arith.constant 0 : i32
      %dma_wait3A_102 = tpu.memref_slice %arg4[%dma_wait3A_100, %dma_wait3A_101] : memref<10240x128xf32, #tpu.memory_space<hbm>> -> memref<10240x128xf32, #tpu.memory_space<hbm>>
      tpu.wait_indirect_dma semaphore(%arg12 : memref<!tpu.dma_semaphore, #tpu.memory_space<semaphore_mem>>) src(%dma_wait3A_102 : memref<10240x128xf32, #tpu.memory_space<hbm>>) dst(%arg10 : memref<125x128xf32, #tpu.memory_space<vmem>>)
      %dma_start3A_103 = arith.constant 0 : i32
      %dma_start3A_104 = tpu.memref_slice %arg7[%rem3A_84, %dma_start3A_103] : memref<40x125xi32, #tpu.memory_space<vmem>> -> memref<1x125xi32, #tpu.memory_space<vmem>>
      %dma_start3A_105 = tpu.memref_squeeze %dma_start3A_104 : memref<1x125xi32, #tpu.memory_space<vmem>> -> memref<125xi32, #tpu.memory_space<vmem>>
      %dma_start3A_106 = arith.constant 0 : i32
      %dma_start3A_107 = arith.constant 0 : i32
      %dma_start3A_108 = tpu.memref_slice %arg4[%dma_start3A_106, %dma_start3A_107] : memref<10240x128xf32, #tpu.memory_space<hbm>> -> memref<10240x128xf32, #tpu.memory_space<hbm>>
      tpu.enqueue_indirect_dma source(%dma_start3A_108 : memref<10240x128xf32, #tpu.memory_space<hbm>>) target(%arg9 : memref<125x128xf32, #tpu.memory_space<vmem>>) offsets(%dma_start3A_105 : memref<125xi32, #tpu.memory_space<vmem>>) semaphore(%arg11 : memref<!tpu.dma_semaphore, #tpu.memory_space<semaphore_mem>>)
      "tpu.region"() ({
        %run_scoped3A = tpu.sem_alloc : memref<!tpu.dma_semaphore, #tpu.memory_space<semaphore_mem>>
        %dma_start3A_110 = arith.constant 0 : i32
        %dma_start3A_111 = tpu.memref_slice %arg8[%add3A_81, %dma_start3A_110] : memref<40x125xi32, #tpu.memory_space<vmem>> -> memref<1x125xi32, #tpu.memory_space<vmem>>
        %dma_start3A_112 = tpu.memref_squeeze %dma_start3A_111 : memref<1x125xi32, #tpu.memory_space<vmem>> -> memref<125xi32, #tpu.memory_space<vmem>>
        %dma_start3A_113 = arith.constant 0 : i32
        %dma_start3A_114 = arith.constant 0 : i32
        %dma_start3A_115 = tpu.memref_slice %arg6[%dma_start3A_113, %dma_start3A_114] : memref<10240x128xf32, #tpu.memory_space<vmem_shared>> -> memref<10240x128xf32, #tpu.memory_space<vmem_shared>>
        tpu.enqueue_indirect_dma source(%arg10 : memref<125x128xf32, #tpu.memory_space<vmem>>) target(%dma_start3A_115 : memref<10240x128xf32, #tpu.memory_space<vmem_shared>>) offsets(%dma_start3A_112 : memref<125xi32, #tpu.memory_space<vmem>>) semaphore(%run_scoped3A : memref<!tpu.dma_semaphore, #tpu.memory_space<semaphore_mem>>) {add = true}
        %dma_wait3A_116 = arith.constant 0 : i32
        %dma_wait3A_117 = tpu.memref_slice %arg8[%add3A_81, %dma_wait3A_116] : memref<40x125xi32, #tpu.memory_space<vmem>> -> memref<1x125xi32, #tpu.memory_space<vmem>>
        %dma_wait3A_118 = tpu.memref_squeeze %dma_wait3A_117 : memref<1x125xi32, #tpu.memory_space<vmem>> -> memref<125xi32, #tpu.memory_space<vmem>>
        %dma_wait3A_119 = arith.constant 0 : i32
        %dma_wait3A_120 = arith.constant 0 : i32
        %dma_wait3A_121 = tpu.memref_slice %arg6[%dma_wait3A_119, %dma_wait3A_120] : memref<10240x128xf32, #tpu.memory_space<vmem_shared>> -> memref<10240x128xf32, #tpu.memory_space<vmem_shared>>
        tpu.wait_indirect_dma semaphore(%run_scoped3A : memref<!tpu.dma_semaphore, #tpu.memory_space<semaphore_mem>>) src(%arg10 : memref<125x128xf32, #tpu.memory_space<vmem>>) dst(%dma_wait3A_121 : memref<10240x128xf32, #tpu.memory_space<vmem_shared>>)
        tpu.yield
      }) : () -> ()
      %scan3A_109 = arith.constant 0 : i32
      scf.yield %scan3A_109 : i32
    }
    %scan3A_53 = arith.constant 20 : i32
    %dma_wait3A_54 = arith.constant 0 : i32
    %dma_wait3A_55 = arith.constant 0 : i32
    %dma_wait3A_56 = tpu.memref_slice %arg7[%dma_wait3A_54, %dma_wait3A_55] : memref<40x125xi32, #tpu.memory_space<vmem>> -> memref<1x125xi32, #tpu.memory_space<vmem>>
    %dma_wait3A_57 = tpu.memref_squeeze %dma_wait3A_56 : memref<1x125xi32, #tpu.memory_space<vmem>> -> memref<125xi32, #tpu.memory_space<vmem>>
    %dma_wait3A_58 = arith.constant 0 : i32
    %dma_wait3A_59 = arith.constant 0 : i32
    %dma_wait3A_60 = tpu.memref_slice %arg4[%dma_wait3A_58, %dma_wait3A_59] : memref<10240x128xf32, #tpu.memory_space<hbm>> -> memref<10240x128xf32, #tpu.memory_space<hbm>>
    tpu.wait_indirect_dma semaphore(%arg11 : memref<!tpu.dma_semaphore, #tpu.memory_space<semaphore_mem>>) src(%dma_wait3A_60 : memref<10240x128xf32, #tpu.memory_space<hbm>>) dst(%arg9 : memref<125x128xf32, #tpu.memory_space<vmem>>)
    %barrier3A_61 = arith.constant 0 : index
    tpu.barrier barrier_id(%barrier3A_61)
    %scan3A_62 = arith.constant 0 : i32
    %scan3A_63 = arith.constant 0 : i32
    %scan3A_64 = arith.constant 10 : i32
    %scan3A_65 = arith.addi %scan3A_63, %scan3A_64 : i32
    %scan3A_66 = arith.constant 1 : i32
    %scan3A_67 = scf.for %scan3A_76 = %scan3A_63 to %scan3A_65 step %scan3A_66 iter_args(%scan3A_77 = %scan3A_62) -> (i32)  : i32 {
      %mul3A_78 = arith.constant 640 : i32
      %mul3A_79 = arith.muli %arg1, %mul3A_78 : i32
      %mul3A_80 = arith.constant 64 : i32
      %mul3A_81 = arith.muli %scan3A_76, %mul3A_80 : i32
      %add3A_82 = arith.addi %mul3A_79, %mul3A_81 : i32
      %dma_start3A_83 = arith.constant 0 : i32
      %dma_start3A_84 = tpu.memref_slice %arg5[%arg0, %add3A_82, %dma_start3A_83] : memref<2x10240x128xf32, #tpu.memory_space<hbm>> -> memref<1x64x128xf32, #tpu.memory_space<hbm>>
      %dma_start3A_85 = tpu.memref_squeeze %dma_start3A_84 : memref<1x64x128xf32, #tpu.memory_space<hbm>> -> memref<64x128xf32, #tpu.memory_space<hbm>>
      %dma_start3A_86 = arith.constant 0 : i32
      %dma_start3A_87 = tpu.memref_slice %arg6[%add3A_82, %dma_start3A_86] : memref<10240x128xf32, #tpu.memory_space<vmem_shared>> -> memref<64x128xf32, #tpu.memory_space<vmem_shared>>
      tpu.enqueue_dma source(%dma_start3A_87 : memref<64x128xf32, #tpu.memory_space<vmem_shared>>) target(%dma_start3A_85 : memref<64x128xf32, #tpu.memory_space<hbm>>) target_semaphore(%arg11 : memref<!tpu.dma_semaphore, #tpu.memory_space<semaphore_mem>>)
      %scan3A_88 = arith.constant 0 : i32
      scf.yield %scan3A_88 : i32
    }
    %scan3A_68 = arith.constant 10 : i32
    %scan3A_69 = arith.constant 0 : i32
    %scan3A_70 = arith.constant 0 : i32
    %scan3A_71 = arith.constant 10 : i32
    %scan3A_72 = arith.addi %scan3A_70, %scan3A_71 : i32
    %scan3A_73 = arith.constant 1 : i32
    %scan3A_74 = scf.for %scan3A_76 = %scan3A_70 to %scan3A_72 step %scan3A_73 iter_args(%scan3A_77 = %scan3A_69) -> (i32)  : i32 {
      %mul3A_78 = arith.constant 640 : i32
      %mul3A_79 = arith.muli %arg1, %mul3A_78 : i32
      %dma_wait3A_80 = arith.constant 0 : i32
      %dma_wait3A_81 = tpu.memref_slice %arg5[%arg0, %mul3A_79, %dma_wait3A_80] : memref<2x10240x128xf32, #tpu.memory_space<hbm>> -> memref<1x64x128xf32, #tpu.memory_space<hbm>>
      %dma_wait3A_82 = tpu.memref_squeeze %dma_wait3A_81 : memref<1x64x128xf32, #tpu.memory_space<hbm>> -> memref<64x128xf32, #tpu.memory_space<hbm>>
      %dma_wait3A_83 = arith.constant 0 : i32
      %dma_wait3A_84 = tpu.memref_slice %arg6[%mul3A_79, %dma_wait3A_83] : memref<10240x128xf32, #tpu.memory_space<vmem_shared>> -> memref<64x128xf32, #tpu.memory_space<vmem_shared>>
      tpu.wait_dma2 semaphore(%arg11 : memref<!tpu.dma_semaphore, #tpu.memory_space<semaphore_mem>>) src(%dma_wait3A_84 : memref<64x128xf32, #tpu.memory_space<vmem_shared>>) dst(%dma_wait3A_82 : memref<64x128xf32, #tpu.memory_space<hbm>>)
      %scan3A_85 = arith.constant 0 : i32
      scf.yield %scan3A_85 : i32
    }
    %scan3A_75 = arith.constant 10 : i32
    return
  }
}

#map = affine_map<(d0, d1) -> (0, 0, 0)>
#map1 = affine_map<(d0, d1) -> (0, 0)>
module attributes {stable_mosaic.version = 14 : i64} {
  func.func @_sc_segsum_body(%arg0: i32, %arg1: i32, %arg2: memref<32x80x125xi32, #tpu.memory_space<hbm>>, %arg3: memref<32x80x125xi32, #tpu.memory_space<hbm>>, %arg4: memref<10240x128xf32, #tpu.memory_space<hbm>>, %arg5: memref<2x10240x128xf32, #tpu.memory_space<hbm>>, %arg6: memref<10240x128xf32, #tpu.memory_space<vmem_shared>>, %arg7: memref<40x125xi32, #tpu.memory_space<vmem>>, %arg8: memref<40x125xi32, #tpu.memory_space<vmem>>, %arg9: memref<125x128xf32, #tpu.memory_space<vmem>>, %arg10: memref<125x128xf32, #tpu.memory_space<vmem>>, %arg11: memref<!tpu.dma_semaphore, #tpu.memory_space<semaphore_mem>>, %arg12: memref<!tpu.dma_semaphore, #tpu.memory_space<semaphore_mem>>) attributes {dimension_semantics = [#tpu.dimension_semantics<core_parallel>, #tpu.dimension_semantics<subcore_parallel>], iteration_bounds = array<i64: 2, 16>, scalar_prefetch = 0 : i64, scratch_operands = 7 : i64, tpu.core_type = #tpu.core_type<sc_vector_subcore>, window_params = [{transform_indices = #map}, {transform_indices = #map}, {transform_indices = #map1}, {transform_indices = #map}]} {
    %mul3A = arith.constant 2 : i32
    %mul3A_0 = arith.muli %arg1, %mul3A : i32
    %add3A = arith.addi %mul3A_0, %arg0 : i32
    %scan3A = arith.constant 0 : i32
    %scan3A_1 = arith.constant 0 : i32
    %scan3A_2 = arith.constant 16 : i32
    %scan3A_3 = arith.addi %scan3A_1, %scan3A_2 : i32
    %scan3A_4 = arith.constant 1 : i32
    %scan3A_5 = scf.for %scan3A_76 = %scan3A_1 to %scan3A_3 step %scan3A_4 iter_args(%scan3A_77 = %scan3A) -> (i32)  : i32 {
      %broadcast_in_dim3A = arith.constant 0.000000e+00 : f32
      %broadcast_in_dim3A_78 = vector.broadcast %broadcast_in_dim3A : f32 to vector<16xf32>
      %swap3A = arith.index_cast %scan3A_76 : i32 to index
      %swap3A_79 = arith.constant 0 : index
      %swap3A_80 = tpu.vector_load %arg9[%swap3A, %swap3A_79] {strides = array<i32>} : memref<125x128xf32, #tpu.memory_space<vmem>>, vector<1x16xf32>,
      %swap3A_81 = vector.shape_cast %swap3A_80 : vector<1x16xf32> to vector<16xf32>
      %swap3A_82 = vector.shape_cast %broadcast_in_dim3A_78 : vector<16xf32> to vector<1x16xf32>
      tpu.vector_store %arg9[%swap3A, %swap3A_79], %swap3A_82 {strides = array<i32>} : memref<125x128xf32, #tpu.memory_space<vmem>>, vector<1x16xf32>,
      %broadcast_in_dim3A_83 = arith.constant 0.000000e+00 : f32
      %broadcast_in_dim3A_84 = vector.broadcast %broadcast_in_dim3A_83 : f32 to vector<16xf32>
      %swap3A_85 = arith.index_cast %scan3A_76 : i32 to index
      %swap3A_86 = arith.constant 16 : index
      %swap3A_87 = tpu.vector_load %arg9[%swap3A_85, %swap3A_86] {strides = array<i32>} : memref<125x128xf32, #tpu.memory_space<vmem>>, vector<1x16xf32>,
      %swap3A_88 = vector.shape_cast %swap3A_87 : vector<1x16xf32> to vector<16xf32>
      %swap3A_89 = vector.shape_cast %broadcast_in_dim3A_84 : vector<16xf32> to vector<1x16xf32>
      tpu.vector_store %arg9[%swap3A_85, %swap3A_86], %swap3A_89 {strides = array<i32>} : memref<125x128xf32, #tpu.memory_space<vmem>>, vector<1x16xf32>,
      %broadcast_in_dim3A_90 = arith.constant 0.000000e+00 : f32
      %broadcast_in_dim3A_91 = vector.broadcast %broadcast_in_dim3A_90 : f32 to vector<16xf32>
      %swap3A_92 = arith.index_cast %scan3A_76 : i32 to index
      %swap3A_93 = arith.constant 32 : index
      %swap3A_94 = tpu.vector_load %arg9[%swap3A_92, %swap3A_93] {strides = array<i32>} : memref<125x128xf32, #tpu.memory_space<vmem>>, vector<1x16xf32>,
      %swap3A_95 = vector.shape_cast %swap3A_94 : vector<1x16xf32> to vector<16xf32>
      %swap3A_96 = vector.shape_cast %broadcast_in_dim3A_91 : vector<16xf32> to vector<1x16xf32>
      tpu.vector_store %arg9[%swap3A_92, %swap3A_93], %swap3A_96 {strides = array<i32>} : memref<125x128xf32, #tpu.memory_space<vmem>>, vector<1x16xf32>,
      %broadcast_in_dim3A_97 = arith.constant 0.000000e+00 : f32
      %broadcast_in_dim3A_98 = vector.broadcast %broadcast_in_dim3A_97 : f32 to vector<16xf32>
      %swap3A_99 = arith.index_cast %scan3A_76 : i32 to index
      %swap3A_100 = arith.constant 48 : index
      %swap3A_101 = tpu.vector_load %arg9[%swap3A_99, %swap3A_100] {strides = array<i32>} : memref<125x128xf32, #tpu.memory_space<vmem>>, vector<1x16xf32>,
      %swap3A_102 = vector.shape_cast %swap3A_101 : vector<1x16xf32> to vector<16xf32>
      %swap3A_103 = vector.shape_cast %broadcast_in_dim3A_98 : vector<16xf32> to vector<1x16xf32>
      tpu.vector_store %arg9[%swap3A_99, %swap3A_100], %swap3A_103 {strides = array<i32>} : memref<125x128xf32, #tpu.memory_space<vmem>>, vector<1x16xf32>,
      %broadcast_in_dim3A_104 = arith.constant 0.000000e+00 : f32
      %broadcast_in_dim3A_105 = vector.broadcast %broadcast_in_dim3A_104 : f32 to vector<16xf32>
      %swap3A_106 = arith.index_cast %scan3A_76 : i32 to index
      %swap3A_107 = arith.constant 64 : index
      %swap3A_108 = tpu.vector_load %arg9[%swap3A_106, %swap3A_107] {strides = array<i32>} : memref<125x128xf32, #tpu.memory_space<vmem>>, vector<1x16xf32>,
      %swap3A_109 = vector.shape_cast %swap3A_108 : vector<1x16xf32> to vector<16xf32>
      %swap3A_110 = vector.shape_cast %broadcast_in_dim3A_105 : vector<16xf32> to vector<1x16xf32>
      tpu.vector_store %arg9[%swap3A_106, %swap3A_107], %swap3A_110 {strides = array<i32>} : memref<125x128xf32, #tpu.memory_space<vmem>>, vector<1x16xf32>,
      %broadcast_in_dim3A_111 = arith.constant 0.000000e+00 : f32
      %broadcast_in_dim3A_112 = vector.broadcast %broadcast_in_dim3A_111 : f32 to vector<16xf32>
      %swap3A_113 = arith.index_cast %scan3A_76 : i32 to index
      %swap3A_114 = arith.constant 80 : index
      %swap3A_115 = tpu.vector_load %arg9[%swap3A_113, %swap3A_114] {strides = array<i32>} : memref<125x128xf32, #tpu.memory_space<vmem>>, vector<1x16xf32>,
      %swap3A_116 = vector.shape_cast %swap3A_115 : vector<1x16xf32> to vector<16xf32>
      %swap3A_117 = vector.shape_cast %broadcast_in_dim3A_112 : vector<16xf32> to vector<1x16xf32>
      tpu.vector_store %arg9[%swap3A_113, %swap3A_114], %swap3A_117 {strides = array<i32>} : memref<125x128xf32, #tpu.memory_space<vmem>>, vector<1x16xf32>,
      %broadcast_in_dim3A_118 = arith.constant 0.000000e+00 : f32
      %broadcast_in_dim3A_119 = vector.broadcast %broadcast_in_dim3A_118 : f32 to vector<16xf32>
      %swap3A_120 = arith.index_cast %scan3A_76 : i32 to index
      %swap3A_121 = arith.constant 96 : index
      %swap3A_122 = tpu.vector_load %arg9[%swap3A_120, %swap3A_121] {strides = array<i32>} : memref<125x128xf32, #tpu.memory_space<vmem>>, vector<1x16xf32>,
      %swap3A_123 = vector.shape_cast %swap3A_122 : vector<1x16xf32> to vector<16xf32>
      %swap3A_124 = vector.shape_cast %broadcast_in_dim3A_119 : vector<16xf32> to vector<1x16xf32>
      tpu.vector_store %arg9[%swap3A_120, %swap3A_121], %swap3A_124 {strides = array<i32>} : memref<125x128xf32, #tpu.memory_space<vmem>>, vector<1x16xf32>,
      %broadcast_in_dim3A_125 = arith.constant 0.000000e+00 : f32
      %broadcast_in_dim3A_126 = vector.broadcast %broadcast_in_dim3A_125 : f32 to vector<16xf32>
      %swap3A_127 = arith.index_cast %scan3A_76 : i32 to index
      %swap3A_128 = arith.constant 112 : index
      %swap3A_129 = tpu.vector_load %arg9[%swap3A_127, %swap3A_128] {strides = array<i32>} : memref<125x128xf32, #tpu.memory_space<vmem>>, vector<1x16xf32>,
      %swap3A_130 = vector.shape_cast %swap3A_129 : vector<1x16xf32> to vector<16xf32>
      %swap3A_131 = vector.shape_cast %broadcast_in_dim3A_126 : vector<16xf32> to vector<1x16xf32>
      tpu.vector_store %arg9[%swap3A_127, %swap3A_128], %swap3A_131 {strides = array<i32>} : memref<125x128xf32, #tpu.memory_space<vmem>>, vector<1x16xf32>,
      %scan3A_132 = arith.constant 0 : i32
      scf.yield %scan3A_132 : i32
    }
    %scan3A_6 = arith.constant 16 : i32
    %scan3A_7 = arith.constant 0 : i32
    %scan3A_8 = arith.constant 0 : i32
    %scan3A_9 = arith.constant 40 : i32
    %scan3A_10 = arith.addi %scan3A_8, %scan3A_9 : i32
    %scan3A_11 = arith.constant 1 : i32
    %scan3A_12 = scf.for %scan3A_76 = %scan3A_8 to %scan3A_10 step %scan3A_11 iter_args(%scan3A_77 = %scan3A_7) -> (i32)  : i32 {
      %mul3A_78 = arith.constant 640 : i32
      %mul3A_79 = arith.muli %arg1, %mul3A_78 : i32
      %mul3A_80 = arith.constant 16 : i32
      %mul3A_81 = arith.muli %scan3A_76, %mul3A_80 : i32
      %add3A_82 = arith.addi %mul3A_79, %mul3A_81 : i32
      %dma_start3A_83 = arith.constant 0 : i32
      %dma_start3A_84 = arith.constant 0 : i32
      %dma_start3A_85 = tpu.memref_slice %arg9[%dma_start3A_83, %dma_start3A_84] : memref<125x128xf32, #tpu.memory_space<vmem>> -> memref<16x128xf32, #tpu.memory_space<vmem>>
      %dma_start3A_86 = arith.constant 0 : i32
      %dma_start3A_87 = tpu.memref_slice %arg6[%add3A_82, %dma_start3A_86] : memref<10240x128xf32, #tpu.memory_space<vmem_shared>> -> memref<16x128xf32, #tpu.memory_space<vmem_shared>>
      %dma_start3A_88 = arith.constant 0 : i32
      %dma_start3A_89 = tpu.memref_slice %arg6[%add3A_82, %dma_start3A_88] : memref<10240x128xf32, #tpu.memory_space<vmem_shared>> -> memref<16x128xf32, #tpu.memory_space<vmem_shared>>
      %dma_start3A_90 = arith.constant 0 : i32
      %dma_start3A_91 = arith.constant 0 : i32
      %dma_start3A_92 = tpu.memref_slice %arg9[%dma_start3A_90, %dma_start3A_91] : memref<125x128xf32, #tpu.memory_space<vmem>> -> memref<16x128xf32, #tpu.memory_space<vmem>>
      tpu.enqueue_dma source(%dma_start3A_92 : memref<16x128xf32, #tpu.memory_space<vmem>>) target(%dma_start3A_89 : memref<16x128xf32, #tpu.memory_space<vmem_shared>>) target_semaphore(%arg11 : memref<!tpu.dma_semaphore, #tpu.memory_space<semaphore_mem>>)
      %scan3A_93 = arith.constant 0 : i32
      scf.yield %scan3A_93 : i32
    }
    %scan3A_13 = arith.constant 40 : i32
    %scan3A_14 = arith.constant 0 : i32
    %scan3A_15 = arith.constant 0 : i32
    %scan3A_16 = arith.constant 40 : i32
    %scan3A_17 = arith.addi %scan3A_15, %scan3A_16 : i32
    %scan3A_18 = arith.constant 1 : i32
    %scan3A_19 = scf.for %scan3A_76 = %scan3A_15 to %scan3A_17 step %scan3A_18 iter_args(%scan3A_77 = %scan3A_14) -> (i32)  : i32 {
      %mul3A_78 = arith.constant 640 : i32
      %mul3A_79 = arith.muli %arg1, %mul3A_78 : i32
      %dma_wait3A_80 = arith.constant 0 : i32
      %dma_wait3A_81 = arith.constant 0 : i32
      %dma_wait3A_82 = tpu.memref_slice %arg9[%dma_wait3A_80, %dma_wait3A_81] : memref<125x128xf32, #tpu.memory_space<vmem>> -> memref<16x128xf32, #tpu.memory_space<vmem>>
      %dma_wait3A_83 = arith.constant 0 : i32
      %dma_wait3A_84 = tpu.memref_slice %arg6[%mul3A_79, %dma_wait3A_83] : memref<10240x128xf32, #tpu.memory_space<vmem_shared>> -> memref<16x128xf32, #tpu.memory_space<vmem_shared>>
      %dma_wait3A_85 = arith.constant 0 : i32
      %dma_wait3A_86 = tpu.memref_slice %arg6[%mul3A_79, %dma_wait3A_85] : memref<10240x128xf32, #tpu.memory_space<vmem_shared>> -> memref<16x128xf32, #tpu.memory_space<vmem_shared>>
      %dma_wait3A_87 = arith.constant 0 : i32
      %dma_wait3A_88 = arith.constant 0 : i32
      %dma_wait3A_89 = tpu.memref_slice %arg9[%dma_wait3A_87, %dma_wait3A_88] : memref<125x128xf32, #tpu.memory_space<vmem>> -> memref<16x128xf32, #tpu.memory_space<vmem>>
      tpu.wait_dma2 semaphore(%arg11 : memref<!tpu.dma_semaphore, #tpu.memory_space<semaphore_mem>>) src(%dma_wait3A_89 : memref<16x128xf32, #tpu.memory_space<vmem>>) dst(%dma_wait3A_86 : memref<16x128xf32, #tpu.memory_space<vmem_shared>>)
      %scan3A_90 = arith.constant 0 : i32
      scf.yield %scan3A_90 : i32
    }
    %scan3A_20 = arith.constant 40 : i32
    %barrier3A = arith.constant 0 : index
    tpu.barrier barrier_id(%barrier3A)
    "tpu.region"() ({
      %run_scoped3A = tpu.sem_alloc : memref<!tpu.dma_semaphore, #tpu.memory_space<semaphore_mem>>
      %dma_start3A_76 = arith.constant 0 : i32
      %dma_start3A_77 = arith.constant 0 : i32
      %dma_start3A_78 = tpu.memref_slice %arg2[%add3A, %dma_start3A_76, %dma_start3A_77] : memref<32x80x125xi32, #tpu.memory_space<hbm>> -> memref<1x40x125xi32, #tpu.memory_space<hbm>>
      %dma_start3A_79 = tpu.memref_squeeze %dma_start3A_78 : memref<1x40x125xi32, #tpu.memory_space<hbm>> -> memref<40x125xi32, #tpu.memory_space<hbm>>
      %dma_start3A_80 = arith.constant 0 : i32
      %dma_start3A_81 = arith.constant 0 : i32
      %dma_start3A_82 = tpu.memref_slice %arg2[%add3A, %dma_start3A_80, %dma_start3A_81] : memref<32x80x125xi32, #tpu.memory_space<hbm>> -> memref<1x40x125xi32, #tpu.memory_space<hbm>>
      %dma_start3A_83 = tpu.memref_squeeze %dma_start3A_82 : memref<1x40x125xi32, #tpu.memory_space<hbm>> -> memref<40x125xi32, #tpu.memory_space<hbm>>
      tpu.enqueue_dma source(%dma_start3A_83 : memref<40x125xi32, #tpu.memory_space<hbm>>) target(%arg7 : memref<40x125xi32, #tpu.memory_space<vmem>>) target_semaphore(%run_scoped3A : memref<!tpu.dma_semaphore, #tpu.memory_space<semaphore_mem>>)
      %dma_wait3A_84 = arith.constant 0 : i32
      %dma_wait3A_85 = arith.constant 0 : i32
      %dma_wait3A_86 = tpu.memref_slice %arg2[%add3A, %dma_wait3A_84, %dma_wait3A_85] : memref<32x80x125xi32, #tpu.memory_space<hbm>> -> memref<1x40x125xi32, #tpu.memory_space<hbm>>
      %dma_wait3A_87 = tpu.memref_squeeze %dma_wait3A_86 : memref<1x40x125xi32, #tpu.memory_space<hbm>> -> memref<40x125xi32, #tpu.memory_space<hbm>>
      %dma_wait3A_88 = arith.constant 0 : i32
      %dma_wait3A_89 = arith.constant 0 : i32
      %dma_wait3A_90 = tpu.memref_slice %arg2[%add3A, %dma_wait3A_88, %dma_wait3A_89] : memref<32x80x125xi32, #tpu.memory_space<hbm>> -> memref<1x40x125xi32, #tpu.memory_space<hbm>>
      %dma_wait3A_91 = tpu.memref_squeeze %dma_wait3A_90 : memref<1x40x125xi32, #tpu.memory_space<hbm>> -> memref<40x125xi32, #tpu.memory_space<hbm>>
      tpu.wait_dma2 semaphore(%run_scoped3A : memref<!tpu.dma_semaphore, #tpu.memory_space<semaphore_mem>>) src(%dma_wait3A_91 : memref<40x125xi32, #tpu.memory_space<hbm>>) dst(%arg7 : memref<40x125xi32, #tpu.memory_space<vmem>>)
      tpu.yield
    }) : () -> ()
    "tpu.region"() ({
      %run_scoped3A = tpu.sem_alloc : memref<!tpu.dma_semaphore, #tpu.memory_space<semaphore_mem>>
      %dma_start3A_76 = arith.constant 0 : i32
      %dma_start3A_77 = arith.constant 0 : i32
      %dma_start3A_78 = tpu.memref_slice %arg3[%add3A, %dma_start3A_76, %dma_start3A_77] : memref<32x80x125xi32, #tpu.memory_space<hbm>> -> memref<1x40x125xi32, #tpu.memory_space<hbm>>
      %dma_start3A_79 = tpu.memref_squeeze %dma_start3A_78 : memref<1x40x125xi32, #tpu.memory_space<hbm>> -> memref<40x125xi32, #tpu.memory_space<hbm>>
      %dma_start3A_80 = arith.constant 0 : i32
      %dma_start3A_81 = arith.constant 0 : i32
      %dma_start3A_82 = tpu.memref_slice %arg3[%add3A, %dma_start3A_80, %dma_start3A_81] : memref<32x80x125xi32, #tpu.memory_space<hbm>> -> memref<1x40x125xi32, #tpu.memory_space<hbm>>
      %dma_start3A_83 = tpu.memref_squeeze %dma_start3A_82 : memref<1x40x125xi32, #tpu.memory_space<hbm>> -> memref<40x125xi32, #tpu.memory_space<hbm>>
      tpu.enqueue_dma source(%dma_start3A_83 : memref<40x125xi32, #tpu.memory_space<hbm>>) target(%arg8 : memref<40x125xi32, #tpu.memory_space<vmem>>) target_semaphore(%run_scoped3A : memref<!tpu.dma_semaphore, #tpu.memory_space<semaphore_mem>>)
      %dma_wait3A_84 = arith.constant 0 : i32
      %dma_wait3A_85 = arith.constant 0 : i32
      %dma_wait3A_86 = tpu.memref_slice %arg3[%add3A, %dma_wait3A_84, %dma_wait3A_85] : memref<32x80x125xi32, #tpu.memory_space<hbm>> -> memref<1x40x125xi32, #tpu.memory_space<hbm>>
      %dma_wait3A_87 = tpu.memref_squeeze %dma_wait3A_86 : memref<1x40x125xi32, #tpu.memory_space<hbm>> -> memref<40x125xi32, #tpu.memory_space<hbm>>
      %dma_wait3A_88 = arith.constant 0 : i32
      %dma_wait3A_89 = arith.constant 0 : i32
      %dma_wait3A_90 = tpu.memref_slice %arg3[%add3A, %dma_wait3A_88, %dma_wait3A_89] : memref<32x80x125xi32, #tpu.memory_space<hbm>> -> memref<1x40x125xi32, #tpu.memory_space<hbm>>
      %dma_wait3A_91 = tpu.memref_squeeze %dma_wait3A_90 : memref<1x40x125xi32, #tpu.memory_space<hbm>> -> memref<40x125xi32, #tpu.memory_space<hbm>>
      tpu.wait_dma2 semaphore(%run_scoped3A : memref<!tpu.dma_semaphore, #tpu.memory_space<semaphore_mem>>) src(%dma_wait3A_91 : memref<40x125xi32, #tpu.memory_space<hbm>>) dst(%arg8 : memref<40x125xi32, #tpu.memory_space<vmem>>)
      tpu.yield
    }) : () -> ()
    %dma_start3A = arith.constant 0 : i32
    %dma_start3A_21 = arith.constant 0 : i32
    %dma_start3A_22 = tpu.memref_slice %arg7[%dma_start3A, %dma_start3A_21] : memref<40x125xi32, #tpu.memory_space<vmem>> -> memref<1x125xi32, #tpu.memory_space<vmem>>
    %dma_start3A_23 = tpu.memref_squeeze %dma_start3A_22 : memref<1x125xi32, #tpu.memory_space<vmem>> -> memref<125xi32, #tpu.memory_space<vmem>>
    %dma_start3A_24 = arith.constant 0 : i32
    %dma_start3A_25 = arith.constant 0 : i32
    %dma_start3A_26 = tpu.memref_slice %arg4[%dma_start3A_24, %dma_start3A_25] : memref<10240x128xf32, #tpu.memory_space<hbm>> -> memref<10240x128xf32, #tpu.memory_space<hbm>>
    tpu.enqueue_indirect_dma source(%dma_start3A_26 : memref<10240x128xf32, #tpu.memory_space<hbm>>) target(%arg9 : memref<125x128xf32, #tpu.memory_space<vmem>>) offsets(%dma_start3A_23 : memref<125xi32, #tpu.memory_space<vmem>>) semaphore(%arg11 : memref<!tpu.dma_semaphore, #tpu.memory_space<semaphore_mem>>)
    %scan3A_27 = arith.constant 0 : i32
    %scan3A_28 = arith.constant 0 : i32
    %scan3A_29 = arith.constant 20 : i32
    %scan3A_30 = arith.addi %scan3A_28, %scan3A_29 : i32
    %scan3A_31 = arith.constant 1 : i32
    %scan3A_32 = scf.for %scan3A_76 = %scan3A_28 to %scan3A_30 step %scan3A_31 iter_args(%scan3A_77 = %scan3A_27) -> (i32)  : i32 {
      %mul3A_78 = arith.constant 2 : i32
      %mul3A_79 = arith.muli %mul3A_78, %scan3A_76 : i32
      %add3A_80 = arith.constant 1 : i32
      %add3A_81 = arith.addi %mul3A_79, %add3A_80 : i32
      %add3A_82 = arith.constant 2 : i32
      %add3A_83 = arith.addi %mul3A_79, %add3A_82 : i32
      %rem3A = arith.constant 40 : i32
      %rem3A_84 = arith.remsi %add3A_83, %rem3A : i32
      %dma_wait3A_85 = arith.constant 0 : i32
      %dma_wait3A_86 = tpu.memref_slice %arg7[%mul3A_79, %dma_wait3A_85] : memref<40x125xi32, #tpu.memory_space<vmem>> -> memref<1x125xi32, #tpu.memory_space<vmem>>
      %dma_wait3A_87 = tpu.memref_squeeze %dma_wait3A_86 : memref<1x125xi32, #tpu.memory_space<vmem>> -> memref<125xi32, #tpu.memory_space<vmem>>
      %dma_wait3A_88 = arith.constant 0 : i32
      %dma_wait3A_89 = arith.constant 0 : i32
      %dma_wait3A_90 = tpu.memref_slice %arg4[%dma_wait3A_88, %dma_wait3A_89] : memref<10240x128xf32, #tpu.memory_space<hbm>> -> memref<10240x128xf32, #tpu.memory_space<hbm>>
      tpu.wait_indirect_dma semaphore(%arg11 : memref<!tpu.dma_semaphore, #tpu.memory_space<semaphore_mem>>) src(%dma_wait3A_90 : memref<10240x128xf32, #tpu.memory_space<hbm>>) dst(%arg9 : memref<125x128xf32, #tpu.memory_space<vmem>>)
      %dma_start3A_91 = arith.constant 0 : i32
      %dma_start3A_92 = tpu.memref_slice %arg7[%add3A_81, %dma_start3A_91] : memref<40x125xi32, #tpu.memory_space<vmem>> -> memref<1x125xi32, #tpu.memory_space<vmem>>
      %dma_start3A_93 = tpu.memref_squeeze %dma_start3A_92 : memref<1x125xi32, #tpu.memory_space<vmem>> -> memref<125xi32, #tpu.memory_space<vmem>>
      %dma_start3A_94 = arith.constant 0 : i32
      %dma_start3A_95 = arith.constant 0 : i32
      %dma_start3A_96 = tpu.memref_slice %arg4[%dma_start3A_94, %dma_start3A_95] : memref<10240x128xf32, #tpu.memory_space<hbm>> -> memref<10240x128xf32, #tpu.memory_space<hbm>>
      tpu.enqueue_indirect_dma source(%dma_start3A_96 : memref<10240x128xf32, #tpu.memory_space<hbm>>) target(%arg10 : memref<125x128xf32, #tpu.memory_space<vmem>>) offsets(%dma_start3A_93 : memref<125xi32, #tpu.memory_space<vmem>>) semaphore(%arg12 : memref<!tpu.dma_semaphore, #tpu.memory_space<semaphore_mem>>)
      "tpu.region"() ({
        %run_scoped3A = tpu.sem_alloc : memref<!tpu.dma_semaphore, #tpu.memory_space<semaphore_mem>>
        %dma_start3A_110 = arith.constant 0 : i32
        %dma_start3A_111 = tpu.memref_slice %arg8[%mul3A_79, %dma_start3A_110] : memref<40x125xi32, #tpu.memory_space<vmem>> -> memref<1x125xi32, #tpu.memory_space<vmem>>
        %dma_start3A_112 = tpu.memref_squeeze %dma_start3A_111 : memref<1x125xi32, #tpu.memory_space<vmem>> -> memref<125xi32, #tpu.memory_space<vmem>>
        %dma_start3A_113 = arith.constant 0 : i32
        %dma_start3A_114 = arith.constant 0 : i32
        %dma_start3A_115 = tpu.memref_slice %arg6[%dma_start3A_113, %dma_start3A_114] : memref<10240x128xf32, #tpu.memory_space<vmem_shared>> -> memref<10240x128xf32, #tpu.memory_space<vmem_shared>>
        tpu.enqueue_indirect_dma source(%arg9 : memref<125x128xf32, #tpu.memory_space<vmem>>) target(%dma_start3A_115 : memref<10240x128xf32, #tpu.memory_space<vmem_shared>>) offsets(%dma_start3A_112 : memref<125xi32, #tpu.memory_space<vmem>>) semaphore(%run_scoped3A : memref<!tpu.dma_semaphore, #tpu.memory_space<semaphore_mem>>) {add = true}
        %dma_wait3A_116 = arith.constant 0 : i32
        %dma_wait3A_117 = tpu.memref_slice %arg8[%mul3A_79, %dma_wait3A_116] : memref<40x125xi32, #tpu.memory_space<vmem>> -> memref<1x125xi32, #tpu.memory_space<vmem>>
        %dma_wait3A_118 = tpu.memref_squeeze %dma_wait3A_117 : memref<1x125xi32, #tpu.memory_space<vmem>> -> memref<125xi32, #tpu.memory_space<vmem>>
        %dma_wait3A_119 = arith.constant 0 : i32
        %dma_wait3A_120 = arith.constant 0 : i32
        %dma_wait3A_121 = tpu.memref_slice %arg6[%dma_wait3A_119, %dma_wait3A_120] : memref<10240x128xf32, #tpu.memory_space<vmem_shared>> -> memref<10240x128xf32, #tpu.memory_space<vmem_shared>>
        tpu.wait_indirect_dma semaphore(%run_scoped3A : memref<!tpu.dma_semaphore, #tpu.memory_space<semaphore_mem>>) src(%arg9 : memref<125x128xf32, #tpu.memory_space<vmem>>) dst(%dma_wait3A_121 : memref<10240x128xf32, #tpu.memory_space<vmem_shared>>)
        tpu.yield
      }) : () -> ()
      %dma_wait3A_97 = arith.constant 0 : i32
      %dma_wait3A_98 = tpu.memref_slice %arg7[%add3A_81, %dma_wait3A_97] : memref<40x125xi32, #tpu.memory_space<vmem>> -> memref<1x125xi32, #tpu.memory_space<vmem>>
      %dma_wait3A_99 = tpu.memref_squeeze %dma_wait3A_98 : memref<1x125xi32, #tpu.memory_space<vmem>> -> memref<125xi32, #tpu.memory_space<vmem>>
      %dma_wait3A_100 = arith.constant 0 : i32
      %dma_wait3A_101 = arith.constant 0 : i32
      %dma_wait3A_102 = tpu.memref_slice %arg4[%dma_wait3A_100, %dma_wait3A_101] : memref<10240x128xf32, #tpu.memory_space<hbm>> -> memref<10240x128xf32, #tpu.memory_space<hbm>>
      tpu.wait_indirect_dma semaphore(%arg12 : memref<!tpu.dma_semaphore, #tpu.memory_space<semaphore_mem>>) src(%dma_wait3A_102 : memref<10240x128xf32, #tpu.memory_space<hbm>>) dst(%arg10 : memref<125x128xf32, #tpu.memory_space<vmem>>)
      %dma_start3A_103 = arith.constant 0 : i32
      %dma_start3A_104 = tpu.memref_slice %arg7[%rem3A_84, %dma_start3A_103] : memref<40x125xi32, #tpu.memory_space<vmem>> -> memref<1x125xi32, #tpu.memory_space<vmem>>
      %dma_start3A_105 = tpu.memref_squeeze %dma_start3A_104 : memref<1x125xi32, #tpu.memory_space<vmem>> -> memref<125xi32, #tpu.memory_space<vmem>>
      %dma_start3A_106 = arith.constant 0 : i32
      %dma_start3A_107 = arith.constant 0 : i32
      %dma_start3A_108 = tpu.memref_slice %arg4[%dma_start3A_106, %dma_start3A_107] : memref<10240x128xf32, #tpu.memory_space<hbm>> -> memref<10240x128xf32, #tpu.memory_space<hbm>>
      tpu.enqueue_indirect_dma source(%dma_start3A_108 : memref<10240x128xf32, #tpu.memory_space<hbm>>) target(%arg9 : memref<125x128xf32, #tpu.memory_space<vmem>>) offsets(%dma_start3A_105 : memref<125xi32, #tpu.memory_space<vmem>>) semaphore(%arg11 : memref<!tpu.dma_semaphore, #tpu.memory_space<semaphore_mem>>)
      "tpu.region"() ({
        %run_scoped3A = tpu.sem_alloc : memref<!tpu.dma_semaphore, #tpu.memory_space<semaphore_mem>>
        %dma_start3A_110 = arith.constant 0 : i32
        %dma_start3A_111 = tpu.memref_slice %arg8[%add3A_81, %dma_start3A_110] : memref<40x125xi32, #tpu.memory_space<vmem>> -> memref<1x125xi32, #tpu.memory_space<vmem>>
        %dma_start3A_112 = tpu.memref_squeeze %dma_start3A_111 : memref<1x125xi32, #tpu.memory_space<vmem>> -> memref<125xi32, #tpu.memory_space<vmem>>
        %dma_start3A_113 = arith.constant 0 : i32
        %dma_start3A_114 = arith.constant 0 : i32
        %dma_start3A_115 = tpu.memref_slice %arg6[%dma_start3A_113, %dma_start3A_114] : memref<10240x128xf32, #tpu.memory_space<vmem_shared>> -> memref<10240x128xf32, #tpu.memory_space<vmem_shared>>
        tpu.enqueue_indirect_dma source(%arg10 : memref<125x128xf32, #tpu.memory_space<vmem>>) target(%dma_start3A_115 : memref<10240x128xf32, #tpu.memory_space<vmem_shared>>) offsets(%dma_start3A_112 : memref<125xi32, #tpu.memory_space<vmem>>) semaphore(%run_scoped3A : memref<!tpu.dma_semaphore, #tpu.memory_space<semaphore_mem>>) {add = true}
        %dma_wait3A_116 = arith.constant 0 : i32
        %dma_wait3A_117 = tpu.memref_slice %arg8[%add3A_81, %dma_wait3A_116] : memref<40x125xi32, #tpu.memory_space<vmem>> -> memref<1x125xi32, #tpu.memory_space<vmem>>
        %dma_wait3A_118 = tpu.memref_squeeze %dma_wait3A_117 : memref<1x125xi32, #tpu.memory_space<vmem>> -> memref<125xi32, #tpu.memory_space<vmem>>
        %dma_wait3A_119 = arith.constant 0 : i32
        %dma_wait3A_120 = arith.constant 0 : i32
        %dma_wait3A_121 = tpu.memref_slice %arg6[%dma_wait3A_119, %dma_wait3A_120] : memref<10240x128xf32, #tpu.memory_space<vmem_shared>> -> memref<10240x128xf32, #tpu.memory_space<vmem_shared>>
        tpu.wait_indirect_dma semaphore(%run_scoped3A : memref<!tpu.dma_semaphore, #tpu.memory_space<semaphore_mem>>) src(%arg10 : memref<125x128xf32, #tpu.memory_space<vmem>>) dst(%dma_wait3A_121 : memref<10240x128xf32, #tpu.memory_space<vmem_shared>>)
        tpu.yield
      }) : () -> ()
      %scan3A_109 = arith.constant 0 : i32
      scf.yield %scan3A_109 : i32
    }
    %scan3A_33 = arith.constant 20 : i32
    %dma_wait3A = arith.constant 0 : i32
    %dma_wait3A_34 = arith.constant 0 : i32
    %dma_wait3A_35 = tpu.memref_slice %arg7[%dma_wait3A, %dma_wait3A_34] : memref<40x125xi32, #tpu.memory_space<vmem>> -> memref<1x125xi32, #tpu.memory_space<vmem>>
    %dma_wait3A_36 = tpu.memref_squeeze %dma_wait3A_35 : memref<1x125xi32, #tpu.memory_space<vmem>> -> memref<125xi32, #tpu.memory_space<vmem>>
    %dma_wait3A_37 = arith.constant 0 : i32
    %dma_wait3A_38 = arith.constant 0 : i32
    %dma_wait3A_39 = tpu.memref_slice %arg4[%dma_wait3A_37, %dma_wait3A_38] : memref<10240x128xf32, #tpu.memory_space<hbm>> -> memref<10240x128xf32, #tpu.memory_space<hbm>>
    tpu.wait_indirect_dma semaphore(%arg11 : memref<!tpu.dma_semaphore, #tpu.memory_space<semaphore_mem>>) src(%dma_wait3A_39 : memref<10240x128xf32, #tpu.memory_space<hbm>>) dst(%arg9 : memref<125x128xf32, #tpu.memory_space<vmem>>)
    "tpu.region"() ({
      %run_scoped3A = tpu.sem_alloc : memref<!tpu.dma_semaphore, #tpu.memory_space<semaphore_mem>>
      %dma_start3A_76 = arith.constant 40 : i32
      %dma_start3A_77 = arith.constant 0 : i32
      %dma_start3A_78 = tpu.memref_slice %arg2[%add3A, %dma_start3A_76, %dma_start3A_77] : memref<32x80x125xi32, #tpu.memory_space<hbm>> -> memref<1x40x125xi32, #tpu.memory_space<hbm>>
      %dma_start3A_79 = tpu.memref_squeeze %dma_start3A_78 : memref<1x40x125xi32, #tpu.memory_space<hbm>> -> memref<40x125xi32, #tpu.memory_space<hbm>>
      %dma_start3A_80 = arith.constant 40 : i32
      %dma_start3A_81 = arith.constant 0 : i32
      %dma_start3A_82 = tpu.memref_slice %arg2[%add3A, %dma_start3A_80, %dma_start3A_81] : memref<32x80x125xi32, #tpu.memory_space<hbm>> -> memref<1x40x125xi32, #tpu.memory_space<hbm>>
      %dma_start3A_83 = tpu.memref_squeeze %dma_start3A_82 : memref<1x40x125xi32, #tpu.memory_space<hbm>> -> memref<40x125xi32, #tpu.memory_space<hbm>>
      tpu.enqueue_dma source(%dma_start3A_83 : memref<40x125xi32, #tpu.memory_space<hbm>>) target(%arg7 : memref<40x125xi32, #tpu.memory_space<vmem>>) target_semaphore(%run_scoped3A : memref<!tpu.dma_semaphore, #tpu.memory_space<semaphore_mem>>)
      %dma_wait3A_84 = arith.constant 40 : i32
      %dma_wait3A_85 = arith.constant 0 : i32
      %dma_wait3A_86 = tpu.memref_slice %arg2[%add3A, %dma_wait3A_84, %dma_wait3A_85] : memref<32x80x125xi32, #tpu.memory_space<hbm>> -> memref<1x40x125xi32, #tpu.memory_space<hbm>>
      %dma_wait3A_87 = tpu.memref_squeeze %dma_wait3A_86 : memref<1x40x125xi32, #tpu.memory_space<hbm>> -> memref<40x125xi32, #tpu.memory_space<hbm>>
      %dma_wait3A_88 = arith.constant 40 : i32
      %dma_wait3A_89 = arith.constant 0 : i32
      %dma_wait3A_90 = tpu.memref_slice %arg2[%add3A, %dma_wait3A_88, %dma_wait3A_89] : memref<32x80x125xi32, #tpu.memory_space<hbm>> -> memref<1x40x125xi32, #tpu.memory_space<hbm>>
      %dma_wait3A_91 = tpu.memref_squeeze %dma_wait3A_90 : memref<1x40x125xi32, #tpu.memory_space<hbm>> -> memref<40x125xi32, #tpu.memory_space<hbm>>
      tpu.wait_dma2 semaphore(%run_scoped3A : memref<!tpu.dma_semaphore, #tpu.memory_space<semaphore_mem>>) src(%dma_wait3A_91 : memref<40x125xi32, #tpu.memory_space<hbm>>) dst(%arg7 : memref<40x125xi32, #tpu.memory_space<vmem>>)
      tpu.yield
    }) : () -> ()
    "tpu.region"() ({
      %run_scoped3A = tpu.sem_alloc : memref<!tpu.dma_semaphore, #tpu.memory_space<semaphore_mem>>
      %dma_start3A_76 = arith.constant 40 : i32
      %dma_start3A_77 = arith.constant 0 : i32
      %dma_start3A_78 = tpu.memref_slice %arg3[%add3A, %dma_start3A_76, %dma_start3A_77] : memref<32x80x125xi32, #tpu.memory_space<hbm>> -> memref<1x40x125xi32, #tpu.memory_space<hbm>>
      %dma_start3A_79 = tpu.memref_squeeze %dma_start3A_78 : memref<1x40x125xi32, #tpu.memory_space<hbm>> -> memref<40x125xi32, #tpu.memory_space<hbm>>
      %dma_start3A_80 = arith.constant 40 : i32
      %dma_start3A_81 = arith.constant 0 : i32
      %dma_start3A_82 = tpu.memref_slice %arg3[%add3A, %dma_start3A_80, %dma_start3A_81] : memref<32x80x125xi32, #tpu.memory_space<hbm>> -> memref<1x40x125xi32, #tpu.memory_space<hbm>>
      %dma_start3A_83 = tpu.memref_squeeze %dma_start3A_82 : memref<1x40x125xi32, #tpu.memory_space<hbm>> -> memref<40x125xi32, #tpu.memory_space<hbm>>
      tpu.enqueue_dma source(%dma_start3A_83 : memref<40x125xi32, #tpu.memory_space<hbm>>) target(%arg8 : memref<40x125xi32, #tpu.memory_space<vmem>>) target_semaphore(%run_scoped3A : memref<!tpu.dma_semaphore, #tpu.memory_space<semaphore_mem>>)
      %dma_wait3A_84 = arith.constant 40 : i32
      %dma_wait3A_85 = arith.constant 0 : i32
      %dma_wait3A_86 = tpu.memref_slice %arg3[%add3A, %dma_wait3A_84, %dma_wait3A_85] : memref<32x80x125xi32, #tpu.memory_space<hbm>> -> memref<1x40x125xi32, #tpu.memory_space<hbm>>
      %dma_wait3A_87 = tpu.memref_squeeze %dma_wait3A_86 : memref<1x40x125xi32, #tpu.memory_space<hbm>> -> memref<40x125xi32, #tpu.memory_space<hbm>>
      %dma_wait3A_88 = arith.constant 40 : i32
      %dma_wait3A_89 = arith.constant 0 : i32
      %dma_wait3A_90 = tpu.memref_slice %arg3[%add3A, %dma_wait3A_88, %dma_wait3A_89] : memref<32x80x125xi32, #tpu.memory_space<hbm>> -> memref<1x40x125xi32, #tpu.memory_space<hbm>>
      %dma_wait3A_91 = tpu.memref_squeeze %dma_wait3A_90 : memref<1x40x125xi32, #tpu.memory_space<hbm>> -> memref<40x125xi32, #tpu.memory_space<hbm>>
      tpu.wait_dma2 semaphore(%run_scoped3A : memref<!tpu.dma_semaphore, #tpu.memory_space<semaphore_mem>>) src(%dma_wait3A_91 : memref<40x125xi32, #tpu.memory_space<hbm>>) dst(%arg8 : memref<40x125xi32, #tpu.memory_space<vmem>>)
      tpu.yield
    }) : () -> ()
    %dma_start3A_40 = arith.constant 0 : i32
    %dma_start3A_41 = arith.constant 0 : i32
    %dma_start3A_42 = tpu.memref_slice %arg7[%dma_start3A_40, %dma_start3A_41] : memref<40x125xi32, #tpu.memory_space<vmem>> -> memref<1x125xi32, #tpu.memory_space<vmem>>
    %dma_start3A_43 = tpu.memref_squeeze %dma_start3A_42 : memref<1x125xi32, #tpu.memory_space<vmem>> -> memref<125xi32, #tpu.memory_space<vmem>>
    %dma_start3A_44 = arith.constant 0 : i32
    %dma_start3A_45 = arith.constant 0 : i32
    %dma_start3A_46 = tpu.memref_slice %arg4[%dma_start3A_44, %dma_start3A_45] : memref<10240x128xf32, #tpu.memory_space<hbm>> -> memref<10240x128xf32, #tpu.memory_space<hbm>>
    tpu.enqueue_indirect_dma source(%dma_start3A_46 : memref<10240x128xf32, #tpu.memory_space<hbm>>) target(%arg9 : memref<125x128xf32, #tpu.memory_space<vmem>>) offsets(%dma_start3A_43 : memref<125xi32, #tpu.memory_space<vmem>>) semaphore(%arg11 : memref<!tpu.dma_semaphore, #tpu.memory_space<semaphore_mem>>)
    %scan3A_47 = arith.constant 0 : i32
    %scan3A_48 = arith.constant 0 : i32
    %scan3A_49 = arith.constant 20 : i32
    %scan3A_50 = arith.addi %scan3A_48, %scan3A_49 : i32
    %scan3A_51 = arith.constant 1 : i32
    %scan3A_52 = scf.for %scan3A_76 = %scan3A_48 to %scan3A_50 step %scan3A_51 iter_args(%scan3A_77 = %scan3A_47) -> (i32)  : i32 {
      %mul3A_78 = arith.constant 2 : i32
      %mul3A_79 = arith.muli %mul3A_78, %scan3A_76 : i32
      %add3A_80 = arith.constant 1 : i32
      %add3A_81 = arith.addi %mul3A_79, %add3A_80 : i32
      %add3A_82 = arith.constant 2 : i32
      %add3A_83 = arith.addi %mul3A_79, %add3A_82 : i32
      %rem3A = arith.constant 40 : i32
      %rem3A_84 = arith.remsi %add3A_83, %rem3A : i32
      %dma_wait3A_85 = arith.constant 0 : i32
      %dma_wait3A_86 = tpu.memref_slice %arg7[%mul3A_79, %dma_wait3A_85] : memref<40x125xi32, #tpu.memory_space<vmem>> -> memref<1x125xi32, #tpu.memory_space<vmem>>
      %dma_wait3A_87 = tpu.memref_squeeze %dma_wait3A_86 : memref<1x125xi32, #tpu.memory_space<vmem>> -> memref<125xi32, #tpu.memory_space<vmem>>
      %dma_wait3A_88 = arith.constant 0 : i32
      %dma_wait3A_89 = arith.constant 0 : i32
      %dma_wait3A_90 = tpu.memref_slice %arg4[%dma_wait3A_88, %dma_wait3A_89] : memref<10240x128xf32, #tpu.memory_space<hbm>> -> memref<10240x128xf32, #tpu.memory_space<hbm>>
      tpu.wait_indirect_dma semaphore(%arg11 : memref<!tpu.dma_semaphore, #tpu.memory_space<semaphore_mem>>) src(%dma_wait3A_90 : memref<10240x128xf32, #tpu.memory_space<hbm>>) dst(%arg9 : memref<125x128xf32, #tpu.memory_space<vmem>>)
      %dma_start3A_91 = arith.constant 0 : i32
      %dma_start3A_92 = tpu.memref_slice %arg7[%add3A_81, %dma_start3A_91] : memref<40x125xi32, #tpu.memory_space<vmem>> -> memref<1x125xi32, #tpu.memory_space<vmem>>
      %dma_start3A_93 = tpu.memref_squeeze %dma_start3A_92 : memref<1x125xi32, #tpu.memory_space<vmem>> -> memref<125xi32, #tpu.memory_space<vmem>>
      %dma_start3A_94 = arith.constant 0 : i32
      %dma_start3A_95 = arith.constant 0 : i32
      %dma_start3A_96 = tpu.memref_slice %arg4[%dma_start3A_94, %dma_start3A_95] : memref<10240x128xf32, #tpu.memory_space<hbm>> -> memref<10240x128xf32, #tpu.memory_space<hbm>>
      tpu.enqueue_indirect_dma source(%dma_start3A_96 : memref<10240x128xf32, #tpu.memory_space<hbm>>) target(%arg10 : memref<125x128xf32, #tpu.memory_space<vmem>>) offsets(%dma_start3A_93 : memref<125xi32, #tpu.memory_space<vmem>>) semaphore(%arg12 : memref<!tpu.dma_semaphore, #tpu.memory_space<semaphore_mem>>)
      "tpu.region"() ({
        %run_scoped3A = tpu.sem_alloc : memref<!tpu.dma_semaphore, #tpu.memory_space<semaphore_mem>>
        %dma_start3A_110 = arith.constant 0 : i32
        %dma_start3A_111 = tpu.memref_slice %arg8[%mul3A_79, %dma_start3A_110] : memref<40x125xi32, #tpu.memory_space<vmem>> -> memref<1x125xi32, #tpu.memory_space<vmem>>
        %dma_start3A_112 = tpu.memref_squeeze %dma_start3A_111 : memref<1x125xi32, #tpu.memory_space<vmem>> -> memref<125xi32, #tpu.memory_space<vmem>>
        %dma_start3A_113 = arith.constant 0 : i32
        %dma_start3A_114 = arith.constant 0 : i32
        %dma_start3A_115 = tpu.memref_slice %arg6[%dma_start3A_113, %dma_start3A_114] : memref<10240x128xf32, #tpu.memory_space<vmem_shared>> -> memref<10240x128xf32, #tpu.memory_space<vmem_shared>>
        tpu.enqueue_indirect_dma source(%arg9 : memref<125x128xf32, #tpu.memory_space<vmem>>) target(%dma_start3A_115 : memref<10240x128xf32, #tpu.memory_space<vmem_shared>>) offsets(%dma_start3A_112 : memref<125xi32, #tpu.memory_space<vmem>>) semaphore(%run_scoped3A : memref<!tpu.dma_semaphore, #tpu.memory_space<semaphore_mem>>) {add = true}
        %dma_wait3A_116 = arith.constant 0 : i32
        %dma_wait3A_117 = tpu.memref_slice %arg8[%mul3A_79, %dma_wait3A_116] : memref<40x125xi32, #tpu.memory_space<vmem>> -> memref<1x125xi32, #tpu.memory_space<vmem>>
        %dma_wait3A_118 = tpu.memref_squeeze %dma_wait3A_117 : memref<1x125xi32, #tpu.memory_space<vmem>> -> memref<125xi32, #tpu.memory_space<vmem>>
        %dma_wait3A_119 = arith.constant 0 : i32
        %dma_wait3A_120 = arith.constant 0 : i32
        %dma_wait3A_121 = tpu.memref_slice %arg6[%dma_wait3A_119, %dma_wait3A_120] : memref<10240x128xf32, #tpu.memory_space<vmem_shared>> -> memref<10240x128xf32, #tpu.memory_space<vmem_shared>>
        tpu.wait_indirect_dma semaphore(%run_scoped3A : memref<!tpu.dma_semaphore, #tpu.memory_space<semaphore_mem>>) src(%arg9 : memref<125x128xf32, #tpu.memory_space<vmem>>) dst(%dma_wait3A_121 : memref<10240x128xf32, #tpu.memory_space<vmem_shared>>)
        tpu.yield
      }) : () -> ()
      %dma_wait3A_97 = arith.constant 0 : i32
      %dma_wait3A_98 = tpu.memref_slice %arg7[%add3A_81, %dma_wait3A_97] : memref<40x125xi32, #tpu.memory_space<vmem>> -> memref<1x125xi32, #tpu.memory_space<vmem>>
      %dma_wait3A_99 = tpu.memref_squeeze %dma_wait3A_98 : memref<1x125xi32, #tpu.memory_space<vmem>> -> memref<125xi32, #tpu.memory_space<vmem>>
      %dma_wait3A_100 = arith.constant 0 : i32
      %dma_wait3A_101 = arith.constant 0 : i32
      %dma_wait3A_102 = tpu.memref_slice %arg4[%dma_wait3A_100, %dma_wait3A_101] : memref<10240x128xf32, #tpu.memory_space<hbm>> -> memref<10240x128xf32, #tpu.memory_space<hbm>>
      tpu.wait_indirect_dma semaphore(%arg12 : memref<!tpu.dma_semaphore, #tpu.memory_space<semaphore_mem>>) src(%dma_wait3A_102 : memref<10240x128xf32, #tpu.memory_space<hbm>>) dst(%arg10 : memref<125x128xf32, #tpu.memory_space<vmem>>)
      %dma_start3A_103 = arith.constant 0 : i32
      %dma_start3A_104 = tpu.memref_slice %arg7[%rem3A_84, %dma_start3A_103] : memref<40x125xi32, #tpu.memory_space<vmem>> -> memref<1x125xi32, #tpu.memory_space<vmem>>
      %dma_start3A_105 = tpu.memref_squeeze %dma_start3A_104 : memref<1x125xi32, #tpu.memory_space<vmem>> -> memref<125xi32, #tpu.memory_space<vmem>>
      %dma_start3A_106 = arith.constant 0 : i32
      %dma_start3A_107 = arith.constant 0 : i32
      %dma_start3A_108 = tpu.memref_slice %arg4[%dma_start3A_106, %dma_start3A_107] : memref<10240x128xf32, #tpu.memory_space<hbm>> -> memref<10240x128xf32, #tpu.memory_space<hbm>>
      tpu.enqueue_indirect_dma source(%dma_start3A_108 : memref<10240x128xf32, #tpu.memory_space<hbm>>) target(%arg9 : memref<125x128xf32, #tpu.memory_space<vmem>>) offsets(%dma_start3A_105 : memref<125xi32, #tpu.memory_space<vmem>>) semaphore(%arg11 : memref<!tpu.dma_semaphore, #tpu.memory_space<semaphore_mem>>)
      "tpu.region"() ({
        %run_scoped3A = tpu.sem_alloc : memref<!tpu.dma_semaphore, #tpu.memory_space<semaphore_mem>>
        %dma_start3A_110 = arith.constant 0 : i32
        %dma_start3A_111 = tpu.memref_slice %arg8[%add3A_81, %dma_start3A_110] : memref<40x125xi32, #tpu.memory_space<vmem>> -> memref<1x125xi32, #tpu.memory_space<vmem>>
        %dma_start3A_112 = tpu.memref_squeeze %dma_start3A_111 : memref<1x125xi32, #tpu.memory_space<vmem>> -> memref<125xi32, #tpu.memory_space<vmem>>
        %dma_start3A_113 = arith.constant 0 : i32
        %dma_start3A_114 = arith.constant 0 : i32
        %dma_start3A_115 = tpu.memref_slice %arg6[%dma_start3A_113, %dma_start3A_114] : memref<10240x128xf32, #tpu.memory_space<vmem_shared>> -> memref<10240x128xf32, #tpu.memory_space<vmem_shared>>
        tpu.enqueue_indirect_dma source(%arg10 : memref<125x128xf32, #tpu.memory_space<vmem>>) target(%dma_start3A_115 : memref<10240x128xf32, #tpu.memory_space<vmem_shared>>) offsets(%dma_start3A_112 : memref<125xi32, #tpu.memory_space<vmem>>) semaphore(%run_scoped3A : memref<!tpu.dma_semaphore, #tpu.memory_space<semaphore_mem>>) {add = true}
        %dma_wait3A_116 = arith.constant 0 : i32
        %dma_wait3A_117 = tpu.memref_slice %arg8[%add3A_81, %dma_wait3A_116] : memref<40x125xi32, #tpu.memory_space<vmem>> -> memref<1x125xi32, #tpu.memory_space<vmem>>
        %dma_wait3A_118 = tpu.memref_squeeze %dma_wait3A_117 : memref<1x125xi32, #tpu.memory_space<vmem>> -> memref<125xi32, #tpu.memory_space<vmem>>
        %dma_wait3A_119 = arith.constant 0 : i32
        %dma_wait3A_120 = arith.constant 0 : i32
        %dma_wait3A_121 = tpu.memref_slice %arg6[%dma_wait3A_119, %dma_wait3A_120] : memref<10240x128xf32, #tpu.memory_space<vmem_shared>> -> memref<10240x128xf32, #tpu.memory_space<vmem_shared>>
        tpu.wait_indirect_dma semaphore(%run_scoped3A : memref<!tpu.dma_semaphore, #tpu.memory_space<semaphore_mem>>) src(%arg10 : memref<125x128xf32, #tpu.memory_space<vmem>>) dst(%dma_wait3A_121 : memref<10240x128xf32, #tpu.memory_space<vmem_shared>>)
        tpu.yield
      }) : () -> ()
      %scan3A_109 = arith.constant 0 : i32
      scf.yield %scan3A_109 : i32
    }
    %scan3A_53 = arith.constant 20 : i32
    %dma_wait3A_54 = arith.constant 0 : i32
    %dma_wait3A_55 = arith.constant 0 : i32
    %dma_wait3A_56 = tpu.memref_slice %arg7[%dma_wait3A_54, %dma_wait3A_55] : memref<40x125xi32, #tpu.memory_space<vmem>> -> memref<1x125xi32, #tpu.memory_space<vmem>>
    %dma_wait3A_57 = tpu.memref_squeeze %dma_wait3A_56 : memref<1x125xi32, #tpu.memory_space<vmem>> -> memref<125xi32, #tpu.memory_space<vmem>>
    %dma_wait3A_58 = arith.constant 0 : i32
    %dma_wait3A_59 = arith.constant 0 : i32
    %dma_wait3A_60 = tpu.memref_slice %arg4[%dma_wait3A_58, %dma_wait3A_59] : memref<10240x128xf32, #tpu.memory_space<hbm>> -> memref<10240x128xf32, #tpu.memory_space<hbm>>
    tpu.wait_indirect_dma semaphore(%arg11 : memref<!tpu.dma_semaphore, #tpu.memory_space<semaphore_mem>>) src(%dma_wait3A_60 : memref<10240x128xf32, #tpu.memory_space<hbm>>) dst(%arg9 : memref<125x128xf32, #tpu.memory_space<vmem>>)
    %barrier3A_61 = arith.constant 0 : index
    tpu.barrier barrier_id(%barrier3A_61)
    %scan3A_62 = arith.constant 0 : i32
    %scan3A_63 = arith.constant 0 : i32
    %scan3A_64 = arith.constant 10 : i32
    %scan3A_65 = arith.addi %scan3A_63, %scan3A_64 : i32
    %scan3A_66 = arith.constant 1 : i32
    %scan3A_67 = scf.for %scan3A_76 = %scan3A_63 to %scan3A_65 step %scan3A_66 iter_args(%scan3A_77 = %scan3A_62) -> (i32)  : i32 {
      %mul3A_78 = arith.constant 640 : i32
      %mul3A_79 = arith.muli %arg1, %mul3A_78 : i32
      %mul3A_80 = arith.constant 64 : i32
      %mul3A_81 = arith.muli %scan3A_76, %mul3A_80 : i32
      %add3A_82 = arith.addi %mul3A_79, %mul3A_81 : i32
      %dma_start3A_83 = arith.constant 0 : i32
      %dma_start3A_84 = tpu.memref_slice %arg5[%arg0, %add3A_82, %dma_start3A_83] : memref<2x10240x128xf32, #tpu.memory_space<hbm>> -> memref<1x64x128xf32, #tpu.memory_space<hbm>>
      %dma_start3A_85 = tpu.memref_squeeze %dma_start3A_84 : memref<1x64x128xf32, #tpu.memory_space<hbm>> -> memref<64x128xf32, #tpu.memory_space<hbm>>
      %dma_start3A_86 = arith.constant 0 : i32
      %dma_start3A_87 = tpu.memref_slice %arg6[%add3A_82, %dma_start3A_86] : memref<10240x128xf32, #tpu.memory_space<vmem_shared>> -> memref<64x128xf32, #tpu.memory_space<vmem_shared>>
      tpu.enqueue_dma source(%dma_start3A_87 : memref<64x128xf32, #tpu.memory_space<vmem_shared>>) target(%dma_start3A_85 : memref<64x128xf32, #tpu.memory_space<hbm>>) target_semaphore(%arg11 : memref<!tpu.dma_semaphore, #tpu.memory_space<semaphore_mem>>)
      %scan3A_88 = arith.constant 0 : i32
      scf.yield %scan3A_88 : i32
    }
    %scan3A_68 = arith.constant 10 : i32
    %scan3A_69 = arith.constant 0 : i32
    %scan3A_70 = arith.constant 0 : i32
    %scan3A_71 = arith.constant 10 : i32
    %scan3A_72 = arith.addi %scan3A_70, %scan3A_71 : i32
    %scan3A_73 = arith.constant 1 : i32
    %scan3A_74 = scf.for %scan3A_76 = %scan3A_70 to %scan3A_72 step %scan3A_73 iter_args(%scan3A_77 = %scan3A_69) -> (i32)  : i32 {
      %mul3A_78 = arith.constant 640 : i32
      %mul3A_79 = arith.muli %arg1, %mul3A_78 : i32
      %dma_wait3A_80 = arith.constant 0 : i32
      %dma_wait3A_81 = tpu.memref_slice %arg5[%arg0, %mul3A_79, %dma_wait3A_80] : memref<2x10240x128xf32, #tpu.memory_space<hbm>> -> memref<1x64x128xf32, #tpu.memory_space<hbm>>
      %dma_wait3A_82 = tpu.memref_squeeze %dma_wait3A_81 : memref<1x64x128xf32, #tpu.memory_space<hbm>> -> memref<64x128xf32, #tpu.memory_space<hbm>>
      %dma_wait3A_83 = arith.constant 0 : i32
      %dma_wait3A_84 = tpu.memref_slice %arg6[%mul3A_79, %dma_wait3A_83] : memref<10240x128xf32, #tpu.memory_space<vmem_shared>> -> memref<64x128xf32, #tpu.memory_space<vmem_shared>>
      tpu.wait_dma2 semaphore(%arg11 : memref<!tpu.dma_semaphore, #tpu.memory_space<semaphore_mem>>) src(%dma_wait3A_84 : memref<64x128xf32, #tpu.memory_space<vmem_shared>>) dst(%dma_wait3A_82 : memref<64x128xf32, #tpu.memory_space<hbm>>)
      %scan3A_85 = arith.constant 0 : i32
      scf.yield %scan3A_85 : i32
    }
    %scan3A_75 = arith.constant 10 : i32
    return
  }
}

#map = affine_map<(d0, d1) -> (0, 0, 0)>
module attributes {stable_mosaic.version = 14 : i64} {
  func.func @_sc_deg_body(%arg0: i32, %arg1: i32, %arg2: memref<32x80x125xi32, #tpu.memory_space<hbm>>, %arg3: memref<2x10240x128xf32, #tpu.memory_space<hbm>>, %arg4: memref<10240x128xf32, #tpu.memory_space<vmem_shared>>, %arg5: memref<80x125xi32, #tpu.memory_space<vmem>>, %arg6: memref<125x128xf32, #tpu.memory_space<vmem>>, %arg7: memref<16x128xf32, #tpu.memory_space<vmem>>, %arg8: memref<!tpu.dma_semaphore, #tpu.memory_space<semaphore_mem>>) attributes {dimension_semantics = [#tpu.dimension_semantics<core_parallel>, #tpu.dimension_semantics<subcore_parallel>], iteration_bounds = array<i64: 2, 16>, scalar_prefetch = 0 : i64, scratch_operands = 5 : i64, tpu.core_type = #tpu.core_type<sc_vector_subcore>, window_params = [{transform_indices = #map}, {transform_indices = #map}]} {
    %mul3A = arith.constant 2 : i32
    %mul3A_0 = arith.muli %arg1, %mul3A : i32
    %add3A = arith.addi %mul3A_0, %arg0 : i32
    %scan3A = arith.constant 0 : i32
    %scan3A_1 = arith.constant 0 : i32
    %scan3A_2 = arith.constant 125 : i32
    %scan3A_3 = arith.addi %scan3A_1, %scan3A_2 : i32
    %scan3A_4 = arith.constant 1 : i32
    %scan3A_5 = scf.for %scan3A_43 = %scan3A_1 to %scan3A_3 step %scan3A_4 iter_args(%scan3A_44 = %scan3A) -> (i32)  : i32 {
      %broadcast_in_dim3A = arith.constant 1.000000e+00 : f32
      %broadcast_in_dim3A_45 = vector.broadcast %broadcast_in_dim3A : f32 to vector<16xf32>
      %swap3A = arith.index_cast %scan3A_43 : i32 to index
      %swap3A_46 = arith.constant 0 : index
      %swap3A_47 = tpu.vector_load %arg6[%swap3A, %swap3A_46] {strides = array<i32>} : memref<125x128xf32, #tpu.memory_space<vmem>>, vector<1x16xf32>,
      %swap3A_48 = vector.shape_cast %swap3A_47 : vector<1x16xf32> to vector<16xf32>
      %swap3A_49 = vector.shape_cast %broadcast_in_dim3A_45 : vector<16xf32> to vector<1x16xf32>
      tpu.vector_store %arg6[%swap3A, %swap3A_46], %swap3A_49 {strides = array<i32>} : memref<125x128xf32, #tpu.memory_space<vmem>>, vector<1x16xf32>,
      %broadcast_in_dim3A_50 = arith.constant 0.000000e+00 : f32
      %broadcast_in_dim3A_51 = vector.broadcast %broadcast_in_dim3A_50 : f32 to vector<16xf32>
      %jit3A = arith.constant 16 : i32
      %eq3A = arith.constant 0 : i32
      %eq3A_52 = arith.cmpi eq, %jit3A, %eq3A : i32
      %jit3A_53 = arith.constant 1 : i32
      %select_n3A = arith.select %eq3A_52, %jit3A_53, %jit3A : i32
      %rem3A = arith.remsi %scan3A_43, %select_n3A : i32
      %ne3A = arith.constant 0 : i32
      %ne3A_54 = arith.cmpi ne, %rem3A, %ne3A : i32
      %lt3A = arith.constant 0 : i32
      %lt3A_55 = arith.cmpi slt, %rem3A, %lt3A : i32
      %lt3A_56 = arith.constant 0 : i32
      %lt3A_57 = arith.cmpi slt, %select_n3A, %lt3A_56 : i32
      %ne3A_58 = arith.xori %lt3A_55, %lt3A_57 : i1
      %and3A = arith.andi %ne3A_58, %ne3A_54 : i1
      %add3A_59 = arith.addi %rem3A, %select_n3A : i32
      %select_n3A_60 = arith.select %and3A, %add3A_59, %rem3A : i32
      %swap3A_61 = arith.index_cast %select_n3A_60 : i32 to index
      %swap3A_62 = arith.constant 0 : index
      %swap3A_63 = tpu.vector_load %arg7[%swap3A_61, %swap3A_62] {strides = array<i32>} : memref<16x128xf32, #tpu.memory_space<vmem>>, vector<1x16xf32>,
      %swap3A_64 = vector.shape_cast %swap3A_63 : vector<1x16xf32> to vector<16xf32>
      %swap3A_65 = vector.shape_cast %broadcast_in_dim3A_51 : vector<16xf32> to vector<1x16xf32>
      tpu.vector_store %arg7[%swap3A_61, %swap3A_62], %swap3A_65 {strides = array<i32>} : memref<16x128xf32, #tpu.memory_space<vmem>>, vector<1x16xf32>,
      %broadcast_in_dim3A_66 = arith.constant 1.000000e+00 : f32
      %broadcast_in_dim3A_67 = vector.broadcast %broadcast_in_dim3A_66 : f32 to vector<16xf32>
      %swap3A_68 = arith.index_cast %scan3A_43 : i32 to index
      %swap3A_69 = arith.constant 16 : index
      %swap3A_70 = tpu.vector_load %arg6[%swap3A_68, %swap3A_69] {strides = array<i32>} : memref<125x128xf32, #tpu.memory_space<vmem>>, vector<1x16xf32>,
      %swap3A_71 = vector.shape_cast %swap3A_70 : vector<1x16xf32> to vector<16xf32>
      %swap3A_72 = vector.shape_cast %broadcast_in_dim3A_67 : vector<16xf32> to vector<1x16xf32>
      tpu.vector_store %arg6[%swap3A_68, %swap3A_69], %swap3A_72 {strides = array<i32>} : memref<125x128xf32, #tpu.memory_space<vmem>>, vector<1x16xf32>,
      %broadcast_in_dim3A_73 = arith.constant 0.000000e+00 : f32
      %broadcast_in_dim3A_74 = vector.broadcast %broadcast_in_dim3A_73 : f32 to vector<16xf32>
      %jit3A_75 = arith.constant 16 : i32
      %eq3A_76 = arith.constant 0 : i32
      %eq3A_77 = arith.cmpi eq, %jit3A_75, %eq3A_76 : i32
      %jit3A_78 = arith.constant 1 : i32
      %select_n3A_79 = arith.select %eq3A_77, %jit3A_78, %jit3A_75 : i32
      %rem3A_80 = arith.remsi %scan3A_43, %select_n3A_79 : i32
      %ne3A_81 = arith.constant 0 : i32
      %ne3A_82 = arith.cmpi ne, %rem3A_80, %ne3A_81 : i32
      %lt3A_83 = arith.constant 0 : i32
      %lt3A_84 = arith.cmpi slt, %rem3A_80, %lt3A_83 : i32
      %lt3A_85 = arith.constant 0 : i32
      %lt3A_86 = arith.cmpi slt, %select_n3A_79, %lt3A_85 : i32
      %ne3A_87 = arith.xori %lt3A_84, %lt3A_86 : i1
      %and3A_88 = arith.andi %ne3A_87, %ne3A_82 : i1
      %add3A_89 = arith.addi %rem3A_80, %select_n3A_79 : i32
      %select_n3A_90 = arith.select %and3A_88, %add3A_89, %rem3A_80 : i32
      %swap3A_91 = arith.index_cast %select_n3A_90 : i32 to index
      %swap3A_92 = arith.constant 16 : index
      %swap3A_93 = tpu.vector_load %arg7[%swap3A_91, %swap3A_92] {strides = array<i32>} : memref<16x128xf32, #tpu.memory_space<vmem>>, vector<1x16xf32>,
      %swap3A_94 = vector.shape_cast %swap3A_93 : vector<1x16xf32> to vector<16xf32>
      %swap3A_95 = vector.shape_cast %broadcast_in_dim3A_74 : vector<16xf32> to vector<1x16xf32>
      tpu.vector_store %arg7[%swap3A_91, %swap3A_92], %swap3A_95 {strides = array<i32>} : memref<16x128xf32, #tpu.memory_space<vmem>>, vector<1x16xf32>,
      %broadcast_in_dim3A_96 = arith.constant 1.000000e+00 : f32
      %broadcast_in_dim3A_97 = vector.broadcast %broadcast_in_dim3A_96 : f32 to vector<16xf32>
      %swap3A_98 = arith.index_cast %scan3A_43 : i32 to index
      %swap3A_99 = arith.constant 32 : index
      %swap3A_100 = tpu.vector_load %arg6[%swap3A_98, %swap3A_99] {strides = array<i32>} : memref<125x128xf32, #tpu.memory_space<vmem>>, vector<1x16xf32>,
      %swap3A_101 = vector.shape_cast %swap3A_100 : vector<1x16xf32> to vector<16xf32>
      %swap3A_102 = vector.shape_cast %broadcast_in_dim3A_97 : vector<16xf32> to vector<1x16xf32>
      tpu.vector_store %arg6[%swap3A_98, %swap3A_99], %swap3A_102 {strides = array<i32>} : memref<125x128xf32, #tpu.memory_space<vmem>>, vector<1x16xf32>,
      %broadcast_in_dim3A_103 = arith.constant 0.000000e+00 : f32
      %broadcast_in_dim3A_104 = vector.broadcast %broadcast_in_dim3A_103 : f32 to vector<16xf32>
      %jit3A_105 = arith.constant 16 : i32
      %eq3A_106 = arith.constant 0 : i32
      %eq3A_107 = arith.cmpi eq, %jit3A_105, %eq3A_106 : i32
      %jit3A_108 = arith.constant 1 : i32
      %select_n3A_109 = arith.select %eq3A_107, %jit3A_108, %jit3A_105 : i32
      %rem3A_110 = arith.remsi %scan3A_43, %select_n3A_109 : i32
      %ne3A_111 = arith.constant 0 : i32
      %ne3A_112 = arith.cmpi ne, %rem3A_110, %ne3A_111 : i32
      %lt3A_113 = arith.constant 0 : i32
      %lt3A_114 = arith.cmpi slt, %rem3A_110, %lt3A_113 : i32
      %lt3A_115 = arith.constant 0 : i32
      %lt3A_116 = arith.cmpi slt, %select_n3A_109, %lt3A_115 : i32
      %ne3A_117 = arith.xori %lt3A_114, %lt3A_116 : i1
      %and3A_118 = arith.andi %ne3A_117, %ne3A_112 : i1
      %add3A_119 = arith.addi %rem3A_110, %select_n3A_109 : i32
      %select_n3A_120 = arith.select %and3A_118, %add3A_119, %rem3A_110 : i32
      %swap3A_121 = arith.index_cast %select_n3A_120 : i32 to index
      %swap3A_122 = arith.constant 32 : index
      %swap3A_123 = tpu.vector_load %arg7[%swap3A_121, %swap3A_122] {strides = array<i32>} : memref<16x128xf32, #tpu.memory_space<vmem>>, vector<1x16xf32>,
      %swap3A_124 = vector.shape_cast %swap3A_123 : vector<1x16xf32> to vector<16xf32>
      %swap3A_125 = vector.shape_cast %broadcast_in_dim3A_104 : vector<16xf32> to vector<1x16xf32>
      tpu.vector_store %arg7[%swap3A_121, %swap3A_122], %swap3A_125 {strides = array<i32>} : memref<16x128xf32, #tpu.memory_space<vmem>>, vector<1x16xf32>,
      %broadcast_in_dim3A_126 = arith.constant 1.000000e+00 : f32
      %broadcast_in_dim3A_127 = vector.broadcast %broadcast_in_dim3A_126 : f32 to vector<16xf32>
      %swap3A_128 = arith.index_cast %scan3A_43 : i32 to index
      %swap3A_129 = arith.constant 48 : index
      %swap3A_130 = tpu.vector_load %arg6[%swap3A_128, %swap3A_129] {strides = array<i32>} : memref<125x128xf32, #tpu.memory_space<vmem>>, vector<1x16xf32>,
      %swap3A_131 = vector.shape_cast %swap3A_130 : vector<1x16xf32> to vector<16xf32>
      %swap3A_132 = vector.shape_cast %broadcast_in_dim3A_127 : vector<16xf32> to vector<1x16xf32>
      tpu.vector_store %arg6[%swap3A_128, %swap3A_129], %swap3A_132 {strides = array<i32>} : memref<125x128xf32, #tpu.memory_space<vmem>>, vector<1x16xf32>,
      %broadcast_in_dim3A_133 = arith.constant 0.000000e+00 : f32
      %broadcast_in_dim3A_134 = vector.broadcast %broadcast_in_dim3A_133 : f32 to vector<16xf32>
      %jit3A_135 = arith.constant 16 : i32
      %eq3A_136 = arith.constant 0 : i32
      %eq3A_137 = arith.cmpi eq, %jit3A_135, %eq3A_136 : i32
      %jit3A_138 = arith.constant 1 : i32
      %select_n3A_139 = arith.select %eq3A_137, %jit3A_138, %jit3A_135 : i32
      %rem3A_140 = arith.remsi %scan3A_43, %select_n3A_139 : i32
      %ne3A_141 = arith.constant 0 : i32
      %ne3A_142 = arith.cmpi ne, %rem3A_140, %ne3A_141 : i32
      %lt3A_143 = arith.constant 0 : i32
      %lt3A_144 = arith.cmpi slt, %rem3A_140, %lt3A_143 : i32
      %lt3A_145 = arith.constant 0 : i32
      %lt3A_146 = arith.cmpi slt, %select_n3A_139, %lt3A_145 : i32
      %ne3A_147 = arith.xori %lt3A_144, %lt3A_146 : i1
      %and3A_148 = arith.andi %ne3A_147, %ne3A_142 : i1
      %add3A_149 = arith.addi %rem3A_140, %select_n3A_139 : i32
      %select_n3A_150 = arith.select %and3A_148, %add3A_149, %rem3A_140 : i32
      %swap3A_151 = arith.index_cast %select_n3A_150 : i32 to index
      %swap3A_152 = arith.constant 48 : index
      %swap3A_153 = tpu.vector_load %arg7[%swap3A_151, %swap3A_152] {strides = array<i32>} : memref<16x128xf32, #tpu.memory_space<vmem>>, vector<1x16xf32>,
      %swap3A_154 = vector.shape_cast %swap3A_153 : vector<1x16xf32> to vector<16xf32>
      %swap3A_155 = vector.shape_cast %broadcast_in_dim3A_134 : vector<16xf32> to vector<1x16xf32>
      tpu.vector_store %arg7[%swap3A_151, %swap3A_152], %swap3A_155 {strides = array<i32>} : memref<16x128xf32, #tpu.memory_space<vmem>>, vector<1x16xf32>,
      %broadcast_in_dim3A_156 = arith.constant 1.000000e+00 : f32
      %broadcast_in_dim3A_157 = vector.broadcast %broadcast_in_dim3A_156 : f32 to vector<16xf32>
      %swap3A_158 = arith.index_cast %scan3A_43 : i32 to index
      %swap3A_159 = arith.constant 64 : index
      %swap3A_160 = tpu.vector_load %arg6[%swap3A_158, %swap3A_159] {strides = array<i32>} : memref<125x128xf32, #tpu.memory_space<vmem>>, vector<1x16xf32>,
      %swap3A_161 = vector.shape_cast %swap3A_160 : vector<1x16xf32> to vector<16xf32>
      %swap3A_162 = vector.shape_cast %broadcast_in_dim3A_157 : vector<16xf32> to vector<1x16xf32>
      tpu.vector_store %arg6[%swap3A_158, %swap3A_159], %swap3A_162 {strides = array<i32>} : memref<125x128xf32, #tpu.memory_space<vmem>>, vector<1x16xf32>,
      %broadcast_in_dim3A_163 = arith.constant 0.000000e+00 : f32
      %broadcast_in_dim3A_164 = vector.broadcast %broadcast_in_dim3A_163 : f32 to vector<16xf32>
      %jit3A_165 = arith.constant 16 : i32
      %eq3A_166 = arith.constant 0 : i32
      %eq3A_167 = arith.cmpi eq, %jit3A_165, %eq3A_166 : i32
      %jit3A_168 = arith.constant 1 : i32
      %select_n3A_169 = arith.select %eq3A_167, %jit3A_168, %jit3A_165 : i32
      %rem3A_170 = arith.remsi %scan3A_43, %select_n3A_169 : i32
      %ne3A_171 = arith.constant 0 : i32
      %ne3A_172 = arith.cmpi ne, %rem3A_170, %ne3A_171 : i32
      %lt3A_173 = arith.constant 0 : i32
      %lt3A_174 = arith.cmpi slt, %rem3A_170, %lt3A_173 : i32
      %lt3A_175 = arith.constant 0 : i32
      %lt3A_176 = arith.cmpi slt, %select_n3A_169, %lt3A_175 : i32
      %ne3A_177 = arith.xori %lt3A_174, %lt3A_176 : i1
      %and3A_178 = arith.andi %ne3A_177, %ne3A_172 : i1
      %add3A_179 = arith.addi %rem3A_170, %select_n3A_169 : i32
      %select_n3A_180 = arith.select %and3A_178, %add3A_179, %rem3A_170 : i32
      %swap3A_181 = arith.index_cast %select_n3A_180 : i32 to index
      %swap3A_182 = arith.constant 64 : index
      %swap3A_183 = tpu.vector_load %arg7[%swap3A_181, %swap3A_182] {strides = array<i32>} : memref<16x128xf32, #tpu.memory_space<vmem>>, vector<1x16xf32>,
      %swap3A_184 = vector.shape_cast %swap3A_183 : vector<1x16xf32> to vector<16xf32>
      %swap3A_185 = vector.shape_cast %broadcast_in_dim3A_164 : vector<16xf32> to vector<1x16xf32>
      tpu.vector_store %arg7[%swap3A_181, %swap3A_182], %swap3A_185 {strides = array<i32>} : memref<16x128xf32, #tpu.memory_space<vmem>>, vector<1x16xf32>,
      %broadcast_in_dim3A_186 = arith.constant 1.000000e+00 : f32
      %broadcast_in_dim3A_187 = vector.broadcast %broadcast_in_dim3A_186 : f32 to vector<16xf32>
      %swap3A_188 = arith.index_cast %scan3A_43 : i32 to index
      %swap3A_189 = arith.constant 80 : index
      %swap3A_190 = tpu.vector_load %arg6[%swap3A_188, %swap3A_189] {strides = array<i32>} : memref<125x128xf32, #tpu.memory_space<vmem>>, vector<1x16xf32>,
      %swap3A_191 = vector.shape_cast %swap3A_190 : vector<1x16xf32> to vector<16xf32>
      %swap3A_192 = vector.shape_cast %broadcast_in_dim3A_187 : vector<16xf32> to vector<1x16xf32>
      tpu.vector_store %arg6[%swap3A_188, %swap3A_189], %swap3A_192 {strides = array<i32>} : memref<125x128xf32, #tpu.memory_space<vmem>>, vector<1x16xf32>,
      %broadcast_in_dim3A_193 = arith.constant 0.000000e+00 : f32
      %broadcast_in_dim3A_194 = vector.broadcast %broadcast_in_dim3A_193 : f32 to vector<16xf32>
      %jit3A_195 = arith.constant 16 : i32
      %eq3A_196 = arith.constant 0 : i32
      %eq3A_197 = arith.cmpi eq, %jit3A_195, %eq3A_196 : i32
      %jit3A_198 = arith.constant 1 : i32
      %select_n3A_199 = arith.select %eq3A_197, %jit3A_198, %jit3A_195 : i32
      %rem3A_200 = arith.remsi %scan3A_43, %select_n3A_199 : i32
      %ne3A_201 = arith.constant 0 : i32
      %ne3A_202 = arith.cmpi ne, %rem3A_200, %ne3A_201 : i32
      %lt3A_203 = arith.constant 0 : i32
      %lt3A_204 = arith.cmpi slt, %rem3A_200, %lt3A_203 : i32
      %lt3A_205 = arith.constant 0 : i32
      %lt3A_206 = arith.cmpi slt, %select_n3A_199, %lt3A_205 : i32
      %ne3A_207 = arith.xori %lt3A_204, %lt3A_206 : i1
      %and3A_208 = arith.andi %ne3A_207, %ne3A_202 : i1
      %add3A_209 = arith.addi %rem3A_200, %select_n3A_199 : i32
      %select_n3A_210 = arith.select %and3A_208, %add3A_209, %rem3A_200 : i32
      %swap3A_211 = arith.index_cast %select_n3A_210 : i32 to index
      %swap3A_212 = arith.constant 80 : index
      %swap3A_213 = tpu.vector_load %arg7[%swap3A_211, %swap3A_212] {strides = array<i32>} : memref<16x128xf32, #tpu.memory_space<vmem>>, vector<1x16xf32>,
      %swap3A_214 = vector.shape_cast %swap3A_213 : vector<1x16xf32> to vector<16xf32>
      %swap3A_215 = vector.shape_cast %broadcast_in_dim3A_194 : vector<16xf32> to vector<1x16xf32>
      tpu.vector_store %arg7[%swap3A_211, %swap3A_212], %swap3A_215 {strides = array<i32>} : memref<16x128xf32, #tpu.memory_space<vmem>>, vector<1x16xf32>,
      %broadcast_in_dim3A_216 = arith.constant 1.000000e+00 : f32
      %broadcast_in_dim3A_217 = vector.broadcast %broadcast_in_dim3A_216 : f32 to vector<16xf32>
      %swap3A_218 = arith.index_cast %scan3A_43 : i32 to index
      %swap3A_219 = arith.constant 96 : index
      %swap3A_220 = tpu.vector_load %arg6[%swap3A_218, %swap3A_219] {strides = array<i32>} : memref<125x128xf32, #tpu.memory_space<vmem>>, vector<1x16xf32>,
      %swap3A_221 = vector.shape_cast %swap3A_220 : vector<1x16xf32> to vector<16xf32>
      %swap3A_222 = vector.shape_cast %broadcast_in_dim3A_217 : vector<16xf32> to vector<1x16xf32>
      tpu.vector_store %arg6[%swap3A_218, %swap3A_219], %swap3A_222 {strides = array<i32>} : memref<125x128xf32, #tpu.memory_space<vmem>>, vector<1x16xf32>,
      %broadcast_in_dim3A_223 = arith.constant 0.000000e+00 : f32
      %broadcast_in_dim3A_224 = vector.broadcast %broadcast_in_dim3A_223 : f32 to vector<16xf32>
      %jit3A_225 = arith.constant 16 : i32
      %eq3A_226 = arith.constant 0 : i32
      %eq3A_227 = arith.cmpi eq, %jit3A_225, %eq3A_226 : i32
      %jit3A_228 = arith.constant 1 : i32
      %select_n3A_229 = arith.select %eq3A_227, %jit3A_228, %jit3A_225 : i32
      %rem3A_230 = arith.remsi %scan3A_43, %select_n3A_229 : i32
      %ne3A_231 = arith.constant 0 : i32
      %ne3A_232 = arith.cmpi ne, %rem3A_230, %ne3A_231 : i32
      %lt3A_233 = arith.constant 0 : i32
      %lt3A_234 = arith.cmpi slt, %rem3A_230, %lt3A_233 : i32
      %lt3A_235 = arith.constant 0 : i32
      %lt3A_236 = arith.cmpi slt, %select_n3A_229, %lt3A_235 : i32
      %ne3A_237 = arith.xori %lt3A_234, %lt3A_236 : i1
      %and3A_238 = arith.andi %ne3A_237, %ne3A_232 : i1
      %add3A_239 = arith.addi %rem3A_230, %select_n3A_229 : i32
      %select_n3A_240 = arith.select %and3A_238, %add3A_239, %rem3A_230 : i32
      %swap3A_241 = arith.index_cast %select_n3A_240 : i32 to index
      %swap3A_242 = arith.constant 96 : index
      %swap3A_243 = tpu.vector_load %arg7[%swap3A_241, %swap3A_242] {strides = array<i32>} : memref<16x128xf32, #tpu.memory_space<vmem>>, vector<1x16xf32>,
      %swap3A_244 = vector.shape_cast %swap3A_243 : vector<1x16xf32> to vector<16xf32>
      %swap3A_245 = vector.shape_cast %broadcast_in_dim3A_224 : vector<16xf32> to vector<1x16xf32>
      tpu.vector_store %arg7[%swap3A_241, %swap3A_242], %swap3A_245 {strides = array<i32>} : memref<16x128xf32, #tpu.memory_space<vmem>>, vector<1x16xf32>,
      %broadcast_in_dim3A_246 = arith.constant 1.000000e+00 : f32
      %broadcast_in_dim3A_247 = vector.broadcast %broadcast_in_dim3A_246 : f32 to vector<16xf32>
      %swap3A_248 = arith.index_cast %scan3A_43 : i32 to index
      %swap3A_249 = arith.constant 112 : index
      %swap3A_250 = tpu.vector_load %arg6[%swap3A_248, %swap3A_249] {strides = array<i32>} : memref<125x128xf32, #tpu.memory_space<vmem>>, vector<1x16xf32>,
      %swap3A_251 = vector.shape_cast %swap3A_250 : vector<1x16xf32> to vector<16xf32>
      %swap3A_252 = vector.shape_cast %broadcast_in_dim3A_247 : vector<16xf32> to vector<1x16xf32>
      tpu.vector_store %arg6[%swap3A_248, %swap3A_249], %swap3A_252 {strides = array<i32>} : memref<125x128xf32, #tpu.memory_space<vmem>>, vector<1x16xf32>,
      %broadcast_in_dim3A_253 = arith.constant 0.000000e+00 : f32
      %broadcast_in_dim3A_254 = vector.broadcast %broadcast_in_dim3A_253 : f32 to vector<16xf32>
      %jit3A_255 = arith.constant 16 : i32
      %eq3A_256 = arith.constant 0 : i32
      %eq3A_257 = arith.cmpi eq, %jit3A_255, %eq3A_256 : i32
      %jit3A_258 = arith.constant 1 : i32
      %select_n3A_259 = arith.select %eq3A_257, %jit3A_258, %jit3A_255 : i32
      %rem3A_260 = arith.remsi %scan3A_43, %select_n3A_259 : i32
      %ne3A_261 = arith.constant 0 : i32
      %ne3A_262 = arith.cmpi ne, %rem3A_260, %ne3A_261 : i32
      %lt3A_263 = arith.constant 0 : i32
      %lt3A_264 = arith.cmpi slt, %rem3A_260, %lt3A_263 : i32
      %lt3A_265 = arith.constant 0 : i32
      %lt3A_266 = arith.cmpi slt, %select_n3A_259, %lt3A_265 : i32
      %ne3A_267 = arith.xori %lt3A_264, %lt3A_266 : i1
      %and3A_268 = arith.andi %ne3A_267, %ne3A_262 : i1
      %add3A_269 = arith.addi %rem3A_260, %select_n3A_259 : i32
      %select_n3A_270 = arith.select %and3A_268, %add3A_269, %rem3A_260 : i32
      %swap3A_271 = arith.index_cast %select_n3A_270 : i32 to index
      %swap3A_272 = arith.constant 112 : index
      %swap3A_273 = tpu.vector_load %arg7[%swap3A_271, %swap3A_272] {strides = array<i32>} : memref<16x128xf32, #tpu.memory_space<vmem>>, vector<1x16xf32>,
      %swap3A_274 = vector.shape_cast %swap3A_273 : vector<1x16xf32> to vector<16xf32>
      %swap3A_275 = vector.shape_cast %broadcast_in_dim3A_254 : vector<16xf32> to vector<1x16xf32>
      tpu.vector_store %arg7[%swap3A_271, %swap3A_272], %swap3A_275 {strides = array<i32>} : memref<16x128xf32, #tpu.memory_space<vmem>>, vector<1x16xf32>,
      %scan3A_276 = arith.constant 0 : i32
      scf.yield %scan3A_276 : i32
    }
    %scan3A_6 = arith.constant 125 : i32
    %scan3A_7 = arith.constant 0 : i32
    %scan3A_8 = arith.constant 0 : i32
    %scan3A_9 = arith.constant 40 : i32
    %scan3A_10 = arith.addi %scan3A_8, %scan3A_9 : i32
    %scan3A_11 = arith.constant 1 : i32
    %scan3A_12 = scf.for %scan3A_43 = %scan3A_8 to %scan3A_10 step %scan3A_11 iter_args(%scan3A_44 = %scan3A_7) -> (i32)  : i32 {
      %mul3A_45 = arith.constant 640 : i32
      %mul3A_46 = arith.muli %arg1, %mul3A_45 : i32
      %mul3A_47 = arith.constant 16 : i32
      %mul3A_48 = arith.muli %scan3A_43, %mul3A_47 : i32
      %add3A_49 = arith.addi %mul3A_46, %mul3A_48 : i32
      %dma_start3A = arith.constant 0 : i32
      %dma_start3A_50 = tpu.memref_slice %arg4[%add3A_49, %dma_start3A] : memref<10240x128xf32, #tpu.memory_space<vmem_shared>> -> memref<16x128xf32, #tpu.memory_space<vmem_shared>>
      %dma_start3A_51 = arith.constant 0 : i32
      %dma_start3A_52 = tpu.memref_slice %arg4[%add3A_49, %dma_start3A_51] : memref<10240x128xf32, #tpu.memory_space<vmem_shared>> -> memref<16x128xf32, #tpu.memory_space<vmem_shared>>
      tpu.enqueue_dma source(%arg7 : memref<16x128xf32, #tpu.memory_space<vmem>>) target(%dma_start3A_52 : memref<16x128xf32, #tpu.memory_space<vmem_shared>>) target_semaphore(%arg8 : memref<!tpu.dma_semaphore, #tpu.memory_space<semaphore_mem>>)
      %scan3A_53 = arith.constant 0 : i32
      scf.yield %scan3A_53 : i32
    }
    %scan3A_13 = arith.constant 40 : i32
    %scan3A_14 = arith.constant 0 : i32
    %scan3A_15 = arith.constant 0 : i32
    %scan3A_16 = arith.constant 40 : i32
    %scan3A_17 = arith.addi %scan3A_15, %scan3A_16 : i32
    %scan3A_18 = arith.constant 1 : i32
    %scan3A_19 = scf.for %scan3A_43 = %scan3A_15 to %scan3A_17 step %scan3A_18 iter_args(%scan3A_44 = %scan3A_14) -> (i32)  : i32 {
      %mul3A_45 = arith.constant 640 : i32
      %mul3A_46 = arith.muli %arg1, %mul3A_45 : i32
      %dma_wait3A = arith.constant 0 : i32
      %dma_wait3A_47 = tpu.memref_slice %arg4[%mul3A_46, %dma_wait3A] : memref<10240x128xf32, #tpu.memory_space<vmem_shared>> -> memref<16x128xf32, #tpu.memory_space<vmem_shared>>
      %dma_wait3A_48 = arith.constant 0 : i32
      %dma_wait3A_49 = tpu.memref_slice %arg4[%mul3A_46, %dma_wait3A_48] : memref<10240x128xf32, #tpu.memory_space<vmem_shared>> -> memref<16x128xf32, #tpu.memory_space<vmem_shared>>
      tpu.wait_dma2 semaphore(%arg8 : memref<!tpu.dma_semaphore, #tpu.memory_space<semaphore_mem>>) src(%arg7 : memref<16x128xf32, #tpu.memory_space<vmem>>) dst(%dma_wait3A_49 : memref<16x128xf32, #tpu.memory_space<vmem_shared>>)
      %scan3A_50 = arith.constant 0 : i32
      scf.yield %scan3A_50 : i32
    }
    %scan3A_20 = arith.constant 40 : i32
    %barrier3A = arith.constant 0 : index
    tpu.barrier barrier_id(%barrier3A)
    "tpu.region"() ({
      %run_scoped3A = tpu.sem_alloc : memref<!tpu.dma_semaphore, #tpu.memory_space<semaphore_mem>>
      %dma_start3A = arith.constant 0 : i32
      %dma_start3A_43 = arith.constant 0 : i32
      %dma_start3A_44 = tpu.memref_slice %arg2[%add3A, %dma_start3A, %dma_start3A_43] : memref<32x80x125xi32, #tpu.memory_space<hbm>> -> memref<1x80x125xi32, #tpu.memory_space<hbm>>
      %dma_start3A_45 = tpu.memref_squeeze %dma_start3A_44 : memref<1x80x125xi32, #tpu.memory_space<hbm>> -> memref<80x125xi32, #tpu.memory_space<hbm>>
      %dma_start3A_46 = arith.constant 0 : i32
      %dma_start3A_47 = arith.constant 0 : i32
      %dma_start3A_48 = tpu.memref_slice %arg2[%add3A, %dma_start3A_46, %dma_start3A_47] : memref<32x80x125xi32, #tpu.memory_space<hbm>> -> memref<1x80x125xi32, #tpu.memory_space<hbm>>
      %dma_start3A_49 = tpu.memref_squeeze %dma_start3A_48 : memref<1x80x125xi32, #tpu.memory_space<hbm>> -> memref<80x125xi32, #tpu.memory_space<hbm>>
      tpu.enqueue_dma source(%dma_start3A_49 : memref<80x125xi32, #tpu.memory_space<hbm>>) target(%arg5 : memref<80x125xi32, #tpu.memory_space<vmem>>) target_semaphore(%run_scoped3A : memref<!tpu.dma_semaphore, #tpu.memory_space<semaphore_mem>>)
      %dma_wait3A = arith.constant 0 : i32
      %dma_wait3A_50 = arith.constant 0 : i32
      %dma_wait3A_51 = tpu.memref_slice %arg2[%add3A, %dma_wait3A, %dma_wait3A_50] : memref<32x80x125xi32, #tpu.memory_space<hbm>> -> memref<1x80x125xi32, #tpu.memory_space<hbm>>
      %dma_wait3A_52 = tpu.memref_squeeze %dma_wait3A_51 : memref<1x80x125xi32, #tpu.memory_space<hbm>> -> memref<80x125xi32, #tpu.memory_space<hbm>>
      %dma_wait3A_53 = arith.constant 0 : i32
      %dma_wait3A_54 = arith.constant 0 : i32
      %dma_wait3A_55 = tpu.memref_slice %arg2[%add3A, %dma_wait3A_53, %dma_wait3A_54] : memref<32x80x125xi32, #tpu.memory_space<hbm>> -> memref<1x80x125xi32, #tpu.memory_space<hbm>>
      %dma_wait3A_56 = tpu.memref_squeeze %dma_wait3A_55 : memref<1x80x125xi32, #tpu.memory_space<hbm>> -> memref<80x125xi32, #tpu.memory_space<hbm>>
      tpu.wait_dma2 semaphore(%run_scoped3A : memref<!tpu.dma_semaphore, #tpu.memory_space<semaphore_mem>>) src(%dma_wait3A_56 : memref<80x125xi32, #tpu.memory_space<hbm>>) dst(%arg5 : memref<80x125xi32, #tpu.memory_space<vmem>>)
      tpu.yield
    }) : () -> ()
    %scan3A_21 = arith.constant 0 : i32
    %scan3A_22 = arith.constant 0 : i32
    %scan3A_23 = arith.constant 5 : i32
    %scan3A_24 = arith.addi %scan3A_22, %scan3A_23 : i32
    %scan3A_25 = arith.constant 1 : i32
    %scan3A_26 = scf.for %scan3A_43 = %scan3A_22 to %scan3A_24 step %scan3A_25 iter_args(%scan3A_44 = %scan3A_21) -> (i32)  : i32 {
      %scan3A_45 = arith.constant 0 : i32
      %scan3A_46 = arith.constant 0 : i32
      %scan3A_47 = arith.constant 16 : i32
      %scan3A_48 = arith.addi %scan3A_46, %scan3A_47 : i32
      %scan3A_49 = arith.constant 1 : i32
      %scan3A_50 = scf.for %scan3A_60 = %scan3A_46 to %scan3A_48 step %scan3A_49 iter_args(%scan3A_61 = %scan3A_45) -> (i32)  : i32 {
        %mul3A_62 = arith.constant 16 : i32
        %mul3A_63 = arith.muli %scan3A_43, %mul3A_62 : i32
        %add3A_64 = arith.addi %mul3A_63, %scan3A_60 : i32
        %dma_start3A = arith.constant 0 : i32
        %dma_start3A_65 = tpu.memref_slice %arg5[%add3A_64, %dma_start3A] : memref<80x125xi32, #tpu.memory_space<vmem>> -> memref<1x125xi32, #tpu.memory_space<vmem>>
        %dma_start3A_66 = tpu.memref_squeeze %dma_start3A_65 : memref<1x125xi32, #tpu.memory_space<vmem>> -> memref<125xi32, #tpu.memory_space<vmem>>
        %dma_start3A_67 = arith.constant 0 : i32
        %dma_start3A_68 = arith.constant 0 : i32
        %dma_start3A_69 = tpu.memref_slice %arg4[%dma_start3A_67, %dma_start3A_68] : memref<10240x128xf32, #tpu.memory_space<vmem_shared>> -> memref<10240x128xf32, #tpu.memory_space<vmem_shared>>
        tpu.enqueue_indirect_dma source(%arg6 : memref<125x128xf32, #tpu.memory_space<vmem>>) target(%dma_start3A_69 : memref<10240x128xf32, #tpu.memory_space<vmem_shared>>) offsets(%dma_start3A_66 : memref<125xi32, #tpu.memory_space<vmem>>) semaphore(%arg8 : memref<!tpu.dma_semaphore, #tpu.memory_space<semaphore_mem>>) {add = true}
        %scan3A_70 = arith.constant 0 : i32
        scf.yield %scan3A_70 : i32
      }
      %scan3A_51 = arith.constant 16 : i32
      %scan3A_52 = arith.constant 0 : i32
      %scan3A_53 = arith.constant 0 : i32
      %scan3A_54 = arith.constant 16 : i32
      %scan3A_55 = arith.addi %scan3A_53, %scan3A_54 : i32
      %scan3A_56 = arith.constant 1 : i32
      %scan3A_57 = scf.for %scan3A_60 = %scan3A_53 to %scan3A_55 step %scan3A_56 iter_args(%scan3A_61 = %scan3A_52) -> (i32)  : i32 {
        %dma_wait3A = arith.constant 0 : i32
        %dma_wait3A_62 = arith.constant 0 : i32
        %dma_wait3A_63 = tpu.memref_slice %arg5[%dma_wait3A, %dma_wait3A_62] : memref<80x125xi32, #tpu.memory_space<vmem>> -> memref<1x125xi32, #tpu.memory_space<vmem>>
        %dma_wait3A_64 = tpu.memref_squeeze %dma_wait3A_63 : memref<1x125xi32, #tpu.memory_space<vmem>> -> memref<125xi32, #tpu.memory_space<vmem>>
        %dma_wait3A_65 = arith.constant 0 : i32
        %dma_wait3A_66 = arith.constant 0 : i32
        %dma_wait3A_67 = tpu.memref_slice %arg4[%dma_wait3A_65, %dma_wait3A_66] : memref<10240x128xf32, #tpu.memory_space<vmem_shared>> -> memref<10240x128xf32, #tpu.memory_space<vmem_shared>>
        tpu.wait_indirect_dma semaphore(%arg8 : memref<!tpu.dma_semaphore, #tpu.memory_space<semaphore_mem>>) src(%arg6 : memref<125x128xf32, #tpu.memory_space<vmem>>) dst(%dma_wait3A_67 : memref<10240x128xf32, #tpu.memory_space<vmem_shared>>)
        %scan3A_68 = arith.constant 0 : i32
        scf.yield %scan3A_68 : i32
      }
      %scan3A_58 = arith.constant 16 : i32
      %scan3A_59 = arith.constant 0 : i32
      scf.yield %scan3A_59 : i32
    }
    %scan3A_27 = arith.constant 5 : i32
    %barrier3A_28 = arith.constant 0 : index
    tpu.barrier barrier_id(%barrier3A_28)
    %scan3A_29 = arith.constant 0 : i32
    %scan3A_30 = arith.constant 0 : i32
    %scan3A_31 = arith.constant 10 : i32
    %scan3A_32 = arith.addi %scan3A_30, %scan3A_31 : i32
    %scan3A_33 = arith.constant 1 : i32
    %scan3A_34 = scf.for %scan3A_43 = %scan3A_30 to %scan3A_32 step %scan3A_33 iter_args(%scan3A_44 = %scan3A_29) -> (i32)  : i32 {
      %mul3A_45 = arith.constant 640 : i32
      %mul3A_46 = arith.muli %arg1, %mul3A_45 : i32
      %mul3A_47 = arith.constant 64 : i32
      %mul3A_48 = arith.muli %scan3A_43, %mul3A_47 : i32
      %add3A_49 = arith.addi %mul3A_46, %mul3A_48 : i32
      %dma_start3A = arith.constant 0 : i32
      %dma_start3A_50 = tpu.memref_slice %arg3[%arg0, %add3A_49, %dma_start3A] : memref<2x10240x128xf32, #tpu.memory_space<hbm>> -> memref<1x64x128xf32, #tpu.memory_space<hbm>>
      %dma_start3A_51 = tpu.memref_squeeze %dma_start3A_50 : memref<1x64x128xf32, #tpu.memory_space<hbm>> -> memref<64x128xf32, #tpu.memory_space<hbm>>
      %dma_start3A_52 = arith.constant 0 : i32
      %dma_start3A_53 = tpu.memref_slice %arg4[%add3A_49, %dma_start3A_52] : memref<10240x128xf32, #tpu.memory_space<vmem_shared>> -> memref<64x128xf32, #tpu.memory_space<vmem_shared>>
      tpu.enqueue_dma source(%dma_start3A_53 : memref<64x128xf32, #tpu.memory_space<vmem_shared>>) target(%dma_start3A_51 : memref<64x128xf32, #tpu.memory_space<hbm>>) target_semaphore(%arg8 : memref<!tpu.dma_semaphore, #tpu.memory_space<semaphore_mem>>)
      %scan3A_54 = arith.constant 0 : i32
      scf.yield %scan3A_54 : i32
    }
    %scan3A_35 = arith.constant 10 : i32
    %scan3A_36 = arith.constant 0 : i32
    %scan3A_37 = arith.constant 0 : i32
    %scan3A_38 = arith.constant 10 : i32
    %scan3A_39 = arith.addi %scan3A_37, %scan3A_38 : i32
    %scan3A_40 = arith.constant 1 : i32
    %scan3A_41 = scf.for %scan3A_43 = %scan3A_37 to %scan3A_39 step %scan3A_40 iter_args(%scan3A_44 = %scan3A_36) -> (i32)  : i32 {
      %mul3A_45 = arith.constant 640 : i32
      %mul3A_46 = arith.muli %arg1, %mul3A_45 : i32
      %dma_wait3A = arith.constant 0 : i32
      %dma_wait3A_47 = tpu.memref_slice %arg3[%arg0, %mul3A_46, %dma_wait3A] : memref<2x10240x128xf32, #tpu.memory_space<hbm>> -> memref<1x64x128xf32, #tpu.memory_space<hbm>>
      %dma_wait3A_48 = tpu.memref_squeeze %dma_wait3A_47 : memref<1x64x128xf32, #tpu.memory_space<hbm>> -> memref<64x128xf32, #tpu.memory_space<hbm>>
      %dma_wait3A_49 = arith.constant 0 : i32
      %dma_wait3A_50 = tpu.memref_slice %arg4[%mul3A_46, %dma_wait3A_49] : memref<10240x128xf32, #tpu.memory_space<vmem_shared>> -> memref<64x128xf32, #tpu.memory_space<vmem_shared>>
      tpu.wait_dma2 semaphore(%arg8 : memref<!tpu.dma_semaphore, #tpu.memory_space<semaphore_mem>>) src(%dma_wait3A_50 : memref<64x128xf32, #tpu.memory_space<vmem_shared>>) dst(%dma_wait3A_48 : memref<64x128xf32, #tpu.memory_space<hbm>>)
      %scan3A_51 = arith.constant 0 : i32
      scf.yield %scan3A_51 : i32
    }
    %scan3A_42 = arith.constant 10 : i32
    return
  }
}

module attributes {stable_mosaic.version = 14 : i64} {
  func.func @_tc_pre_body(%arg0: i32, %arg1: memref<2x1024x128xf32, #tpu.memory_space<vmem>>, %arg2: memref<1024x128xf32, #tpu.memory_space<vmem>>, %arg3: memref<1024x128xf32, #tpu.memory_space<vmem>>, %arg4: memref<1024x128xf32, #tpu.memory_space<vmem>>) attributes {dimension_semantics = [#tpu.dimension_semantics<arbitrary>], iteration_bounds = array<i64: 10>, scalar_prefetch = 0 : i64, scratch_operands = 0 : i64, tpu.core_type = #tpu.core_type<tc>, window_params = [{transform_indices = @transform_0, window_bounds = array<i64: 2, 1024, 128>}, {transform_indices = @transform_1, window_bounds = array<i64: 1024, 128>}, {transform_indices = @transform_2, window_bounds = array<i64: 1024, 128>}, {transform_indices = @transform_3, window_bounds = array<i64: 1024, 128>}]} {
    %get3A = arith.constant 0 : index
    %get3A_0 = arith.constant 0 : index
    %get3A_1 = arith.constant 0 : index
    %get3A_2 = vector.load %arg1[%get3A, %get3A_0, %get3A_1] : memref<2x1024x128xf32, #tpu.memory_space<vmem>>, vector<1x1024x128xf32>
    %get3A_3 = vector.shape_cast %get3A_2 : vector<1x1024x128xf32> to vector<1024x128xf32>
    %get3A_4 = arith.constant 1 : index
    %get3A_5 = arith.constant 0 : index
    %get3A_6 = arith.constant 0 : index
    %get3A_7 = vector.load %arg1[%get3A_4, %get3A_5, %get3A_6] : memref<2x1024x128xf32, #tpu.memory_space<vmem>>, vector<1x1024x128xf32>
    %get3A_8 = vector.shape_cast %get3A_7 : vector<1x1024x128xf32> to vector<1024x128xf32>
    %add3A = arith.addf %get3A_3, %get3A_8 : vector<1024x128xf32>
    %add3A_9 = arith.constant 1.000000e+00 : f32
    %add3A_10 = vector.broadcast %add3A_9 : f32 to vector<1024x128xf32>
    %add3A_11 = arith.addf %add3A, %add3A_10 : vector<1024x128xf32>
    %rsqrt3A = math.rsqrt %add3A_11 : vector<1024x128xf32>
    %swap3A = arith.constant 0 : index
    %swap3A_12 = arith.constant 0 : index
    %swap3A_13 = vector.load %arg4[%swap3A, %swap3A_12] : memref<1024x128xf32, #tpu.memory_space<vmem>>, vector<1024x128xf32>
    tpu.vector_store %arg4[%swap3A, %swap3A_12], %rsqrt3A {strides = array<i32>} : memref<1024x128xf32, #tpu.memory_space<vmem>>, vector<1024x128xf32>,
    %get3A_14 = arith.constant 0 : index
    %get3A_15 = arith.constant 0 : index
    %get3A_16 = vector.load %arg2[%get3A_14, %get3A_15] : memref<1024x128xf32, #tpu.memory_space<vmem>>, vector<1024x128xf32>
    %mul3A = arith.mulf %get3A_16, %rsqrt3A : vector<1024x128xf32>
    %swap3A_17 = arith.constant 0 : index
    %swap3A_18 = arith.constant 0 : index
    %swap3A_19 = vector.load %arg3[%swap3A_17, %swap3A_18] : memref<1024x128xf32, #tpu.memory_space<vmem>>, vector<1024x128xf32>
    tpu.vector_store %arg3[%swap3A_17, %swap3A_18], %mul3A {strides = array<i32>} : memref<1024x128xf32, #tpu.memory_space<vmem>>, vector<1024x128xf32>,
    return
  }
  func.func @transform_0(%arg0: i32) -> (i32, i32, i32) {
    %c0_i32 = arith.constant 0 : i32
    %c0_i32_0 = arith.constant 0 : i32
    %c0_i32_1 = arith.constant 0 : i32
    return %c0_i32, %arg0, %c0_i32_0 : i32, i32, i32
  }
  func.func @transform_1(%arg0: i32) -> (i32, i32) {
    %c0_i32 = arith.constant 0 : i32
    %c0_i32_0 = arith.constant 0 : i32
    return %arg0, %c0_i32 : i32, i32
  }
  func.func @transform_2(%arg0: i32) -> (i32, i32) {
    %c0_i32 = arith.constant 0 : i32
    %c0_i32_0 = arith.constant 0 : i32
    return %arg0, %c0_i32 : i32, i32
  }
  func.func @transform_3(%arg0: i32) -> (i32, i32) {
    %c0_i32 = arith.constant 0 : i32
    %c0_i32_0 = arith.constant 0 : i32
    return %arg0, %c0_i32 : i32, i32
  }
}

module attributes {stable_mosaic.version = 14 : i64} {
  func.func @_tc_mm_body(%arg0: i32, %arg1: memref<2x1000x128xf32, #tpu.memory_space<vmem>>, %arg2: memref<1000x128xf32, #tpu.memory_space<vmem>>, %arg3: memref<1000x128xf32, #tpu.memory_space<vmem>>, %arg4: memref<128x256xf32, #tpu.memory_space<vmem>>, %arg5: memref<1x256xf32, #tpu.memory_space<vmem>>, %arg6: memref<256x128xf32, #tpu.memory_space<vmem>>, %arg7: memref<1000x256xf32, #tpu.memory_space<vmem>>, %arg8: memref<1000x128xf32, #tpu.memory_space<vmem>>) attributes {dimension_semantics = [#tpu.dimension_semantics<arbitrary>], iteration_bounds = array<i64: 10>, scalar_prefetch = 0 : i64, scratch_operands = 0 : i64, tpu.core_type = #tpu.core_type<tc>, window_params = [{transform_indices = @transform_0, window_bounds = array<i64: 2, 1000, 128>}, {transform_indices = @transform_1, window_bounds = array<i64: 1000, 128>}, {transform_indices = @transform_2, window_bounds = array<i64: 1000, 128>}, {pipeline_mode = #tpu.pipeline_mode<synchronous>, transform_indices = @transform_3, window_bounds = array<i64: 128, 256>}, {pipeline_mode = #tpu.pipeline_mode<synchronous>, transform_indices = @transform_4, window_bounds = array<i64: 1, 256>}, {pipeline_mode = #tpu.pipeline_mode<synchronous>, transform_indices = @transform_5, window_bounds = array<i64: 256, 128>}, {transform_indices = @transform_6, window_bounds = array<i64: 1000, 256>}, {transform_indices = @transform_7, window_bounds = array<i64: 1000, 128>}]} {
    %get3A = arith.constant 0 : index
    %get3A_0 = arith.constant 0 : index
    %get3A_1 = arith.constant 0 : index
    %get3A_2 = vector.load %arg1[%get3A, %get3A_0, %get3A_1] : memref<2x1000x128xf32, #tpu.memory_space<vmem>>, vector<1x1000x128xf32>
    %get3A_3 = vector.shape_cast %get3A_2 : vector<1x1000x128xf32> to vector<1000x128xf32>
    %get3A_4 = arith.constant 1 : index
    %get3A_5 = arith.constant 0 : index
    %get3A_6 = arith.constant 0 : index
    %get3A_7 = vector.load %arg1[%get3A_4, %get3A_5, %get3A_6] : memref<2x1000x128xf32, #tpu.memory_space<vmem>>, vector<1x1000x128xf32>
    %get3A_8 = vector.shape_cast %get3A_7 : vector<1x1000x128xf32> to vector<1000x128xf32>
    %add3A = arith.addf %get3A_3, %get3A_8 : vector<1000x128xf32>
    %get3A_9 = arith.constant 0 : index
    %get3A_10 = arith.constant 0 : index
    %get3A_11 = vector.load %arg2[%get3A_9, %get3A_10] : memref<1000x128xf32, #tpu.memory_space<vmem>>, vector<1000x128xf32>
    %add3A_12 = arith.addf %add3A, %get3A_11 : vector<1000x128xf32>
    %get3A_13 = arith.constant 0 : index
    %get3A_14 = arith.constant 0 : index
    %get3A_15 = vector.load %arg3[%get3A_13, %get3A_14] : memref<1000x128xf32, #tpu.memory_space<vmem>>, vector<1000x128xf32>
    %mul3A = arith.mulf %add3A_12, %get3A_15 : vector<1000x128xf32>
    %get3A_16 = arith.constant 0 : index
    %get3A_17 = arith.constant 0 : index
    %get3A_18 = vector.load %arg4[%get3A_16, %get3A_17] : memref<128x256xf32, #tpu.memory_space<vmem>>, vector<128x256xf32>
    %dot_general3A = arith.constant dense<0.000000e+00> : vector<1000x256xf32>
    %dot_general3A_19 = tpu.matmul %mul3A, %get3A_18, %dot_general3A {dimension_numbers = #tpu.dot_dimension_numbers<[1], [0], [0], [1], [0, 0, 1, 1], [], []>, transpose_lhs_hint = false} : vector<1000x128xf32>, vector<128x256xf32>, vector<1000x256xf32> -> vector<1000x256xf32>
    %get3A_20 = arith.constant 0 : index
    %get3A_21 = arith.constant 0 : index
    %get3A_22 = vector.load %arg5[%get3A_20, %get3A_21] : memref<1x256xf32, #tpu.memory_space<vmem>>, vector<1x256xf32>
    %add3A_23 = vector.broadcast %get3A_22 : vector<1x256xf32> to vector<1000x256xf32>
    %add3A_24 = arith.addf %dot_general3A_19, %add3A_23 : vector<1000x256xf32>
    %max3A = arith.constant 0.000000e+00 : f32
    %max3A_25 = vector.broadcast %max3A : f32 to vector<1000x256xf32>
    %max3A_26 = arith.maximumf %add3A_24, %max3A_25 : vector<1000x256xf32>
    %swap3A = arith.constant 0 : index
    %swap3A_27 = arith.constant 0 : index
    %swap3A_28 = vector.load %arg7[%swap3A, %swap3A_27] : memref<1000x256xf32, #tpu.memory_space<vmem>>, vector<1000x256xf32>
    tpu.vector_store %arg7[%swap3A, %swap3A_27], %max3A_26 {strides = array<i32>} : memref<1000x256xf32, #tpu.memory_space<vmem>>, vector<1000x256xf32>,
    %get3A_29 = arith.constant 0 : index
    %get3A_30 = arith.constant 0 : index
    %get3A_31 = vector.load %arg6[%get3A_29, %get3A_30] : memref<256x128xf32, #tpu.memory_space<vmem>>, vector<256x128xf32>
    %dot_general3A_32 = arith.constant dense<0.000000e+00> : vector<1000x128xf32>
    %dot_general3A_33 = tpu.matmul %max3A_26, %get3A_31, %dot_general3A_32 {dimension_numbers = #tpu.dot_dimension_numbers<[1], [0], [0], [1], [0, 0, 1, 1], [], []>, transpose_lhs_hint = false} : vector<1000x256xf32>, vector<256x128xf32>, vector<1000x128xf32> -> vector<1000x128xf32>
    %get3A_34 = arith.constant 0 : index
    %get3A_35 = arith.constant 0 : index
    %get3A_36 = vector.load %arg3[%get3A_34, %get3A_35] : memref<1000x128xf32, #tpu.memory_space<vmem>>, vector<1000x128xf32>
    %mul3A_37 = arith.mulf %dot_general3A_33, %get3A_36 : vector<1000x128xf32>
    %swap3A_38 = arith.constant 0 : index
    %swap3A_39 = arith.constant 0 : index
    %swap3A_40 = vector.load %arg8[%swap3A_38, %swap3A_39] : memref<1000x128xf32, #tpu.memory_space<vmem>>, vector<1000x128xf32>
    tpu.vector_store %arg8[%swap3A_38, %swap3A_39], %mul3A_37 {strides = array<i32>} : memref<1000x128xf32, #tpu.memory_space<vmem>>, vector<1000x128xf32>,
    return
  }
  func.func @transform_0(%arg0: i32) -> (i32, i32, i32) {
    %c0_i32 = arith.constant 0 : i32
    %c0_i32_0 = arith.constant 0 : i32
    %c0_i32_1 = arith.constant 0 : i32
    return %c0_i32, %arg0, %c0_i32_0 : i32, i32, i32
  }
  func.func @transform_1(%arg0: i32) -> (i32, i32) {
    %c0_i32 = arith.constant 0 : i32
    %c0_i32_0 = arith.constant 0 : i32
    return %arg0, %c0_i32 : i32, i32
  }
  func.func @transform_2(%arg0: i32) -> (i32, i32) {
    %c0_i32 = arith.constant 0 : i32
    %c0_i32_0 = arith.constant 0 : i32
    return %arg0, %c0_i32 : i32, i32
  }
  func.func @transform_3(%arg0: i32) -> (i32, i32) {
    %c0_i32 = arith.constant 0 : i32
    %c0_i32_0 = arith.constant 0 : i32
    %c0_i32_1 = arith.constant 0 : i32
    return %c0_i32, %c0_i32_0 : i32, i32
  }
  func.func @transform_4(%arg0: i32) -> (i32, i32) {
    %c0_i32 = arith.constant 0 : i32
    %c0_i32_0 = arith.constant 0 : i32
    %c0_i32_1 = arith.constant 0 : i32
    return %c0_i32, %c0_i32_0 : i32, i32
  }
  func.func @transform_5(%arg0: i32) -> (i32, i32) {
    %c0_i32 = arith.constant 0 : i32
    %c0_i32_0 = arith.constant 0 : i32
    %c0_i32_1 = arith.constant 0 : i32
    return %c0_i32, %c0_i32_0 : i32, i32
  }
  func.func @transform_6(%arg0: i32) -> (i32, i32) {
    %c0_i32 = arith.constant 0 : i32
    %c0_i32_0 = arith.constant 0 : i32
    return %arg0, %c0_i32 : i32, i32
  }
  func.func @transform_7(%arg0: i32) -> (i32, i32) {
    %c0_i32 = arith.constant 0 : i32
    %c0_i32_0 = arith.constant 0 : i32
    return %arg0, %c0_i32 : i32, i32
  }
}

module attributes {stable_mosaic.version = 14 : i64} {
  func.func @_tc_fin_body(%arg0: i32, %arg1: memref<2x1000x128xf32, #tpu.memory_space<vmem>>, %arg2: memref<1000x128xf32, #tpu.memory_space<vmem>>, %arg3: memref<1000x128xf32, #tpu.memory_space<vmem>>, %arg4: memref<1x128xf32, #tpu.memory_space<vmem>>, %arg5: memref<1000x128xf32, #tpu.memory_space<vmem>>) attributes {dimension_semantics = [#tpu.dimension_semantics<arbitrary>], iteration_bounds = array<i64: 10>, scalar_prefetch = 0 : i64, scratch_operands = 0 : i64, tpu.core_type = #tpu.core_type<tc>, window_params = [{transform_indices = @transform_0, window_bounds = array<i64: 2, 1000, 128>}, {transform_indices = @transform_1, window_bounds = array<i64: 1000, 128>}, {transform_indices = @transform_2, window_bounds = array<i64: 1000, 128>}, {pipeline_mode = #tpu.pipeline_mode<synchronous>, transform_indices = @transform_3, window_bounds = array<i64: 1, 128>}, {transform_indices = @transform_4, window_bounds = array<i64: 1000, 128>}]} {
    %get3A = arith.constant 0 : index
    %get3A_0 = arith.constant 0 : index
    %get3A_1 = arith.constant 0 : index
    %get3A_2 = vector.load %arg1[%get3A, %get3A_0, %get3A_1] : memref<2x1000x128xf32, #tpu.memory_space<vmem>>, vector<1x1000x128xf32>
    %get3A_3 = vector.shape_cast %get3A_2 : vector<1x1000x128xf32> to vector<1000x128xf32>
    %get3A_4 = arith.constant 1 : index
    %get3A_5 = arith.constant 0 : index
    %get3A_6 = arith.constant 0 : index
    %get3A_7 = vector.load %arg1[%get3A_4, %get3A_5, %get3A_6] : memref<2x1000x128xf32, #tpu.memory_space<vmem>>, vector<1x1000x128xf32>
    %get3A_8 = vector.shape_cast %get3A_7 : vector<1x1000x128xf32> to vector<1000x128xf32>
    %add3A = arith.addf %get3A_3, %get3A_8 : vector<1000x128xf32>
    %get3A_9 = arith.constant 0 : index
    %get3A_10 = arith.constant 0 : index
    %get3A_11 = vector.load %arg2[%get3A_9, %get3A_10] : memref<1000x128xf32, #tpu.memory_space<vmem>>, vector<1000x128xf32>
    %add3A_12 = arith.addf %add3A, %get3A_11 : vector<1000x128xf32>
    %get3A_13 = arith.constant 0 : index
    %get3A_14 = arith.constant 0 : index
    %get3A_15 = vector.load %arg3[%get3A_13, %get3A_14] : memref<1000x128xf32, #tpu.memory_space<vmem>>, vector<1000x128xf32>
    %mul3A = arith.mulf %add3A_12, %get3A_15 : vector<1000x128xf32>
    %get3A_16 = arith.constant 0 : index
    %get3A_17 = arith.constant 0 : index
    %get3A_18 = vector.load %arg4[%get3A_16, %get3A_17] : memref<1x128xf32, #tpu.memory_space<vmem>>, vector<1x128xf32>
    %add3A_19 = vector.broadcast %get3A_18 : vector<1x128xf32> to vector<1000x128xf32>
    %add3A_20 = arith.addf %mul3A, %add3A_19 : vector<1000x128xf32>
    %swap3A = arith.constant 0 : index
    %swap3A_21 = arith.constant 0 : index
    %swap3A_22 = vector.load %arg5[%swap3A, %swap3A_21] : memref<1000x128xf32, #tpu.memory_space<vmem>>, vector<1000x128xf32>
    tpu.vector_store %arg5[%swap3A, %swap3A_21], %add3A_20 {strides = array<i32>} : memref<1000x128xf32, #tpu.memory_space<vmem>>, vector<1000x128xf32>,
    return
  }
  func.func @transform_0(%arg0: i32) -> (i32, i32, i32) {
    %c0_i32 = arith.constant 0 : i32
    %c0_i32_0 = arith.constant 0 : i32
    %c0_i32_1 = arith.constant 0 : i32
    return %c0_i32, %arg0, %c0_i32_0 : i32, i32, i32
  }
  func.func @transform_1(%arg0: i32) -> (i32, i32) {
    %c0_i32 = arith.constant 0 : i32
    %c0_i32_0 = arith.constant 0 : i32
    return %arg0, %c0_i32 : i32, i32
  }
  func.func @transform_2(%arg0: i32) -> (i32, i32) {
    %c0_i32 = arith.constant 0 : i32
    %c0_i32_0 = arith.constant 0 : i32
    return %arg0, %c0_i32 : i32, i32
  }
  func.func @transform_3(%arg0: i32) -> (i32, i32) {
    %c0_i32 = arith.constant 0 : i32
    %c0_i32_0 = arith.constant 0 : i32
    %c0_i32_1 = arith.constant 0 : i32
    return %c0_i32, %c0_i32_0 : i32, i32
  }
  func.func @transform_4(%arg0: i32) -> (i32, i32) {
    %c0_i32 = arith.constant 0 : i32
    %c0_i32_0 = arith.constant 0 : i32
    return %arg0, %c0_i32 : i32, i32
  }
}

</mosaic_0001>

<sc_bundles>
// kernel: kernel.11.cloned.1.call-start
scs
__scs_entry_jumppad:
0x0: {  	(pc) =	sbr.rel $0x88, $3  }
0x1: {  	(tag) =	ssettag $0x0;
	lr =	simm.s32 $0x1  }
0x2: {  	[smem:$0x3F9B] =	sst lr;
	_ =	strace $0xD0000000  }
0x3: {  	_ = 	snop  }
0x4: {  	_ = 	snop  }
0x5: {  	_ = 	snop  }
0x6: {  	_ = 	snop  }
0x7: {  	_ = 	snop  }
__scs_overlays_trampoline_lowered:
0x8: {  	[smem:$0x3FAA] =	sst s0  }
0x9: {  	[smem:$0x3FAB] =	sst s1  }
0xa: {  	[smem:$0x3FAC] =	sst s2  }
0xb: {  	[smem:$0x3FAD] =	sst s3  }
0xc: {  	[smem:$0x3FAE] =	sst s4  }
0xd: {  	[smem:$0x3FAF] =	sst s5  }
0xe: {  	[smem:$0x3FB0] =	sst s6  }
0xf: {  	[smem:$0x3FB1] =	sst s7  }
0x10: {  	[smem:$0x3FB2] =	sst s8  }
0x11: {  	[smem:$0x3FB3] =	sst s9;
	s0 =	simm.s32 @!p0 $0x0  }
0x12: {  	s1 =	sld [smem:$0x3F99];
	s0 =	simm.s32 @p0 $0x1  }
0x13: {  	[smem:$0x3FB4] =	sst s0;
	s0 =	simm.s32 @!p1 $0x0  }
0x14: {  	s2 =	sld [smem:$0x3F98];
	s0 =	simm.s32 @p1 $0x1  }
0x15: {  	[smem:$0x3FB5] =	sst s0;
	s0 =	simm.s32 @!p2 $0x0  }
0x16: {  	s3 =	sld [smem:$0x3FDB];
	s0 =	simm.s32 @p2 $0x1  }
0x17: {  	s4 =	simm.s32 $0x1BF5;
	[smem:$0x3FB7] =	sst s0  }
0x18: {  	s0 =	sld [smem:$0x3F9A];
	_ =	swait.ge [sflag:s4], $0x0  }
0x19: {  	s7 =	sld [smem:$0x3F9B]  }
0x1a: {  	s8 =	sadd.s32 $0xFFFFE003, lr  }
0x1b: {  	s9 =	sadd.s32 $0xFFFFFEF7, lr;
	s5 =	simm.s32 $0xFFFFFFFF;
	p2 =	slt.u32 s8, $0xFFFFF086  }
0x1c: {  	p1 =	slt.u32 s9, $0xF7A;
	s5 =	simm.s32 @!p2 $0x0  }
0x1d: {  	s5 =	simm.s32 @p1 $0x1;
	p0 =	seq.s32 s7, s2  }
0x1e: {  	s7 =	smul.u32 @!p0 $0xF7A, s2;
	p2 =	seq.s32 @!p0 s5, $0x0  }
0x1f: {  	s9 =	smul.u32 $0xF7A, s1;
	s8 =	simm.s32 @!p0 $0x1BF5;
	p2 =	por !p2, p0  }
0x20: {  	[sflag:s8] =	ssyncset.s32 @!p0 $0xFFFFF086;
	s6 =	sadd.s32 @!p0 s3, s7;
	s7 =	simm.s32 @!p0 $0x108  }
0x21: {  	s3 =	sadd.s32 s3, s9;
	s6 =	sadd.s32 @!p0 $0x88, s6;
	s7 =	simm.s32 @p2 $0x1082  }
0x22: {  	[simem:s7], [sflag:s8] =	dma.local @!p0 [hbm:s6], $0xF7A  }
0x23: {  	s9 =	sor.u32 $0xD0000000, s2;
	s6 =	simm.s32 $0x108;
	_ =	swait.ge @!p0 [sflag:s8], $0x0  }
0x24: {  	s3 =	sadd.s32 $0x88, s3;
	s6 =	simm.s32 @!p1 $0x1082;
	[sflag:s4] =	ssyncset.s32 $0xFFFFF086  }
0x25: {  	[simem:s6], [sflag:s4] =	dma.local [hbm:s3], $0xF7A  }
0x26: {  	[smem:$0x3F9B] =	sst s1;
	(tag) =	ssettag s2;
	_ =	strace s9  }
0x27: {  	s1 =	sld [smem:$0x3FAB]  }
0x28: {  	s2 =	sld [smem:$0x3FAC]  }
0x29: {  	s4 =	sld [smem:$0x3FAE]  }
0x2a: {  	p0 =	seq.s32 s5, $0x0;
	s5 =	sld [smem:$0x3FAF]  }
0x2b: {  	s6 =	sld [smem:$0x3FB0]  }
0x2c: {  	s7 =	sld [smem:$0x3FB1]  }
0x2d: {  	s3 =	simm.s32 $0x108;
	s8 =	sld [smem:$0x3FB2]  }
0x2e: {  	s3 =	simm.s32 @!p0 $0x1082;
	s9 =	sld [smem:$0x3FB3]  }
0x2f: {  	lr =	sadd.s32 s0, s3;
	s0 =	sld [smem:$0x3FAA]  }
0x30: {  	s3 =	sld [smem:$0x3FAD]  }
0x31: {  	[smem:$0x3FB6] =	sst s10  }
0x32: {  	s10 =	sld [smem:$0x3FB4];
	_ =	sdelay $0x3  }
0x33: {  	p0 =	seq.s32 s10, $0x1;
	s10 =	sld [smem:$0x3FB6];
	_ =	sdelay $0x3  }
0x34: {  	[smem:$0x3FB6] =	sst s10  }
0x35: {  	s10 =	sld [smem:$0x3FB5];
	_ =	sdelay $0x3  }
0x36: {  	p1 =	seq.s32 s10, $0x1;
	s10 =	sld [smem:$0x3FB6];
	_ =	sdelay $0x3  }
0x37: {  	[smem:$0x3FB6] =	sst s10  }
0x38: {  	s10 =	sld [smem:$0x3FB7]  }
0x39: {  	_ = 	snop;
	(pc) =	sbr.ind lr, $3  }
0x3a: {  	_ = 	snop  }
0x3b: {  	_ = 	snop  }
0x3c: {  	p2 =	seq.s32 s10, $0x1;
	s10 =	sld [smem:$0x3FB6]  }
0x3d: {  	_ =	shalt  }
0x3e: {  	_ =	shalt  }
0x3f: {  	_ =	shalt  }
0x40: {  	_ =	shalt  }
0x41: {  	_ =	shalt  }
0x42: {  	_ =	shalt  }
0x43: {  	_ =	shalt  }
0x44: {  	_ =	shalt  }
0x45: {  	_ =	shalt  }
0x46: {  	_ =	shalt  }
0x47: {  	_ =	shalt  }
0x48: {  	_ =	shalt  }
0x49: {  	_ =	shalt  }
0x4a: {  	_ =	shalt  }
0x4b: {  	_ =	shalt  }
0x4c: {  	_ =	shalt  }
0x4d: {  	_ =	shalt  }
0x4e: {  	_ =	shalt  }
0x4f: {  	_ =	shalt  }
0x50: {  	_ =	shalt  }
0x51: {  	_ =	shalt  }
0x52: {  	_ =	shalt  }
0x53: {  	_ =	shalt  }
0x54: {  	_ =	shalt  }
0x55: {  	_ =	shalt  }
0x56: {  	_ =	shalt  }
0x57: {  	_ =	shalt  }
0x58: {  	_ =	shalt  }
0x59: {  	_ =	shalt  }
0x5a: {  	_ =	shalt  }
0x5b: {  	_ =	shalt  }
0x5c: {  	_ =	shalt  }
0x5d: {  	_ =	shalt  }
0x5e: {  	_ =	shalt  }
0x5f: {  	_ =	shalt  }
0x60: {  	_ =	shalt  }
0x61: {  	_ =	shalt  }
0x62: {  	_ =	shalt  }
0x63: {  	_ =	shalt  }
0x64: {  	_ =	shalt  }
0x65: {  	_ =	shalt  }
0x66: {  	_ =	shalt  }
0x67: {  	_ =	shalt  }
0x68: {  	_ =	shalt  }
0x69: {  	_ =	shalt  }
0x6a: {  	_ =	shalt  }
0x6b: {  	_ =	shalt  }
0x6c: {  	_ =	shalt  }
0x6d: {  	_ =	shalt  }
0x6e: {  	_ =	shalt  }
0x6f: {  	_ =	shalt  }
0x70: {  	_ =	shalt  }
0x71: {  	_ =	shalt  }
0x72: {  	_ =	shalt  }
0x73: {  	_ =	shalt  }
0x74: {  	_ =	shalt  }
0x75: {  	_ =	shalt  }
0x76: {  	_ =	shalt  }
0x77: {  	_ =	shalt  }
0x78: {  	_ =	shalt  }
0x79: {  	_ =	shalt  }
0x7a: {  	_ =	shalt  }
0x7b: {  	_ =	shalt  }
0x7c: {  	_ =	shalt  }
0x7d: {  	_ =	shalt  }
0x7e: {  	_ =	shalt  }
0x7f: {  	_ =	shalt  }
0x80: {  	_ =	shalt  }
0x81: {  	_ =	shalt  }
0x82: {  	_ =	shalt  }
0x83: {  	_ =	shalt  }
0x84: {  	_ =	shalt  }
0x85: {  	_ =	shalt  }
0x86: {  	_ =	shalt  }
0x87: {  	_ =	shalt  }
.Lfunc_end0:
.L_simem_size_0:
called_computation.1_lowered:
.L_overlay_start_0:
0x88: {  	s2 =	sld [smem:$0x3FD9]  }
0x89: {  	s3 =	sld [smem:$0x3FFE];
	_ =	sdelay $0x1  }
0x8a: {  	s1 =	srdreg.scid  }
0x8b: {  	s0 =	sand.u32 $0x1, s1  }
0x8c: {  	s14 =	sshll.u32 s0, $0xA;
	s2 =	sadd.s32 s3, s2  }
0x8d: {  	s2 =	sadd.s32 s2, s14  }
0x8e: {  	[smem:$0x3FC2] =	sst s2  }
0x8f: {  	_ = 	snop  }
0x90: {  	s2 =	sld [smem:$0x3FD0];
	_ =	sdelay $0x2  }
0x91: {  	s15 =	simm.s32 $0xA;
	s4 =	simm.s32 $0x10  }
0x92: {  	[smem:s4], [sflag:s15] =	dma.local [hbm:s2], $0x1  }
0x93: {  	_ =	swait.eq [sflag:s15], $0x1  }
0x94: {  	[sflag:s15] =	ssyncset.done $0x0  }
0x95: {  	s16 =	sld [smem:$0x10];
	[sflag:s15] =	ssyncadd.s32 $0xFFFFFFFF  }
0x96: {  	s17 =	sld [smem:$0x11];
	(tm) =	ssettm $0x1  }
0x97: {  	s18 =	sld [smem:$0x3FFB];
	_ =	sdelay $0x3  }
0x98: {  	_ =	strace s18  }
0x99: {  	s4 =	sld [smem:$0x3FFC];
	_ =	sdelay $0x3  }
0x9a: {  	_ =	strace s4  }
0x9b: {  	s4 =	sld [smem:$0x3FFD];
	_ =	sdelay $0x3  }
0x9c: {  	_ =	strace s4  }
0x9d: {  	_ =	strace $0x8FFFFFFF  }
0x9e: {  	s19 =	sld [smem:$0x3FDB];
	_ =	sdelay $0x1  }
0x9f: {  	s5 =	simm.s32 $_scs_section_size  }
0xa0: {  	s6 =	simm.s32 $_size__tile_overlayer_lowered;
	s7 =	simm.s32 $_tile_overlayer_lowered  }
0xa1: {  	s22 =	simm.s32 $0x1BFF;
	s21 =	sshll.u32 s7, $0x1;
	s4 =	sadd.s32 s5, s19  }
0xa2: {  	s8 =	simm.s32 $0x0;
	s20 =	sshll.u32 s6, $0x1;
	s6 =	sadd.s32 s21, s4  }
0xa3: {  	[timem:s8], [sflag:s22] =	dma.local [hbm:s6], s20  }
0xa4: {  	_ =	swait.ge [sflag:s22], s20  }
0xa5: {  	s5 =	ssub.s32 $0x0, s20;
	[sflag:s22] =	ssyncset.done $0x0  }
0xa6: {  	[sflag:s22] =	ssyncadd.s32 s5;
	_ =	sdelay $0x1  }
0xa7: {  	s23 =	simm.s32 $0x1B8B  }
0xa8: {  	_ =	swait.ge [sflag:s23], $0x1  }
0xa9: {  	[sflag:s23] =	ssyncset.done $0x0  }
0xaa: {  	s25 =	simm.s32 $0x1B8E;
	s24 =	sld [smem:$0x3FFE];
	[sflag:s23] =	ssyncadd.s32 $0xFFFFFFFF  }
0xab: {  	s26 =	simm.s32 $execute0_lowered;
	[smem:$0x3FD2] =	sst s25  }
0xac: {  	s6 =	sshll.u32 s26, $0x1;
	_ =	strace $0x80000049;
	[dreg:$0x1] =	wrdreg $0xFFFFFFFF  }
0xad: {  	s28 =	simm.s32 $_size_execute0_lowered;
	s4 =	sadd.s32 s4, s6;
	[dreg:$0x0] =	wrdreg $0x0  }
0xae: {  	s6 =	sshll.u32 s28, $0x1;
	[dreg:$0x2] =	wrdreg s4  }
0xaf: {  	[dreg:$0x3] =	wrdreg s6  }
0xb0: {  	[dreg:$0x4] =	wrdreg $0xC0  }
0xb1: {  	_ =	task [dreg:s8], $0x5FFFF  }
0xb2: {  	[dreg:$0x1] =	wrdreg $0xFFFFFFFF  }
0xb3: {  	[dreg:$0x0] =	wrdreg $0x60  }
0xb4: {  	[dreg:$0x2] =	wrdreg s17  }
0xb5: {  	[dreg:$0x3] =	wrdreg s24  }
0xb6: {  	[dreg:$0x4] =	wrdreg s16  }
0xb7: {  	[dreg:$0x5] =	wrdreg $0x0  }
0xb8: {  	[dreg:$0x6] =	wrdreg $0x9  }
0xb9: {  	_ =	task.clear_ibuf [dreg:s8], $0x7FFFF;
	_ =	strace $0x90000049  }
0xba: {  	s29 =	simm.s32 $0x9;
	_ =	strace $0x8000004B  }
0xbb: {  	_ =	swait.ge [sflag:s29], $0x1  }
0xbc: {  	[sflag:s29] =	ssyncadd.s32 $0xFFFFFFFF  }
0xbd: {  	_ =	strace $0x9000004B  }
0xbe: {  	_ =	sfence  }
0xbf: {  	s30 =	sld [smem:$0x0];
	_ =	sdelay $0x2  }
0xc0: {  	s31 =	sshll.u32 s1, $0xD;
	s1 =	sshrl.u32 s1, $0x2  }
0xc1: {  	s3 =	sand.u32 $0x4000, s31;
	s1 =	sadd.s32 s1, s30  }
0xc2: {  	s0 =	sor.u32 s3, s0;
	s1 =	sshll.u32 s1, $0x11  }
0xc3: {  	s0 =	sor.u32 s1, s0  }
0xc4: {  	s0 =	sadd.s32 $0x8F2B, s0  }
0xc5: {  	[sflag:s0] =	ssyncadd.remote.s32 $0x1  }
0xc6: {  	_ =	sfence.sel $0xFFFF  }
0xc7: {  	[dreg:$0x0] =	wrdreg $0xFFFFFFFF;
	(pc) =	sbr.abs _section_cstart, $3  }
0xc8: {  	[dreg:$0x1] =	wrdreg $0xFFFFFFFF  }
0xc9: {  	_ =	task.clear_ibuf [dreg:s8], $0x2FFFF;
	_ =	strace $0x9FFFFFFF  }
0xca: {  	(tm) =	ssettm $0x7FFFFFFF  }
0xcb: {  	_ =	shalt  }
tec
execute0_lowered:
.L_overlay_start_1:
0x0: {  	(tag) =	ssettag $0x1  }
0x1: {  	s0 =	rddreg [dreg:$0x0]  }
0x2: {  	s2 =	rddreg [dreg:$0x1]  }
0x3: {  	s3 =	srdreg.scid;
	s9 =	stileid.u32  }
0x4: {  	s1 =	simm.s32 $0x0;
	s3 =	sand.u32 $0x1, s3;
	s8 =	smul.u32 $0x50000, s9  }
0x5: {  	s4 =	sshll.u32 s9, $0x1;
	[smem:$0x7FF] =	sst s1;
	s16 =	smul.u32 $0x14000, s9  }
0x6: {  	s4 =	sor.u32 s3, s4;
	s6 =	ssub.s32 $0x2, s3;
	s3 =	smul.u32 $0x140000, s3  }
0x7: {  	s5 =	sadd.s32 $0x2200, s2;
	s2 =	sadd.s32 $0xC200, s2;
	s4 =	smul.u32 $0x2800, s4  }
0x8: {  	s7 =	sshrl.u32 s6, $0x1;
	s8 =	sshrl.u32 s8, $0x2;
	s9 =	sor.u32 $0x2000, s16  }
0x9: {  	s17 =	sadd.s32 $0x8000, s16;
	s21 =	sadd.s32 $0xA000, s16;
	s23 =	sadd.s32 $0xC000, s16  }
0xa: {  	s13 =	sadd.s32 $0xE000, s16;
	s6 =	ssub.s32 s6, s7;
	s28 =	sadd.s32 s3, s16  }
0xb: {  	s10 =	sadd.s32 s3, s9;
	s12 =	sadd.s32 s3, s17;
	s22 =	sadd.s32 s3, s21  }
0xc: {  	s14 =	sadd.s32 s3, s23;
	s15 =	sadd.s32 s3, s13;
	s7 =	sadd.s32 $0x12000, s16  }
0xd: {  	s4 =	sshrl.u32 s4, $0x3;
	s29 =	sshrl.u32 s10, $0x3;
	s10 =	sadd.s32 $0x6000, s16  }
0xe: {  	s24 =	sshrl.u32 s14, $0x3;
	s14 =	rddreg [dreg:$0x2];
	s25 =	sadd.s32 s0, s4  }
0xf: {  	s19 =	sshrl.u32 s12, $0x3;
	s26 =	sadd.s32 s5, s4;
	[dreg:$0x5] =	wrdreg s25  }
0x10: {  	s4 =	sadd.s32 $0x280, s4;
	s20 =	sadd.s32 s2, s19;
	[dreg:$0x6] =	wrdreg s26  }
0x11: {  	s11 =	sadd.s32 s3, s10;
	s0 =	sadd.s32 s0, s4;
	[dreg:$0xd] =	wrdreg s20  }
0x12: {  	s4 =	sadd.s32 s5, s4;
	s18 =	sshrl.u32 s11, $0x3;
	[dreg:$0x7] =	wrdreg s0  }
0x13: {  	s11 =	sshrl.u32 s22, $0x3;
	[dreg:$0x8] =	wrdreg s4;
	s4 =	sadd.s32 s2, s29  }
0x14: {  	s25 =	sshrl.u32 s15, $0x3;
	s11 =	sadd.s32 s2, s11;
	[dreg:$0xa] =	wrdreg s4  }
0x15: {  	s0 =	sshrl.u32 s28, $0x3;
	s26 =	sadd.s32 s2, s25;
	[dreg:$0xe] =	wrdreg s11  }
0x16: {  	s6 =	smax.u32 s6, $0x1;
	s0 =	sadd.s32 s2, s0;
	[dreg:$0x10] =	wrdreg s26  }
0x17: {  	s28 =	sadd.s32 $0x10000, s16;
	s11 =	sadd.s32 s2, s24;
	[dreg:$0x9] =	wrdreg s0  }
0x18: {  	s29 =	sadd.s32 s3, s28;
	s0 =	sadd.s32 $0x4000, s16;
	[dreg:$0xf] =	wrdreg s11  }
0x19: {  	s15 =	sshrl.u32 s29, $0x3;
	s16 =	rddreg [dreg:$0x3];
	s5 =	sadd.s32 s3, s0  }
0x1a: {  	s3 =	sadd.s32 s3, s7;
	s15 =	sadd.s32 s2, s15;
	s4 =	sshrl.u32 s5, $0x3  }
0x1b: {  	s19 =	sadd.s32 s8, s16;
	[dreg:$0x11] =	wrdreg s15;
	s4 =	sadd.s32 s2, s4  }
0x1c: {  	s3 =	sshrl.u32 s3, $0x3;
	[dreg:$0xb] =	wrdreg s4;
	s4 =	sadd.s32 s2, s18  }
0x1d: {  	s8 =	sadd.s32 s9, s16;
	s2 =	sadd.s32 s2, s3;
	[dreg:$0xc] =	wrdreg s4  }
0x1e: {  	s0 =	sadd.s32 s0, s16;
	s9 =	sadd.s32 s10, s16;
	[dreg:$0x12] =	wrdreg s2  }
0x1f: {  	s2 =	sshrl.u32 s8, $0x3;
	_ =	strace $0x8000004A;
	[dreg:$0x13] =	wrdreg s6  }
0x20: {  	s10 =	sadd.s32 s17, s16;
	s0 =	sshrl.u32 s0, $0x3;
	[dreg:$0x14] =	wrdreg s2  }
0x21: {  	s15 =	sadd.s32 s23, s16;
	s20 =	sshrl.u32 s9, $0x3;
	[dreg:$0x15] =	wrdreg s0  }
0x22: {  	s4 =	sadd.s32 s21, s16;
	s21 =	sshrl.u32 s10, $0x3;
	[dreg:$0x16] =	wrdreg s20  }
0x23: {  	s17 =	sadd.s32 s13, s16;
	s23 =	sshrl.u32 s15, $0x3;
	[dreg:$0x17] =	wrdreg s21  }
0x24: {  	s24 =	sshrl.u32 s17, $0x3;
	s18 =	sadd.s32 s28, s16;
	[dreg:$0x19] =	wrdreg s23  }
0x25: {  	s7 =	sadd.s32 s7, s16;
	s25 =	sshrl.u32 s18, $0x3;
	[dreg:$0x1a] =	wrdreg s24  }
0x26: {  	s26 =	sshrl.u32 s7, $0x3;
	[dreg:$0x1b] =	wrdreg s25  }
0x27: {  	s28 =	sadd.s32 $0x800, s19;
	[dreg:$0x1c] =	wrdreg s26  }
0x28: {  	s29 =	sadd.s32 $0x1000, s19;
	[dreg:$0x1d] =	wrdreg s28  }
0x29: {  	s3 =	sadd.s32 $0x2000, s19;
	[dreg:$0x1e] =	wrdreg s29  }
0x2a: {  	s5 =	sadd.s32 $0x3000, s19;
	[smem:$0x7E7] =	sst s3  }
0x2b: {  	s7 =	sadd.s32 $0x4000, s19;
	[smem:$0x7E9] =	sst s5  }
0x2c: {  	s8 =	sadd.s32 $0x4800, s19;
	[smem:$0x7EB] =	sst s7  }
0x2d: {  	s9 =	sadd.s32 $0x5000, s19;
	[smem:$0x7EC] =	sst s8  }
0x2e: {  	s10 =	sadd.s32 $0x5800, s19;
	[smem:$0x7ED] =	sst s9  }
0x2f: {  	s11 =	sadd.s32 $0x6000, s19;
	[smem:$0x7EE] =	sst s10  }
0x30: {  	s12 =	sadd.s32 $0x6800, s19;
	[smem:$0x7EF] =	sst s11  }
0x31: {  	s13 =	sadd.s32 $0x7000, s19;
	[smem:$0x7F0] =	sst s12  }
0x32: {  	s17 =	sadd.s32 $0x8000, s19;
	s15 =	sadd.s32 $0x7800, s19;
	[smem:$0x7F1] =	sst s13  }
0x33: {  	s30 =	sadd.s32 $0xD800, s19;
	s31 =	sadd.s32 $0xE000, s19;
	[smem:$0x7F2] =	sst s15  }
0x34: {  	s18 =	sadd.s32 $0x8800, s19;
	s22 =	sshrl.u32 s4, $0x3;
	[smem:$0x7F3] =	sst s17  }
0x35: {  	s2 =	sadd.s32 $0x1800, s19;
	s4 =	sadd.s32 $0x2800, s19;
	[smem:$0x7F4] =	sst s18  }
0x36: {  	s6 =	sadd.s32 $0x3800, s19;
	s20 =	sadd.s32 $0x9000, s19;
	[dreg:$0x18] =	wrdreg s22  }
0x37: {  	s21 =	sadd.s32 $0x9800, s19;
	s23 =	sadd.s32 $0xA800, s19;
	[dreg:$0x1f] =	wrdreg s2  }
0x38: {  	s24 =	sadd.s32 $0xB000, s19;
	s25 =	sadd.s32 $0xB800, s19;
	[smem:$0x7E8] =	sst s4  }
0x39: {  	s26 =	sadd.s32 $0xC000, s19;
	s28 =	sadd.s32 $0xC800, s19;
	[smem:$0x7EA] =	sst s6  }
0x3a: {  	s29 =	sadd.s32 $0xD000, s19;
	s15 =	sadd.s32 $0xE800, s19;
	[smem:$0x7F5] =	sst s20  }
0x3b: {  	s0 =	sadd.s32 $0xF000, s19;
	s3 =	sadd.s32 $0x10000, s19;
	[smem:$0x7F6] =	sst s21  }
0x3c: {  	s5 =	sadd.s32 $0x11000, s19;
	s7 =	sadd.s32 $0x12000, s19;
	[smem:$0x7F8] =	sst s23  }
0x3d: {  	s8 =	sadd.s32 $0x12800, s19;
	s9 =	sadd.s32 $0x13000, s19;
	[smem:$0x7F9] =	sst s24  }
0x3e: {  	s10 =	sadd.s32 $0x13800, s19;
	s11 =	simm.s32 $0x16800;
	[smem:$0x7FA] =	sst s25  }
0x3f: {  	s12 =	simm.s32 $0x1;
	s13 =	simm.s32 $0x14000;
	[smem:$0x7FB] =	sst s26  }
0x40: {  	s17 =	simm.s32 $0x3;
	s18 =	simm.s32 $0x15400;
	[smem:$0x7FC] =	sst s28  }
0x41: {  	s22 =	sadd.s32 $0xA000, s19;
	[smem:$0x7FD] =	sst s29;
	s2 =	sadd.s32 $0xF800, s19  }
0x42: {  	s4 =	sadd.s32 $0x10800, s19;
	s6 =	sadd.s32 $0x11800, s19;
	s20 =	simm.s32 $0x7D  }
0x43: {  	s21 =	simm.s32 $0x1A800;
	s23 =	simm.s32 $0x15380;
	s24 =	simm.s32 $0x16700  }
0x44: {  	v0 =	vimm.f32 $0.0e+00;
	s25 =	simm.s32 $0x16780;
	[smem:$0x7F7] =	sst s22;
	s22 =	simm.s32 $0x2  }
.LBB2_1:
0x45: {  	s26 =	simm.s32 $0x0;
	s28 =	simm.s32 $0x200  }
.LBB2_2:
0x46: {  	p0 =	sne.s32 s28, $0x1E00;
	[tilespmem:s26+$0x16870] =	vst v0  }
0x47: {  	[tilespmem:s26+$0x16800] =	vst v0  }
0x48: {  	[tilespmem:s26+$0x16810] =	vst v0  }
.Ltmp0:
0x49: {  	[tilespmem:s26+$0x16820] =	vst v0;
	(pc) =	sbr.rel @p0 .LBB2_2-.Ltmp0, $4  }
0x4a: {  	[tilespmem:s26+$0x16830] =	vst v0  }
0x4b: {  	[tilespmem:s26+$0x16840] =	vst v0  }
0x4c: {  	[tilespmem:s26+$0x16850] =	vst v0  }
0x4d: {  	[tilespmem:s26+$0x16860] =	vst v0;
	s26 =	sshra.s32 s28, $0x2;
	s28 =	sadd.s32 $0x200, s28  }
0x4e: {  	[tilespmem:s26+$0x16870] =	vst v0  }
0x4f: {  	[tilespmem:s26+$0x16800] =	vst v0  }
0x50: {  	[tilespmem:s26+$0x16810] =	vst v0  }
0x51: {  	[tilespmem:s26+$0x16820] =	vst v0  }
0x52: {  	[tilespmem:s26+$0x16830] =	vst v0  }
0x53: {  	[tilespmem:s26+$0x16840] =	vst v0  }
0x54: {  	[tilespmem:s26+$0x16850] =	vst v0  }
0x55: {  	[tilespmem:s26+$0x16860] =	vst v0;
	s28 =	rddreg [dreg:$0x1d]  }
0x56: {  	[spmem:s19] =	stream.linear.scatter [tilespmem:s11], [sflag:$0x1], $0x800, $0x38;
	[tilespmem:$0x1E800] =	vst v63  }
0x57: {  	s29 =	rddreg [dreg:$0x1e]  }
0x58: {  	[spmem:s28] =	stream.linear.scatter [tilespmem:s11], [sflag:$0x1], $0x800, $0x38;
	[tilespmem:$0x1E800] =	vst v63  }
0x59: {  	s28 =	rddreg [dreg:$0x1f]  }
0x5a: {  	[spmem:s29] =	stream.linear.scatter [tilespmem:s11], [sflag:$0x1], $0x800, $0x38;
	[tilespmem:$0x1E800] =	vst v63  }
0x5b: {  	s29 =	sld [smem:$0x7E7]  }
0x5c: {  	[spmem:s28] =	stream.linear.scatter [tilespmem:s11], [sflag:$0x1], $0x800, $0x38;
	[tilespmem:$0x1E800] =	vst v63  }
0x5d: {  	s28 =	sld [smem:$0x7E8]  }
0x5e: {  	[spmem:s29] =	stream.linear.scatter [tilespmem:s11], [sflag:$0x1], $0x800, $0x38;
	[tilespmem:$0x1E800] =	vst v63  }
0x5f: {  	s29 =	sld [smem:$0x7E9]  }
0x60: {  	[spmem:s28] =	stream.linear.scatter [tilespmem:s11], [sflag:$0x1], $0x800, $0x38;
	[tilespmem:$0x1E800] =	vst v63  }
0x61: {  	s28 =	sld [smem:$0x7EA]  }
0x62: {  	[spmem:s29] =	stream.linear.scatter [tilespmem:s11], [sflag:$0x1], $0x800, $0x38;
	[tilespmem:$0x1E800] =	vst v63  }
0x63: {  	s29 =	sld [smem:$0x7EB]  }
0x64: {  	[spmem:s28] =	stream.linear.scatter [tilespmem:s11], [sflag:$0x1], $0x800, $0x38;
	[tilespmem:$0x1E800] =	vst v63  }
0x65: {  	s28 =	sld [smem:$0x7EC]  }
0x66: {  	[spmem:s29] =	stream.linear.scatter [tilespmem:s11], [sflag:$0x1], $0x800, $0x38;
	[tilespmem:$0x1E800] =	vst v63  }
0x67: {  	s29 =	sld [smem:$0x7ED]  }
0x68: {  	[spmem:s28] =	stream.linear.scatter [tilespmem:s11], [sflag:$0x1], $0x800, $0x38;
	[tilespmem:$0x1E800] =	vst v63  }
0x69: {  	s28 =	sld [smem:$0x7EE]  }
0x6a: {  	[spmem:s29] =	stream.linear.scatter [tilespmem:s11], [sflag:$0x1], $0x800, $0x38;
	[tilespmem:$0x1E800] =	vst v63  }
0x6b: {  	s29 =	sld [smem:$0x7EF]  }
0x6c: {  	[spmem:s28] =	stream.linear.scatter [tilespmem:s11], [sflag:$0x1], $0x800, $0x38;
	[tilespmem:$0x1E800] =	vst v63  }
0x6d: {  	s28 =	sld [smem:$0x7F0]  }
0x6e: {  	[spmem:s29] =	stream.linear.scatter [tilespmem:s11], [sflag:$0x1], $0x800, $0x38;
	[tilespmem:$0x1E800] =	vst v63  }
0x6f: {  	s29 =	sld [smem:$0x7F1]  }
0x70: {  	[spmem:s28] =	stream.linear.scatter [tilespmem:s11], [sflag:$0x1], $0x800, $0x38;
	[tilespmem:$0x1E800] =	vst v63  }
0x71: {  	s28 =	sld [smem:$0x7F2]  }
0x72: {  	[spmem:s29] =	stream.linear.scatter [tilespmem:s11], [sflag:$0x1], $0x800, $0x38;
	[tilespmem:$0x1E800] =	vst v63  }
0x73: {  	s29 =	sld [smem:$0x7F3]  }
0x74: {  	[spmem:s28] =	stream.linear.scatter [tilespmem:s11], [sflag:$0x1], $0x800, $0x38;
	[tilespmem:$0x1E800] =	vst v63  }
0x75: {  	s28 =	sld [smem:$0x7F4]  }
0x76: {  	[spmem:s29] =	stream.linear.scatter [tilespmem:s11], [sflag:$0x1], $0x800, $0x38;
	[tilespmem:$0x1E800] =	vst v63  }
0x77: {  	s29 =	sld [smem:$0x7F5]  }
0x78: {  	[spmem:s28] =	stream.linear.scatter [tilespmem:s11], [sflag:$0x1], $0x800, $0x38;
	[tilespmem:$0x1E800] =	vst v63  }
0x79: {  	s28 =	sld [smem:$0x7F6]  }
0x7a: {  	[spmem:s29] =	stream.linear.scatter [tilespmem:s11], [sflag:$0x1], $0x800, $0x38;
	[tilespmem:$0x1E800] =	vst v63  }
0x7b: {  	s29 =	sld [smem:$0x7F7]  }
0x7c: {  	[spmem:s28] =	stream.linear.scatter [tilespmem:s11], [sflag:$0x1], $0x800, $0x38;
	[tilespmem:$0x1E800] =	vst v63  }
0x7d: {  	s28 =	sld [smem:$0x7F8]  }
0x7e: {  	[spmem:s29] =	stream.linear.scatter [tilespmem:s11], [sflag:$0x1], $0x800, $0x38;
	[tilespmem:$0x1E800] =	vst v63  }
0x7f: {  	s29 =	sld [smem:$0x7F9]  }
0x80: {  	[spmem:s28] =	stream.linear.scatter [tilespmem:s11], [sflag:$0x1], $0x800, $0x38;
	[tilespmem:$0x1E800] =	vst v63  }
0x81: {  	s28 =	sld [smem:$0x7FA]  }
0x82: {  	[spmem:s29] =	stream.linear.scatter [tilespmem:s11], [sflag:$0x1], $0x800, $0x38;
	[tilespmem:$0x1E800] =	vst v63  }
0x83: {  	s29 =	sld [smem:$0x7FB]  }
0x84: {  	[spmem:s28] =	stream.linear.scatter [tilespmem:s11], [sflag:$0x1], $0x800, $0x38;
	[tilespmem:$0x1E800] =	vst v63  }
0x85: {  	s28 =	sld [smem:$0x7FC]  }
0x86: {  	[spmem:s29] =	stream.linear.scatter [tilespmem:s11], [sflag:$0x1], $0x800, $0x38;
	[tilespmem:$0x1E800] =	vst v63  }
0x87: {  	s29 =	sld [smem:$0x7FD]  }
0x88: {  	[spmem:s28] =	stream.linear.scatter [tilespmem:s11], [sflag:$0x1], $0x800, $0x38;
	[tilespmem:$0x1E800] =	vst v63  }
0x89: {  	_ = 	snop  }
0x8a: {  	[spmem:s29] =	stream.linear.scatter [tilespmem:s11], [sflag:$0x1], $0x800, $0x38;
	[tilespmem:$0x1E800] =	vst v63  }
0x8b: {  	_ = 	snop  }
0x8c: {  	[spmem:s30] =	stream.linear.scatter [tilespmem:s11], [sflag:$0x1], $0x800, $0x38;
	[tilespmem:$0x1E800] =	vst v63  }
0x8d: {  	_ = 	snop  }
0x8e: {  	[spmem:s31] =	stream.linear.scatter [tilespmem:s11], [sflag:$0x1], $0x800, $0x38;
	[tilespmem:$0x1E800] =	vst v63  }
0x8f: {  	_ = 	snop  }
0x90: {  	[spmem:s15] =	stream.linear.scatter [tilespmem:s11], [sflag:$0x1], $0x800, $0x38;
	[tilespmem:$0x1E800] =	vst v63  }
0x91: {  	_ = 	snop  }
0x92: {  	[spmem:s0] =	stream.linear.scatter [tilespmem:s11], [sflag:$0x1], $0x800, $0x38;
	[tilespmem:$0x1E800] =	vst v63  }
0x93: {  	_ = 	snop  }
0x94: {  	[spmem:s2] =	stream.linear.scatter [tilespmem:s11], [sflag:$0x1], $0x800, $0x38;
	[tilespmem:$0x1E800] =	vst v63  }
0x95: {  	_ = 	snop  }
0x96: {  	[spmem:s3] =	stream.linear.scatter [tilespmem:s11], [sflag:$0x1], $0x800, $0x38;
	[tilespmem:$0x1E800] =	vst v63  }
0x97: {  	_ = 	snop  }
0x98: {  	[spmem:s4] =	stream.linear.scatter [tilespmem:s11], [sflag:$0x1], $0x800, $0x38;
	[tilespmem:$0x1E800] =	vst v63  }
0x99: {  	_ = 	snop  }
0x9a: {  	[spmem:s5] =	stream.linear.scatter [tilespmem:s11], [sflag:$0x1], $0x800, $0x38;
	[tilespmem:$0x1E800] =	vst v63  }
0x9b: {  	_ = 	snop  }
0x9c: {  	[spmem:s6] =	stream.linear.scatter [tilespmem:s11], [sflag:$0x1], $0x800, $0x38;
	[tilespmem:$0x1E800] =	vst v63  }
0x9d: {  	_ = 	snop  }
0x9e: {  	[spmem:s7] =	stream.linear.scatter [tilespmem:s11], [sflag:$0x1], $0x800, $0x38;
	[tilespmem:$0x1E800] =	vst v63  }
0x9f: {  	_ = 	snop  }
0xa0: {  	[spmem:s8] =	stream.linear.scatter [tilespmem:s11], [sflag:$0x1], $0x800, $0x38;
	[tilespmem:$0x1E800] =	vst v63  }
0xa1: {  	_ = 	snop  }
0xa2: {  	[spmem:s9] =	stream.linear.scatter [tilespmem:s11], [sflag:$0x1], $0x800, $0x38;
	[tilespmem:$0x1E800] =	vst v63  }
0xa3: {  	_ = 	snop  }
0xa4: {  	[spmem:s10] =	stream.linear.scatter [tilespmem:s11], [sflag:$0x1], $0x800, $0x38;
	[tilespmem:$0x1E800] =	vst v63  }
0xa5: {  	_ =	swait.ge [sflag:s12], $0x800  }
0xa6: {  	s26 =	simm.s32 $0x27;
	[sflag:s12] =	ssyncset.done $0x0  }
.LBB2_4:
0xa7: {  	p0 =	sne.s32 s26, $0x1;
	s26 =	sadd.s32 $0xFFFFFFFF, s26;
	[sflag:s12] =	ssyncadd.s32 $0xFFFFF800  }
.Ltmp1:
0xa8: {  	(pc) =	sbr.rel @p0 .LBB2_4-.Ltmp1, $3  }
0xa9: {  	_ =	sdelay $0x1  }
0xaa: {  	_ =	swait.ge [sflag:s12], $0x800  }
0xab: {  	[sflag:s12] =	ssyncset.done $0x0  }
0xac: {  	[sflag:s12] =	ssyncadd.s32 $0xFFFFF800  }
0xad: {  	[bflag:$0x0] =	sbarrier.arrive $0xFFFF  }
0xae: {  	s26 =	simm.s32 $0x0;
	s28 =	rddreg [dreg:$0x5]  }
0xaf: {  	[tilespmem:s13], [sflag:$0x3] =	stream.linear.gather [hbm4b:s28+s26], $0x1400, $0x38;
	[tilespmem:$0x1E800] =	vst v63  }
0xb0: {  	_ =	swait.ge [sflag:s17], $0x1400  }
0xb1: {  	[sflag:s17] =	ssyncset.done $0x0  }
0xb2: {  	s29 =	rddreg [dreg:$0x6];
	[sflag:s17] =	ssyncadd.s32 $0xFFFFEC00  }
0xb3: {  	[tilespmem:s18], [sflag:$0x3] =	stream.linear.gather [hbm4b:s29+s26], $0x1400, $0x38;
	[tilespmem:$0x1E800] =	vst v63  }
0xb4: {  	_ =	swait.ge [sflag:s17], $0x1400  }
0xb5: {  	[sflag:s17] =	ssyncset.done $0x0  }
0xb6: {  	[sflag:s17] =	ssyncadd.s32 $0xFFFFEC00  }
0xb7: {  	[tilespmem:s11], [sflag:$0x1] =	stream.indirect.gather [hbm4b:s14+s20], $0x80, s13, s20, $0xb8;
	[tilespmem:$0x1E800] =	vst v63  }
0xb8: {  	_ =	swait.ge [sflag:s12], $0x3E80  }
0xb9: {  	[sflag:s12] =	ssyncset.done $0x0  }
0xba: {  	s28 =	simm.s32 $0x14080;
	[sflag:s12] =	ssyncadd.s32 $0xFFFFC180  }
0xbb: {  	[tilespmem:s21], [sflag:$0x2] =	stream.indirect.gather [hbm4b:s14+s20], $0x80, s28, s20, $0xb8;
	[tilespmem:$0x1E800] =	vst v63  }
0xbc: {  	s29 =	simm.s32 $0x15400  }
0xbd: {  	[spmem:s16] =	stream.indirect.scatter.add.f32 [tilespmem:s11], [sflag:$0x3], $0x80, s29, s20, $0xb8;
	[tilespmem:$0x1E800] =	vst v63  }
0xbe: {  	_ =	swait.ge [sflag:s17], $0x3E80  }
0xbf: {  	[sflag:s17] =	ssyncset.done $0x0  }
0xc0: {  	[sflag:s17] =	ssyncadd.s32 $0xFFFFC180  }
0xc1: {  	_ =	swait.ge [sflag:s22], $0x3E80  }
0xc2: {  	[sflag:s22] =	ssyncset.done $0x0  }
0xc3: {  	s28 =	simm.s32 $0x14100;
	[sflag:s22] =	ssyncadd.s32 $0xFFFFC180  }
0xc4: {  	[tilespmem:s11], [sflag:$0x1] =	stream.indirect.gather [hbm4b:s14+s20], $0x80, s28, s20, $0xb8;
	[tilespmem:$0x1E800] =	vst v63  }
0xc5: {  	s29 =	simm.s32 $0x15480  }
0xc6: {  	[spmem:s16] =	stream.indirect.scatter.add.f32 [tilespmem:s21], [sflag:$0x3], $0x80, s29, s20, $0xb8;
	[tilespmem:$0x1E800] =	vst v63  }
0xc7: {  	_ =	swait.ge [sflag:s17], $0x3E80  }
0xc8: {  	s26 =	simm.s32 $0x400;
	[sflag:s17] =	ssyncset.done $0x0  }
.LBB2_6:
0xc9: {  	p0 =	sne.s32 s26, $0x4800  }
0xca: {  	[sflag:s17] =	ssyncadd.s32 $0xFFFFC180;
	s28 =	smov.u32 s26;
	s26 =	sadd.s32 $0x400, s26  }
0xcb: {  	_ = 	snop  }
0xcc: {  	_ =	swait.ge [sflag:s12], $0x3E80  }
0xcd: {  	s28 =	sshra.s32 s28, $0x2;
	[sflag:s12] =	ssyncset.done $0x0  }
0xce: {  	s29 =	sadd.s32 $0x14080, s28;
	[sflag:s12] =	ssyncadd.s32 $0xFFFFC180  }
0xcf: {  	[tilespmem:s21], [sflag:$0x2] =	stream.indirect.gather [hbm4b:s14+s20], $0x80, s29, s20, $0xb8;
	[tilespmem:$0x1E800] =	vst v63  }
0xd0: {  	s29 =	sadd.s32 $0x15400, s28  }
0xd1: {  	[spmem:s16] =	stream.indirect.scatter.add.f32 [tilespmem:s11], [sflag:$0x3], $0x80, s29, s20, $0xb8;
	[tilespmem:$0x1E800] =	vst v63  }
0xd2: {  	_ =	swait.ge [sflag:s17], $0x3E80  }
0xd3: {  	[sflag:s17] =	ssyncset.done $0x0  }
0xd4: {  	[sflag:s17] =	ssyncadd.s32 $0xFFFFC180  }
0xd5: {  	_ =	swait.ge [sflag:s22], $0x3E80  }
0xd6: {  	[sflag:s22] =	ssyncset.done $0x0  }
0xd7: {  	s29 =	sadd.s32 $0x14100, s28;
	[sflag:s22] =	ssyncadd.s32 $0xFFFFC180  }
0xd8: {  	[tilespmem:s11], [sflag:$0x1] =	stream.indirect.gather [hbm4b:s14+s20], $0x80, s29, s20, $0xb8;
	[tilespmem:$0x1E800] =	vst v63  }
.Ltmp2:
0xd9: {  	_ = 	snop;
	(pc) =	sbr.rel @p0 .LBB2_6-.Ltmp2, $4  }
0xda: {  	s28 =	sadd.s32 $0x15480, s28  }
0xdb: {  	[spmem:s16] =	stream.indirect.scatter.add.f32 [tilespmem:s21], [sflag:$0x3], $0x80, s28, s20, $0xb8;
	[tilespmem:$0x1E800] =	vst v63  }
0xdc: {  	_ =	swait.ge [sflag:s17], $0x3E80  }
0xdd: {  	[sflag:s17] =	ssyncset.done $0x0  }
0xde: {  	[sflag:s17] =	ssyncadd.s32 $0xFFFFC180  }
0xdf: {  	_ =	swait.ge [sflag:s12], $0x3E80  }
0xe0: {  	[sflag:s12] =	ssyncset.done $0x0  }
0xe1: {  	[sflag:s12] =	ssyncadd.s32 $0xFFFFC180  }
0xe2: {  	[tilespmem:s21], [sflag:$0x2] =	stream.indirect.gather [hbm4b:s14+s20], $0x80, s23, s20, $0xb8;
	[tilespmem:$0x1E800] =	vst v63  }
0xe3: {  	_ = 	snop  }
0xe4: {  	[spmem:s16] =	stream.indirect.scatter.add.f32 [tilespmem:s11], [sflag:$0x3], $0x80, s24, s20, $0xb8;
	[tilespmem:$0x1E800] =	vst v63  }
0xe5: {  	_ =	swait.ge [sflag:s17], $0x3E80  }
0xe6: {  	[sflag:s17] =	ssyncset.done $0x0  }
0xe7: {  	[sflag:s17] =	ssyncadd.s32 $0xFFFFC180  }
0xe8: {  	_ =	swait.ge [sflag:s22], $0x3E80  }
0xe9: {  	[sflag:s22] =	ssyncset.done $0x0  }
0xea: {  	[sflag:s22] =	ssyncadd.s32 $0xFFFFC180  }
0xeb: {  	[tilespmem:s11], [sflag:$0x1] =	stream.indirect.gather [hbm4b:s14+s20], $0x80, s13, s20, $0xb8;
	[tilespmem:$0x1E800] =	vst v63  }
0xec: {  	_ = 	snop  }
0xed: {  	[spmem:s16] =	stream.indirect.scatter.add.f32 [tilespmem:s21], [sflag:$0x3], $0x80, s25, s20, $0xb8;
	[tilespmem:$0x1E800] =	vst v63  }
0xee: {  	_ =	swait.ge [sflag:s17], $0x3E80  }
0xef: {  	[sflag:s17] =	ssyncset.done $0x0  }
0xf0: {  	[sflag:s17] =	ssyncadd.s32 $0xFFFFC180  }
0xf1: {  	_ =	swait.ge [sflag:s12], $0x3E80  }
0xf2: {  	[sflag:s12] =	ssyncset.done $0x0  }
0xf3: {  	s26 =	simm.s32 $0x0;
	s28 =	rddreg [dreg:$0x7];
	[sflag:s12] =	ssyncadd.s32 $0xFFFFC180  }
0xf4: {  	[tilespmem:s13], [sflag:$0x3] =	stream.linear.gather [hbm4b:s28+s26], $0x1400, $0x38;
	[tilespmem:$0x1E800] =	vst v63  }
0xf5: {  	_ =	swait.ge [sflag:s17], $0x1400  }
0xf6: {  	[sflag:s17] =	ssyncset.done $0x0  }
0xf7: {  	s29 =	rddreg [dreg:$0x8];
	[sflag:s17] =	ssyncadd.s32 $0xFFFFEC00  }
0xf8: {  	[tilespmem:s18], [sflag:$0x3] =	stream.linear.gather [hbm4b:s29+s26], $0x1400, $0x38;
	[tilespmem:$0x1E800] =	vst v63  }
0xf9: {  	_ =	swait.ge [sflag:s17], $0x1400  }
0xfa: {  	[sflag:s17] =	ssyncset.done $0x0  }
0xfb: {  	[sflag:s17] =	ssyncadd.s32 $0xFFFFEC00  }
0xfc: {  	[tilespmem:s11], [sflag:$0x1] =	stream.indirect.gather [hbm4b:s14+s20], $0x80, s13, s20, $0xb8;
	[tilespmem:$0x1E800] =	vst v63  }
0xfd: {  	_ =	swait.ge [sflag:s12], $0x3E80  }
0xfe: {  	[sflag:s12] =	ssyncset.done $0x0  }
0xff: {  	s28 =	simm.s32 $0x14080;
	[sflag:s12] =	ssyncadd.s32 $0xFFFFC180  }
0x100: {  	[tilespmem:s21], [sflag:$0x2] =	stream.indirect.gather [hbm4b:s14+s20], $0x80, s28, s20, $0xb8;
	[tilespmem:$0x1E800] =	vst v63  }
0x101: {  	s29 =	simm.s32 $0x15400  }
0x102: {  	[spmem:s16] =	stream.indirect.scatter.add.f32 [tilespmem:s11], [sflag:$0x3], $0x80, s29, s20, $0xb8;
	[tilespmem:$0x1E800] =	vst v63  }
0x103: {  	_ =	swait.ge [sflag:s17], $0x3E80  }
0x104: {  	[sflag:s17] =	ssyncset.done $0x0  }
0x105: {  	[sflag:s17] =	ssyncadd.s32 $0xFFFFC180  }
0x106: {  	_ =	swait.ge [sflag:s22], $0x3E80  }
0x107: {  	[sflag:s22] =	ssyncset.done $0x0  }
0x108: {  	s28 =	simm.s32 $0x14100;
	[sflag:s22] =	ssyncadd.s32 $0xFFFFC180  }
0x109: {  	[tilespmem:s11], [sflag:$0x1] =	stream.indirect.gather [hbm4b:s14+s20], $0x80, s28, s20, $0xb8;
	[tilespmem:$0x1E800] =	vst v63  }
0x10a: {  	s29 =	simm.s32 $0x15480  }
0x10b: {  	[spmem:s16] =	stream.indirect.scatter.add.f32 [tilespmem:s21], [sflag:$0x3], $0x80, s29, s20, $0xb8;
	[tilespmem:$0x1E800] =	vst v63  }
0x10c: {  	_ =	swait.ge [sflag:s17], $0x3E80  }
0x10d: {  	s26 =	simm.s32 $0x400;
	[sflag:s17] =	ssyncset.done $0x0  }
.LBB2_8:
0x10e: {  	p0 =	sne.s32 s26, $0x4800  }
0x10f: {  	[sflag:s17] =	ssyncadd.s32 $0xFFFFC180;
	s28 =	smov.u32 s26;
	s26 =	sadd.s32 $0x400, s26  }
0x110: {  	_ = 	snop  }
0x111: {  	_ =	swait.ge [sflag:s12], $0x3E80  }
0x112: {  	s28 =	sshra.s32 s28, $0x2;
	[sflag:s12] =	ssyncset.done $0x0  }
0x113: {  	s29 =	sadd.s32 $0x14080, s28;
	[sflag:s12] =	ssyncadd.s32 $0xFFFFC180  }
0x114: {  	[tilespmem:s21], [sflag:$0x2] =	stream.indirect.gather [hbm4b:s14+s20], $0x80, s29, s20, $0xb8;
	[tilespmem:$0x1E800] =	vst v63  }
0x115: {  	s29 =	sadd.s32 $0x15400, s28  }
0x116: {  	[spmem:s16] =	stream.indirect.scatter.add.f32 [tilespmem:s11], [sflag:$0x3], $0x80, s29, s20, $0xb8;
	[tilespmem:$0x1E800] =	vst v63  }
0x117: {  	_ =	swait.ge [sflag:s17], $0x3E80  }
0x118: {  	[sflag:s17] =	ssyncset.done $0x0  }
0x119: {  	[sflag:s17] =	ssyncadd.s32 $0xFFFFC180  }
0x11a: {  	_ =	swait.ge [sflag:s22], $0x3E80  }
0x11b: {  	[sflag:s22] =	ssyncset.done $0x0  }
0x11c: {  	s29 =	sadd.s32 $0x14100, s28;
	[sflag:s22] =	ssyncadd.s32 $0xFFFFC180  }
0x11d: {  	[tilespmem:s11], [sflag:$0x1] =	stream.indirect.gather [hbm4b:s14+s20], $0x80, s29, s20, $0xb8;
	[tilespmem:$0x1E800] =	vst v63  }
.Ltmp3:
0x11e: {  	_ = 	snop;
	(pc) =	sbr.rel @p0 .LBB2_8-.Ltmp3, $4  }
0x11f: {  	s28 =	sadd.s32 $0x15480, s28  }
0x120: {  	[spmem:s16] =	stream.indirect.scatter.add.f32 [tilespmem:s21], [sflag:$0x3], $0x80, s28, s20, $0xb8;
	[tilespmem:$0x1E800] =	vst v63  }
0x121: {  	_ =	swait.ge [sflag:s17], $0x3E80  }
0x122: {  	[sflag:s17] =	ssyncset.done $0x0  }
0x123: {  	[sflag:s17] =	ssyncadd.s32 $0xFFFFC180  }
0x124: {  	_ =	swait.ge [sflag:s12], $0x3E80  }
0x125: {  	[sflag:s12] =	ssyncset.done $0x0  }
0x126: {  	[sflag:s12] =	ssyncadd.s32 $0xFFFFC180  }
0x127: {  	[tilespmem:s21], [sflag:$0x2] =	stream.indirect.gather [hbm4b:s14+s20], $0x80, s23, s20, $0xb8;
	[tilespmem:$0x1E800] =	vst v63  }
0x128: {  	_ = 	snop  }
0x129: {  	[spmem:s16] =	stream.indirect.scatter.add.f32 [tilespmem:s11], [sflag:$0x3], $0x80, s24, s20, $0xb8;
	[tilespmem:$0x1E800] =	vst v63  }
0x12a: {  	_ =	swait.ge [sflag:s17], $0x3E80  }
0x12b: {  	[sflag:s17] =	ssyncset.done $0x0  }
0x12c: {  	[sflag:s17] =	ssyncadd.s32 $0xFFFFC180  }
0x12d: {  	_ =	swait.ge [sflag:s22], $0x3E80  }
0x12e: {  	[sflag:s22] =	ssyncset.done $0x0  }
0x12f: {  	[sflag:s22] =	ssyncadd.s32 $0xFFFFC180  }
0x130: {  	[tilespmem:s11], [sflag:$0x1] =	stream.indirect.gather [hbm4b:s14+s20], $0x80, s13, s20, $0xb8;
	[tilespmem:$0x1E800] =	vst v63  }
0x131: {  	_ = 	snop  }
0x132: {  	[spmem:s16] =	stream.indirect.scatter.add.f32 [tilespmem:s21], [sflag:$0x3], $0x80, s25, s20, $0xb8;
	[tilespmem:$0x1E800] =	vst v63  }
0x133: {  	_ =	swait.ge [sflag:s17], $0x3E80  }
0x134: {  	[sflag:s17] =	ssyncset.done $0x0  }
0x135: {  	[sflag:s17] =	ssyncadd.s32 $0xFFFFC180  }
0x136: {  	_ =	swait.ge [sflag:s12], $0x3E80  }
0x137: {  	[sflag:s12] =	ssyncset.done $0x0  }
0x138: {  	s26 =	stileid.u32;
	[sflag:s12] =	ssyncadd.s32 $0xFFFFC180  }
0x139: {  	s26 =	sshll.u32 s26, $0x6;
	[bflag:$0x0] =	sbarrier.arrive $0xFFFF  }
0x13a: {  	s28 =	sshrl.u32 s19, $0x3;
	s26 =	sor.u32 $0x1C01, s26;
	s29 =	rddreg [dreg:$0x9]  }
0x13b: {  	[hbm:s29], [sflag:s26] =	dma.local [spmem:s28], $0x400  }
0x13c: {  	s28 =	rddreg [dreg:$0xa]  }
0x13d: {  	s29 =	rddreg [dreg:$0x14]  }
0x13e: {  	[hbm:s28], [sflag:s26] =	dma.local [spmem:s29], $0x400  }
0x13f: {  	s28 =	rddreg [dreg:$0xb]  }
0x140: {  	s29 =	rddreg [dreg:$0x15]  }
0x141: {  	[hbm:s28], [sflag:s26] =	dma.local [spmem:s29], $0x400  }
0x142: {  	s28 =	rddreg [dreg:$0xc]  }
0x143: {  	s29 =	rddreg [dreg:$0x16]  }
0x144: {  	[hbm:s28], [sflag:s26] =	dma.local [spmem:s29], $0x400  }
0x145: {  	s28 =	rddreg [dreg:$0xd]  }
0x146: {  	s29 =	rddreg [dreg:$0x17]  }
0x147: {  	[hbm:s28], [sflag:s26] =	dma.local [spmem:s29], $0x400  }
0x148: {  	s28 =	rddreg [dreg:$0xe]  }
0x149: {  	s29 =	rddreg [dreg:$0x18]  }
0x14a: {  	[hbm:s28], [sflag:s26] =	dma.local [spmem:s29], $0x400  }
0x14b: {  	s28 =	rddreg [dreg:$0xf]  }
0x14c: {  	s29 =	rddreg [dreg:$0x19]  }
0x14d: {  	[hbm:s28], [sflag:s26] =	dma.local [spmem:s29], $0x400  }
0x14e: {  	s28 =	rddreg [dreg:$0x10]  }
0x14f: {  	s29 =	rddreg [dreg:$0x1a]  }
0x150: {  	[hbm:s28], [sflag:s26] =	dma.local [spmem:s29], $0x400  }
0x151: {  	s28 =	rddreg [dreg:$0x11]  }
0x152: {  	s29 =	rddreg [dreg:$0x1b]  }
0x153: {  	[hbm:s28], [sflag:s26] =	dma.local [spmem:s29], $0x400  }
0x154: {  	s28 =	rddreg [dreg:$0x12]  }
0x155: {  	s29 =	rddreg [dreg:$0x1c]  }
0x156: {  	[hbm:s28], [sflag:s26] =	dma.local [spmem:s29], $0x400  }
0x157: {  	_ =	swait.ge [sflag:s12], $0x400  }
0x158: {  	[sflag:s12] =	ssyncset.done $0x0  }
0x159: {  	[sflag:s12] =	ssyncadd.s32 $0xFFFFFC00  }
0x15a: {  	_ =	swait.ge [sflag:s12], $0x400  }
0x15b: {  	[sflag:s12] =	ssyncset.done $0x0  }
0x15c: {  	[sflag:s12] =	ssyncadd.s32 $0xFFFFFC00  }
0x15d: {  	_ =	swait.ge [sflag:s12], $0x400  }
0x15e: {  	[sflag:s12] =	ssyncset.done $0x0  }
0x15f: {  	[sflag:s12] =	ssyncadd.s32 $0xFFFFFC00  }
0x160: {  	_ =	swait.ge [sflag:s12], $0x400  }
0x161: {  	[sflag:s12] =	ssyncset.done $0x0  }
0x162: {  	[sflag:s12] =	ssyncadd.s32 $0xFFFFFC00  }
0x163: {  	_ =	swait.ge [sflag:s12], $0x400  }
0x164: {  	[sflag:s12] =	ssyncset.done $0x0  }
0x165: {  	[sflag:s12] =	ssyncadd.s32 $0xFFFFFC00  }
0x166: {  	_ =	swait.ge [sflag:s12], $0x400  }
0x167: {  	[sflag:s12] =	ssyncset.done $0x0  }
0x168: {  	[sflag:s12] =	ssyncadd.s32 $0xFFFFFC00  }
0x169: {  	_ =	swait.ge [sflag:s12], $0x400  }
0x16a: {  	[sflag:s12] =	ssyncset.done $0x0  }
0x16b: {  	[sflag:s12] =	ssyncadd.s32 $0xFFFFFC00  }
0x16c: {  	_ =	swait.ge [sflag:s12], $0x400  }
0x16d: {  	[sflag:s12] =	ssyncset.done $0x0  }
0x16e: {  	[sflag:s12] =	ssyncadd.s32 $0xFFFFFC00  }
0x16f: {  	_ =	swait.ge [sflag:s12], $0x400  }
0x170: {  	[sflag:s12] =	ssyncset.done $0x0  }
0x171: {  	[sflag:s12] =	ssyncadd.s32 $0xFFFFFC00  }
0x172: {  	_ =	swait.ge [sflag:s12], $0x400  }
0x173: {  	s1 =	sadd.s32 $0x1, s1;
	s29 =	rddreg [dreg:$0x13]  }
0x174: {  	p0 =	sne.s32 s1, s29  }
.Ltmp4:
0x175: {  	_ = 	snop;
	(pc) =	sbr.rel @p0 .LBB2_1-.Ltmp4, $3  }
0x176: {  	_ =	sdelay $0x1  }
0x177: {  	[sflag:s12] =	ssyncset.done $0x0  }
0x178: {  	[sflag:s12] =	ssyncadd.s32 $0xFFFFFC00  }
0x179: {  	_ =	sfence.sel $0x180000  }
0x17a: {  	[bflag:$0x0] =	sbarrier.arrive $0xFFFF  }
0x17b: {  	_ =	strace $0x9000004A  }
0x17c: {  	s0 =	stileid.u32;
	[bflag:$0x2] =	sbarrier.arrive $0xFFFF  }
0x17d: {  	p0 =	sne.s32 s0, $0x0;
	s0 =	rddreg [dreg:$0x4]  }
0x17e: {  	s0 =	sadd.s32 @!p0 $0x100000, s0  }
0x17f: {  	[sflag:s0] =	ssyncadd.tile.s32 @!p0 $0x1;
	_ =	shalt  }
.Lfunc_end2:
_tile_overlayer_lowered:
.L_overlay_start_2:
0x180: {  	(tag) =	ssettag $0x2  }
0x181: {  	s0 =	rddreg [dreg:$0x0];
	s2 =	stileid.u32  }
0x182: {  	s1 =	rddreg [dreg:$0x1];
	p0 =	sne.s32 s2, $0x0  }
0x183: {  	s3 =	rddreg [dreg:$0x2];
	[bflag:$0x3] =	sbarrier.arrive $0xFFFF;
	s2 =	simm.s32 @!p0 $0x1C03  }
0x184: {  	[timem:s3], [sflag:s2] =	dma.local @!p0 [hbm:s0], s1  }
0x185: {  	s0 =	simm.s32 @!p0 $0x3  }
0x186: {  	_ =	swait.ge @!p0 [sflag:s0], s1  }
0x187: {  	s1 =	ssub.s32 @!p0 $0x0, s1;
	[sflag:s0] =	ssyncset.done @!p0 $0x0  }
0x188: {  	[sflag:s0] =	ssyncadd.s32 @!p0 s1  }
0x189: {  	[bflag:$0x3] =	sbarrier.arrive $0xFFFF  }
0x18a: {  	_ =	shalt  }

// kernel: kernel.14.cloned.1.call-start
scs
__scs_entry_jumppad:
0x0: {  	(pc) =	sbr.rel $0x88, $3  }
0x1: {  	(tag) =	ssettag $0x0;
	lr =	simm.s32 $0x1  }
0x2: {  	[smem:$0x3F9B] =	sst lr;
	_ =	strace $0xD0000000  }
0x3: {  	_ = 	snop  }
0x4: {  	_ = 	snop  }
0x5: {  	_ = 	snop  }
0x6: {  	_ = 	snop  }
0x7: {  	_ = 	snop  }
__scs_overlays_trampoline_lowered:
0x8: {  	[smem:$0x3FAA] =	sst s0  }
0x9: {  	[smem:$0x3FAB] =	sst s1  }
0xa: {  	[smem:$0x3FAC] =	sst s2  }
0xb: {  	[smem:$0x3FAD] =	sst s3  }
0xc: {  	[smem:$0x3FAE] =	sst s4  }
0xd: {  	[smem:$0x3FAF] =	sst s5  }
0xe: {  	[smem:$0x3FB0] =	sst s6  }
0xf: {  	[smem:$0x3FB1] =	sst s7  }
0x10: {  	[smem:$0x3FB2] =	sst s8  }
0x11: {  	[smem:$0x3FB3] =	sst s9;
	s0 =	simm.s32 @!p0 $0x0  }
0x12: {  	s1 =	sld [smem:$0x3F99];
	s0 =	simm.s32 @p0 $0x1  }
0x13: {  	[smem:$0x3FB4] =	sst s0;
	s0 =	simm.s32 @!p1 $0x0  }
0x14: {  	s2 =	sld [smem:$0x3F98];
	s0 =	simm.s32 @p1 $0x1  }
0x15: {  	[smem:$0x3FB5] =	sst s0;
	s0 =	simm.s32 @!p2 $0x0  }
0x16: {  	s3 =	sld [smem:$0x3FDB];
	s0 =	simm.s32 @p2 $0x1  }
0x17: {  	s4 =	simm.s32 $0x1BF5;
	[smem:$0x3FB7] =	sst s0  }
0x18: {  	s0 =	sld [smem:$0x3F9A];
	_ =	swait.ge [sflag:s4], $0x0  }
0x19: {  	s7 =	sld [smem:$0x3F9B]  }
0x1a: {  	s8 =	sadd.s32 $0xFFFFE003, lr  }
0x1b: {  	s9 =	sadd.s32 $0xFFFFFEF7, lr;
	s5 =	simm.s32 $0xFFFFFFFF;
	p2 =	slt.u32 s8, $0xFFFFF086  }
0x1c: {  	p1 =	slt.u32 s9, $0xF7A;
	s5 =	simm.s32 @!p2 $0x0  }
0x1d: {  	s5 =	simm.s32 @p1 $0x1;
	p0 =	seq.s32 s7, s2  }
0x1e: {  	s7 =	smul.u32 @!p0 $0xF7A, s2;
	p2 =	seq.s32 @!p0 s5, $0x0  }
0x1f: {  	s9 =	smul.u32 $0xF7A, s1;
	s8 =	simm.s32 @!p0 $0x1BF5;
	p2 =	por !p2, p0  }
0x20: {  	[sflag:s8] =	ssyncset.s32 @!p0 $0xFFFFF086;
	s6 =	sadd.s32 @!p0 s3, s7;
	s7 =	simm.s32 @!p0 $0x108  }
0x21: {  	s3 =	sadd.s32 s3, s9;
	s6 =	sadd.s32 @!p0 $0x88, s6;
	s7 =	simm.s32 @p2 $0x1082  }
0x22: {  	[simem:s7], [sflag:s8] =	dma.local @!p0 [hbm:s6], $0xF7A  }
0x23: {  	s9 =	sor.u32 $0xD0000000, s2;
	s6 =	simm.s32 $0x108;
	_ =	swait.ge @!p0 [sflag:s8], $0x0  }
0x24: {  	s3 =	sadd.s32 $0x88, s3;
	s6 =	simm.s32 @!p1 $0x1082;
	[sflag:s4] =	ssyncset.s32 $0xFFFFF086  }
0x25: {  	[simem:s6], [sflag:s4] =	dma.local [hbm:s3], $0xF7A  }
0x26: {  	[smem:$0x3F9B] =	sst s1;
	(tag) =	ssettag s2;
	_ =	strace s9  }
0x27: {  	s1 =	sld [smem:$0x3FAB]  }
0x28: {  	s2 =	sld [smem:$0x3FAC]  }
0x29: {  	s4 =	sld [smem:$0x3FAE]  }
0x2a: {  	p0 =	seq.s32 s5, $0x0;
	s5 =	sld [smem:$0x3FAF]  }
0x2b: {  	s6 =	sld [smem:$0x3FB0]  }
0x2c: {  	s7 =	sld [smem:$0x3FB1]  }
0x2d: {  	s3 =	simm.s32 $0x108;
	s8 =	sld [smem:$0x3FB2]  }
0x2e: {  	s3 =	simm.s32 @!p0 $0x1082;
	s9 =	sld [smem:$0x3FB3]  }
0x2f: {  	lr =	sadd.s32 s0, s3;
	s0 =	sld [smem:$0x3FAA]  }
0x30: {  	s3 =	sld [smem:$0x3FAD]  }
0x31: {  	[smem:$0x3FB6] =	sst s10  }
0x32: {  	s10 =	sld [smem:$0x3FB4];
	_ =	sdelay $0x3  }
0x33: {  	p0 =	seq.s32 s10, $0x1;
	s10 =	sld [smem:$0x3FB6];
	_ =	sdelay $0x3  }
0x34: {  	[smem:$0x3FB6] =	sst s10  }
0x35: {  	s10 =	sld [smem:$0x3FB5];
	_ =	sdelay $0x3  }
0x36: {  	p1 =	seq.s32 s10, $0x1;
	s10 =	sld [smem:$0x3FB6];
	_ =	sdelay $0x3  }
0x37: {  	[smem:$0x3FB6] =	sst s10  }
0x38: {  	s10 =	sld [smem:$0x3FB7]  }
0x39: {  	_ = 	snop;
	(pc) =	sbr.ind lr, $3  }
0x3a: {  	_ = 	snop  }
0x3b: {  	_ = 	snop  }
0x3c: {  	p2 =	seq.s32 s10, $0x1;
	s10 =	sld [smem:$0x3FB6]  }
0x3d: {  	_ =	shalt  }
0x3e: {  	_ =	shalt  }
0x3f: {  	_ =	shalt  }
0x40: {  	_ =	shalt  }
0x41: {  	_ =	shalt  }
0x42: {  	_ =	shalt  }
0x43: {  	_ =	shalt  }
0x44: {  	_ =	shalt  }
0x45: {  	_ =	shalt  }
0x46: {  	_ =	shalt  }
0x47: {  	_ =	shalt  }
0x48: {  	_ =	shalt  }
0x49: {  	_ =	shalt  }
0x4a: {  	_ =	shalt  }
0x4b: {  	_ =	shalt  }
0x4c: {  	_ =	shalt  }
0x4d: {  	_ =	shalt  }
0x4e: {  	_ =	shalt  }
0x4f: {  	_ =	shalt  }
0x50: {  	_ =	shalt  }
0x51: {  	_ =	shalt  }
0x52: {  	_ =	shalt  }
0x53: {  	_ =	shalt  }
0x54: {  	_ =	shalt  }
0x55: {  	_ =	shalt  }
0x56: {  	_ =	shalt  }
0x57: {  	_ =	shalt  }
0x58: {  	_ =	shalt  }
0x59: {  	_ =	shalt  }
0x5a: {  	_ =	shalt  }
0x5b: {  	_ =	shalt  }
0x5c: {  	_ =	shalt  }
0x5d: {  	_ =	shalt  }
0x5e: {  	_ =	shalt  }
0x5f: {  	_ =	shalt  }
0x60: {  	_ =	shalt  }
0x61: {  	_ =	shalt  }
0x62: {  	_ =	shalt  }
0x63: {  	_ =	shalt  }
0x64: {  	_ =	shalt  }
0x65: {  	_ =	shalt  }
0x66: {  	_ =	shalt  }
0x67: {  	_ =	shalt  }
0x68: {  	_ =	shalt  }
0x69: {  	_ =	shalt  }
0x6a: {  	_ =	shalt  }
0x6b: {  	_ =	shalt  }
0x6c: {  	_ =	shalt  }
0x6d: {  	_ =	shalt  }
0x6e: {  	_ =	shalt  }
0x6f: {  	_ =	shalt  }
0x70: {  	_ =	shalt  }
0x71: {  	_ =	shalt  }
0x72: {  	_ =	shalt  }
0x73: {  	_ =	shalt  }
0x74: {  	_ =	shalt  }
0x75: {  	_ =	shalt  }
0x76: {  	_ =	shalt  }
0x77: {  	_ =	shalt  }
0x78: {  	_ =	shalt  }
0x79: {  	_ =	shalt  }
0x7a: {  	_ =	shalt  }
0x7b: {  	_ =	shalt  }
0x7c: {  	_ =	shalt  }
0x7d: {  	_ =	shalt  }
0x7e: {  	_ =	shalt  }
0x7f: {  	_ =	shalt  }
0x80: {  	_ =	shalt  }
0x81: {  	_ =	shalt  }
0x82: {  	_ =	shalt  }
0x83: {  	_ =	shalt  }
0x84: {  	_ =	shalt  }
0x85: {  	_ =	shalt  }
0x86: {  	_ =	shalt  }
0x87: {  	_ =	shalt  }
.Lfunc_end0:
.L_simem_size_0:
called_computation.2_lowered:
.L_overlay_start_0:
0x88: {  	s2 =	sld [smem:$0x3FD9]  }
0x89: {  	s3 =	sld [smem:$0x3FFE];
	_ =	sdelay $0x1  }
0x8a: {  	s1 =	srdreg.scid  }
0x8b: {  	s0 =	sand.u32 $0x1, s1  }
0x8c: {  	s14 =	sshll.u32 s0, $0xA;
	s2 =	sadd.s32 s3, s2  }
0x8d: {  	s2 =	sadd.s32 s2, s14  }
0x8e: {  	[smem:$0x3FC2] =	sst s2  }
0x8f: {  	_ = 	snop  }
0x90: {  	s2 =	sld [smem:$0x3FD0];
	_ =	sdelay $0x2  }
0x91: {  	s15 =	simm.s32 $0xA;
	s4 =	simm.s32 $0x10  }
0x92: {  	[smem:s4], [sflag:s15] =	dma.local [hbm:s2], $0x1  }
0x93: {  	_ =	swait.eq [sflag:s15], $0x1  }
0x94: {  	[sflag:s15] =	ssyncset.done $0x0  }
0x95: {  	[sflag:s15] =	ssyncadd.s32 $0xFFFFFFFF  }
0x96: {  	s16 =	sld [smem:$0x11];
	(tm) =	ssettm $0x1  }
0x97: {  	s17 =	sld [smem:$0x3FFB];
	_ =	sdelay $0x3  }
0x98: {  	_ =	strace s17  }
0x99: {  	s3 =	sld [smem:$0x3FFC];
	_ =	sdelay $0x3  }
0x9a: {  	_ =	strace s3  }
0x9b: {  	s3 =	sld [smem:$0x3FFD];
	_ =	sdelay $0x3  }
0x9c: {  	_ =	strace s3  }
0x9d: {  	_ =	strace $0x8FFFFFFF  }
0x9e: {  	s18 =	sld [smem:$0x3FDB];
	_ =	sdelay $0x1  }
0x9f: {  	s19 =	simm.s32 $_scs_section_size  }
0xa0: {  	s5 =	simm.s32 $_size__tile_overlayer_lowered;
	s6 =	simm.s32 $_tile_overlayer_lowered  }
0xa1: {  	s22 =	simm.s32 $0x1BFF;
	s21 =	sshll.u32 s6, $0x1;
	s3 =	sadd.s32 s19, s18  }
0xa2: {  	s7 =	simm.s32 $0x0;
	s20 =	sshll.u32 s5, $0x1;
	s5 =	sadd.s32 s21, s3  }
0xa3: {  	[timem:s7], [sflag:s22] =	dma.local [hbm:s5], s20  }
0xa4: {  	_ =	swait.ge [sflag:s22], s20  }
0xa5: {  	s4 =	ssub.s32 $0x0, s20;
	[sflag:s22] =	ssyncset.done $0x0  }
0xa6: {  	[sflag:s22] =	ssyncadd.s32 s4;
	_ =	sdelay $0x1  }
0xa7: {  	s23 =	simm.s32 $0x1B8B  }
0xa8: {  	_ =	swait.ge [sflag:s23], $0x1  }
0xa9: {  	[sflag:s23] =	ssyncset.done $0x0  }
0xaa: {  	s25 =	simm.s32 $0x1B8E;
	s24 =	sld [smem:$0x3FFE];
	[sflag:s23] =	ssyncadd.s32 $0xFFFFFFFF  }
0xab: {  	s26 =	simm.s32 $execute0_lowered;
	[smem:$0x3FD2] =	sst s25  }
0xac: {  	s5 =	sshll.u32 s26, $0x1;
	_ =	strace $0x8000004C;
	[dreg:$0x1] =	wrdreg $0xFFFFFFFF  }
0xad: {  	s28 =	simm.s32 $_size_execute0_lowered;
	s3 =	sadd.s32 s3, s5;
	[dreg:$0x0] =	wrdreg $0x0  }
0xae: {  	s5 =	sshll.u32 s28, $0x1;
	[dreg:$0x2] =	wrdreg s3  }
0xaf: {  	[dreg:$0x3] =	wrdreg s5  }
0xb0: {  	[dreg:$0x4] =	wrdreg $0xC0  }
0xb1: {  	_ =	task [dreg:s7], $0x5FFFF  }
0xb2: {  	[dreg:$0x1] =	wrdreg $0xFFFFFFFF  }
0xb3: {  	[dreg:$0x0] =	wrdreg $0x60  }
0xb4: {  	[dreg:$0x2] =	wrdreg s16  }
0xb5: {  	[dreg:$0x3] =	wrdreg s24  }
0xb6: {  	[dreg:$0x4] =	wrdreg $0x0  }
0xb7: {  	[dreg:$0x5] =	wrdreg $0x9  }
0xb8: {  	_ =	task.clear_ibuf [dreg:s7], $0x6FFFF;
	_ =	strace $0x9000004C  }
0xb9: {  	s29 =	simm.s32 $0x9;
	_ =	strace $0x8000004E  }
0xba: {  	_ =	swait.ge [sflag:s29], $0x1  }
0xbb: {  	[sflag:s29] =	ssyncadd.s32 $0xFFFFFFFF  }
0xbc: {  	_ =	strace $0x9000004E  }
0xbd: {  	_ =	sfence  }
0xbe: {  	s30 =	sld [smem:$0x0];
	_ =	sdelay $0x2  }
0xbf: {  	s31 =	sshll.u32 s1, $0xD;
	s1 =	sshrl.u32 s1, $0x2  }
0xc0: {  	s3 =	sand.u32 $0x4000, s31;
	s1 =	sadd.s32 s1, s30  }
0xc1: {  	s0 =	sor.u32 s3, s0;
	s1 =	sshll.u32 s1, $0x11  }
0xc2: {  	s0 =	sor.u32 s1, s0  }
0xc3: {  	s0 =	sadd.s32 $0x8F2B, s0  }
0xc4: {  	[sflag:s0] =	ssyncadd.remote.s32 $0x1  }
0xc5: {  	_ =	sfence.sel $0xFFFF  }
0xc6: {  	[dreg:$0x0] =	wrdreg $0xFFFFFFFF;
	(pc) =	sbr.abs _section_cstart, $3  }
0xc7: {  	[dreg:$0x1] =	wrdreg $0xFFFFFFFF  }
0xc8: {  	_ =	task.clear_ibuf [dreg:s7], $0x2FFFF;
	_ =	strace $0x9FFFFFFF  }
0xc9: {  	(tm) =	ssettm $0x7FFFFFFF  }
tec
execute0_lowered:
.L_overlay_start_1:
0x0: {  	(tag) =	ssettag $0x1  }
0x1: {  	s2 =	rddreg [dreg:$0x0]  }
0x2: {  	s0 =	rddreg [dreg:$0x1]  }
0x3: {  	s3 =	srdreg.scid;
	s15 =	stileid.u32;
	s1 =	simm.s32 $0x0  }
0x4: {  	s3 =	sand.u32 $0x1, s3;
	s4 =	sshll.u32 s15, $0x1;
	s29 =	smul.u32 $0x14000, s15  }
0x5: {  	[smem:$0x7FF] =	sst s1;
	s5 =	sadd.s32 $0x2200, s0;
	s15 =	smul.u32 $0x50000, s15  }
0x6: {  	s4 =	sor.u32 s3, s4;
	s6 =	ssub.s32 $0x2, s3;
	s3 =	smul.u32 $0x140000, s3  }
0x7: {  	s7 =	sadd.s32 $0x34200, s0;
	s4 =	smul.u32 $0x2800, s4;
	s8 =	sshrl.u32 s6, $0x1  }
0x8: {  	s20 =	sadd.s32 $0xA000, s29;
	s25 =	sadd.s32 $0x10000, s29;
	s26 =	sadd.s32 $0x12000, s29  }
0x9: {  	s6 =	ssub.s32 s6, s8;
	s12 =	sadd.s32 s3, s29;
	s4 =	sshrl.u32 s4, $0x3  }
0xa: {  	s21 =	sadd.s32 s3, s20;
	s28 =	sadd.s32 s3, s25;
	s9 =	sadd.s32 s2, s4  }
0xb: {  	s8 =	sshrl.u32 s28, $0x3;
	s11 =	sadd.s32 s5, s4;
	[dreg:$0x4] =	wrdreg s9  }
0xc: {  	s4 =	sadd.s32 $0x280, s4;
	s8 =	sadd.s32 s7, s8;
	[dreg:$0x5] =	wrdreg s11  }
0xd: {  	s2 =	sadd.s32 s2, s4;
	s9 =	sor.u32 $0x2000, s29;
	[dreg:$0x10] =	wrdreg s8  }
0xe: {  	s4 =	sadd.s32 s5, s4;
	s5 =	sadd.s32 $0x6000, s29;
	[dreg:$0x6] =	wrdreg s2  }
0xf: {  	s11 =	sadd.s32 $0x8000, s29;
	[dreg:$0x7] =	wrdreg s4;
	s2 =	sshrl.u32 s12, $0x3  }
0x10: {  	s13 =	sadd.s32 s3, s9;
	s4 =	sadd.s32 $0x4000, s29;
	s10 =	sadd.s32 s3, s5  }
0x11: {  	s18 =	sadd.s32 s3, s11;
	s12 =	sadd.s32 $0xC000, s29;
	s2 =	sadd.s32 s7, s2  }
0x12: {  	s14 =	sshrl.u32 s13, $0x3;
	s16 =	sadd.s32 s3, s4;
	s17 =	sshrl.u32 s10, $0x3  }
0x13: {  	s19 =	sshrl.u32 s18, $0x3;
	s13 =	sadd.s32 s3, s12;
	s18 =	sadd.s32 $0xC200, s0  }
0x14: {  	[dreg:$0x8] =	wrdreg s2;
	s2 =	sadd.s32 s7, s14;
	s14 =	sadd.s32 $0xE000, s29  }
0x15: {  	s22 =	sshrl.u32 s13, $0x3;
	[dreg:$0x9] =	wrdreg s2;
	s2 =	sshrl.u32 s16, $0x3  }
0x16: {  	s23 =	sadd.s32 s3, s14;
	s16 =	rddreg [dreg:$0x2];
	s2 =	sadd.s32 s7, s2  }
0x17: {  	s3 =	sadd.s32 s3, s26;
	[dreg:$0xa] =	wrdreg s2;
	s2 =	sadd.s32 s7, s17  }
0x18: {  	s3 =	sshrl.u32 s3, $0x3;
	[dreg:$0xb] =	wrdreg s2;
	s2 =	sadd.s32 s7, s19  }
0x19: {  	s3 =	sadd.s32 s7, s3;
	[dreg:$0xc] =	wrdreg s2;
	s2 =	sshrl.u32 s21, $0x3  }
0x1a: {  	s24 =	sshrl.u32 s23, $0x3;
	[dreg:$0x11] =	wrdreg s3;
	s2 =	sadd.s32 s7, s2  }
0x1b: {  	s3 =	smax.u32 s6, $0x1;
	[dreg:$0xd] =	wrdreg s2;
	s2 =	sadd.s32 s7, s22  }
0x1c: {  	s6 =	sadd.s32 s9, s16;
	[dreg:$0xe] =	wrdreg s2;
	s2 =	sadd.s32 s7, s24  }
0x1d: {  	s8 =	sadd.s32 s5, s16;
	s0 =	sshrl.u32 s6, $0x3;
	[dreg:$0xf] =	wrdreg s2  }
0x1e: {  	s7 =	sadd.s32 s4, s16;
	_ =	strace $0x8000004D;
	[dreg:$0x12] =	wrdreg s3  }
0x1f: {  	s9 =	sadd.s32 s11, s16;
	s17 =	sshrl.u32 s7, $0x3;
	[dreg:$0x13] =	wrdreg s0  }
0x20: {  	s11 =	sadd.s32 s20, s16;
	s20 =	sshrl.u32 s8, $0x3;
	[dreg:$0x14] =	wrdreg s17  }
0x21: {  	s29 =	sshrl.u32 s15, $0x2;
	s21 =	sshrl.u32 s9, $0x3;
	[dreg:$0x15] =	wrdreg s20  }
0x22: {  	s12 =	sadd.s32 s12, s16;
	s22 =	sshrl.u32 s11, $0x3;
	[dreg:$0x16] =	wrdreg s21  }
0x23: {  	s14 =	sadd.s32 s14, s16;
	s23 =	sshrl.u32 s12, $0x3;
	[dreg:$0x17] =	wrdreg s22  }
0x24: {  	s15 =	sadd.s32 s25, s16;
	s24 =	sshrl.u32 s14, $0x3;
	[dreg:$0x18] =	wrdreg s23  }
0x25: {  	s25 =	sshrl.u32 s15, $0x3;
	s19 =	sadd.s32 s29, s16;
	[dreg:$0x19] =	wrdreg s24  }
0x26: {  	s28 =	sadd.s32 $0x800, s19;
	[dreg:$0x1a] =	wrdreg s25  }
0x27: {  	s29 =	sadd.s32 $0x1000, s19;
	[dreg:$0x1c] =	wrdreg s28  }
0x28: {  	s4 =	sadd.s32 $0x2800, s19;
	[dreg:$0x1d] =	wrdreg s29  }
0x29: {  	s5 =	sadd.s32 $0x3000, s19;
	[smem:$0x7E8] =	sst s4  }
0x2a: {  	s6 =	sadd.s32 $0x3800, s19;
	[smem:$0x7E9] =	sst s5  }
0x2b: {  	s7 =	sadd.s32 $0x4000, s19;
	[smem:$0x7EA] =	sst s6  }
0x2c: {  	s8 =	sadd.s32 $0x4800, s19;
	[smem:$0x7EB] =	sst s7  }
0x2d: {  	s9 =	sadd.s32 $0x5000, s19;
	[smem:$0x7EC] =	sst s8  }
0x2e: {  	s10 =	sadd.s32 $0x5800, s19;
	[smem:$0x7ED] =	sst s9  }
0x2f: {  	s11 =	sadd.s32 $0x6000, s19;
	[smem:$0x7EE] =	sst s10  }
0x30: {  	s12 =	sadd.s32 $0x6800, s19;
	s13 =	sadd.s32 $0x7000, s19;
	[smem:$0x7EF] =	sst s11  }
0x31: {  	s15 =	sadd.s32 $0x8000, s19;
	s30 =	sadd.s32 $0xD800, s19;
	[smem:$0x7F0] =	sst s12  }
0x32: {  	s14 =	sadd.s32 $0x7800, s19;
	s2 =	sadd.s32 s26, s16;
	[smem:$0x7F1] =	sst s13  }
0x33: {  	s31 =	sadd.s32 $0xE000, s19;
	s26 =	sshrl.u32 s2, $0x3;
	[smem:$0x7F2] =	sst s14  }
0x34: {  	s2 =	sadd.s32 $0x1800, s19;
	s3 =	sadd.s32 $0x2000, s19;
	[smem:$0x7F3] =	sst s15  }
0x35: {  	s17 =	sadd.s32 $0x8800, s19;
	s20 =	sadd.s32 $0x9000, s19;
	[dreg:$0x1b] =	wrdreg s26  }
0x36: {  	s21 =	sadd.s32 $0x9800, s19;
	s22 =	sadd.s32 $0xA000, s19;
	[dreg:$0x1e] =	wrdreg s2  }
0x37: {  	s23 =	sadd.s32 $0xA800, s19;
	s24 =	sadd.s32 $0xB000, s19;
	[dreg:$0x1f] =	wrdreg s3  }
0x38: {  	s25 =	sadd.s32 $0xB800, s19;
	s28 =	sadd.s32 $0xC800, s19;
	[smem:$0x7F4] =	sst s17  }
0x39: {  	s29 =	sadd.s32 $0xD000, s19;
	s14 =	sadd.s32 $0xE800, s19;
	[smem:$0x7F5] =	sst s20  }
0x3a: {  	s0 =	sadd.s32 $0xF000, s19;
	s4 =	sadd.s32 $0x10800, s19;
	[smem:$0x7F6] =	sst s21  }
0x3b: {  	s5 =	sadd.s32 $0x11000, s19;
	s6 =	sadd.s32 $0x11800, s19;
	[smem:$0x7F7] =	sst s22  }
0x3c: {  	s7 =	sadd.s32 $0x12000, s19;
	s8 =	sadd.s32 $0x12800, s19;
	[smem:$0x7F8] =	sst s23  }
0x3d: {  	s9 =	sadd.s32 $0x13000, s19;
	s10 =	sadd.s32 $0x13800, s19;
	[smem:$0x7F9] =	sst s24  }
0x3e: {  	s11 =	simm.s32 $0x16800;
	s12 =	simm.s32 $0x1;
	[smem:$0x7FA] =	sst s25  }
0x3f: {  	s13 =	simm.s32 $0x14000;
	s15 =	simm.s32 $0x3;
	[smem:$0x7FC] =	sst s28  }
0x40: {  	s26 =	sadd.s32 $0xC000, s19;
	[smem:$0x7FD] =	sst s29;
	s2 =	sadd.s32 $0xF800, s19  }
0x41: {  	s3 =	sadd.s32 $0x10000, s19;
	s17 =	simm.s32 $0x15400;
	s20 =	simm.s32 $0x7D  }
0x42: {  	s21 =	simm.s32 $0x1A800;
	s22 =	simm.s32 $0x2;
	s23 =	simm.s32 $0x15380  }
0x43: {  	v0 =	vimm.f32 $0.0e+00;
	s24 =	simm.s32 $0x16700;
	s25 =	simm.s32 $0x16780;
	[smem:$0x7FB] =	sst s26  }
.LBB2_1:
0x44: {  	s26 =	simm.s32 $0x0;
	s28 =	simm.s32 $0x200  }
.LBB2_2:
0x45: {  	p0 =	sne.s32 s28, $0x1E00;
	[tilespmem:s26+$0x16870] =	vst v0  }
0x46: {  	[tilespmem:s26+$0x16800] =	vst v0  }
0x47: {  	[tilespmem:s26+$0x16810] =	vst v0  }
.Ltmp0:
0x48: {  	[tilespmem:s26+$0x16820] =	vst v0;
	(pc) =	sbr.rel @p0 .LBB2_2-.Ltmp0, $4  }
0x49: {  	[tilespmem:s26+$0x16830] =	vst v0  }
0x4a: {  	[tilespmem:s26+$0x16840] =	vst v0  }
0x4b: {  	[tilespmem:s26+$0x16850] =	vst v0  }
0x4c: {  	[tilespmem:s26+$0x16860] =	vst v0;
	s26 =	sshra.s32 s28, $0x2;
	s28 =	sadd.s32 $0x200, s28  }
0x4d: {  	[tilespmem:s26+$0x16870] =	vst v0  }
0x4e: {  	[tilespmem:s26+$0x16800] =	vst v0  }
0x4f: {  	[tilespmem:s26+$0x16810] =	vst v0  }
0x50: {  	[tilespmem:s26+$0x16820] =	vst v0  }
0x51: {  	[tilespmem:s26+$0x16830] =	vst v0  }
0x52: {  	[tilespmem:s26+$0x16840] =	vst v0  }
0x53: {  	[tilespmem:s26+$0x16850] =	vst v0  }
0x54: {  	[tilespmem:s26+$0x16860] =	vst v0;
	s28 =	rddreg [dreg:$0x1c]  }
0x55: {  	[spmem:s19] =	stream.linear.scatter [tilespmem:s11], [sflag:$0x1], $0x800, $0x38;
	[tilespmem:$0x1E800] =	vst v63  }
0x56: {  	s29 =	rddreg [dreg:$0x1d]  }
0x57: {  	[spmem:s28] =	stream.linear.scatter [tilespmem:s11], [sflag:$0x1], $0x800, $0x38;
	[tilespmem:$0x1E800] =	vst v63  }
0x58: {  	s28 =	rddreg [dreg:$0x1e]  }
0x59: {  	[spmem:s29] =	stream.linear.scatter [tilespmem:s11], [sflag:$0x1], $0x800, $0x38;
	[tilespmem:$0x1E800] =	vst v63  }
0x5a: {  	s29 =	rddreg [dreg:$0x1f]  }
0x5b: {  	[spmem:s28] =	stream.linear.scatter [tilespmem:s11], [sflag:$0x1], $0x800, $0x38;
	[tilespmem:$0x1E800] =	vst v63  }
0x5c: {  	s28 =	sld [smem:$0x7E8]  }
0x5d: {  	[spmem:s29] =	stream.linear.scatter [tilespmem:s11], [sflag:$0x1], $0x800, $0x38;
	[tilespmem:$0x1E800] =	vst v63  }
0x5e: {  	s29 =	sld [smem:$0x7E9]  }
0x5f: {  	[spmem:s28] =	stream.linear.scatter [tilespmem:s11], [sflag:$0x1], $0x800, $0x38;
	[tilespmem:$0x1E800] =	vst v63  }
0x60: {  	s28 =	sld [smem:$0x7EA]  }
0x61: {  	[spmem:s29] =	stream.linear.scatter [tilespmem:s11], [sflag:$0x1], $0x800, $0x38;
	[tilespmem:$0x1E800] =	vst v63  }
0x62: {  	s29 =	sld [smem:$0x7EB]  }
0x63: {  	[spmem:s28] =	stream.linear.scatter [tilespmem:s11], [sflag:$0x1], $0x800, $0x38;
	[tilespmem:$0x1E800] =	vst v63  }
0x64: {  	s28 =	sld [smem:$0x7EC]  }
0x65: {  	[spmem:s29] =	stream.linear.scatter [tilespmem:s11], [sflag:$0x1], $0x800, $0x38;
	[tilespmem:$0x1E800] =	vst v63  }
0x66: {  	s29 =	sld [smem:$0x7ED]  }
0x67: {  	[spmem:s28] =	stream.linear.scatter [tilespmem:s11], [sflag:$0x1], $0x800, $0x38;
	[tilespmem:$0x1E800] =	vst v63  }
0x68: {  	s28 =	sld [smem:$0x7EE]  }
0x69: {  	[spmem:s29] =	stream.linear.scatter [tilespmem:s11], [sflag:$0x1], $0x800, $0x38;
	[tilespmem:$0x1E800] =	vst v63  }
0x6a: {  	s29 =	sld [smem:$0x7EF]  }
0x6b: {  	[spmem:s28] =	stream.linear.scatter [tilespmem:s11], [sflag:$0x1], $0x800, $0x38;
	[tilespmem:$0x1E800] =	vst v63  }
0x6c: {  	s28 =	sld [smem:$0x7F0]  }
0x6d: {  	[spmem:s29] =	stream.linear.scatter [tilespmem:s11], [sflag:$0x1], $0x800, $0x38;
	[tilespmem:$0x1E800] =	vst v63  }
0x6e: {  	s29 =	sld [smem:$0x7F1]  }
0x6f: {  	[spmem:s28] =	stream.linear.scatter [tilespmem:s11], [sflag:$0x1], $0x800, $0x38;
	[tilespmem:$0x1E800] =	vst v63  }
0x70: {  	s28 =	sld [smem:$0x7F2]  }
0x71: {  	[spmem:s29] =	stream.linear.scatter [tilespmem:s11], [sflag:$0x1], $0x800, $0x38;
	[tilespmem:$0x1E800] =	vst v63  }
0x72: {  	s29 =	sld [smem:$0x7F3]  }
0x73: {  	[spmem:s28] =	stream.linear.scatter [tilespmem:s11], [sflag:$0x1], $0x800, $0x38;
	[tilespmem:$0x1E800] =	vst v63  }
0x74: {  	s28 =	sld [smem:$0x7F4]  }
0x75: {  	[spmem:s29] =	stream.linear.scatter [tilespmem:s11], [sflag:$0x1], $0x800, $0x38;
	[tilespmem:$0x1E800] =	vst v63  }
0x76: {  	s29 =	sld [smem:$0x7F5]  }
0x77: {  	[spmem:s28] =	stream.linear.scatter [tilespmem:s11], [sflag:$0x1], $0x800, $0x38;
	[tilespmem:$0x1E800] =	vst v63  }
0x78: {  	s28 =	sld [smem:$0x7F6]  }
0x79: {  	[spmem:s29] =	stream.linear.scatter [tilespmem:s11], [sflag:$0x1], $0x800, $0x38;
	[tilespmem:$0x1E800] =	vst v63  }
0x7a: {  	s29 =	sld [smem:$0x7F7]  }
0x7b: {  	[spmem:s28] =	stream.linear.scatter [tilespmem:s11], [sflag:$0x1], $0x800, $0x38;
	[tilespmem:$0x1E800] =	vst v63  }
0x7c: {  	s28 =	sld [smem:$0x7F8]  }
0x7d: {  	[spmem:s29] =	stream.linear.scatter [tilespmem:s11], [sflag:$0x1], $0x800, $0x38;
	[tilespmem:$0x1E800] =	vst v63  }
0x7e: {  	s29 =	sld [smem:$0x7F9]  }
0x7f: {  	[spmem:s28] =	stream.linear.scatter [tilespmem:s11], [sflag:$0x1], $0x800, $0x38;
	[tilespmem:$0x1E800] =	vst v63  }
0x80: {  	s28 =	sld [smem:$0x7FA]  }
0x81: {  	[spmem:s29] =	stream.linear.scatter [tilespmem:s11], [sflag:$0x1], $0x800, $0x38;
	[tilespmem:$0x1E800] =	vst v63  }
0x82: {  	s29 =	sld [smem:$0x7FB]  }
0x83: {  	[spmem:s28] =	stream.linear.scatter [tilespmem:s11], [sflag:$0x1], $0x800, $0x38;
	[tilespmem:$0x1E800] =	vst v63  }
0x84: {  	s28 =	sld [smem:$0x7FC]  }
0x85: {  	[spmem:s29] =	stream.linear.scatter [tilespmem:s11], [sflag:$0x1], $0x800, $0x38;
	[tilespmem:$0x1E800] =	vst v63  }
0x86: {  	s29 =	sld [smem:$0x7FD]  }
0x87: {  	[spmem:s28] =	stream.linear.scatter [tilespmem:s11], [sflag:$0x1], $0x800, $0x38;
	[tilespmem:$0x1E800] =	vst v63  }
0x88: {  	_ = 	snop  }
0x89: {  	[spmem:s29] =	stream.linear.scatter [tilespmem:s11], [sflag:$0x1], $0x800, $0x38;
	[tilespmem:$0x1E800] =	vst v63  }
0x8a: {  	_ = 	snop  }
0x8b: {  	[spmem:s30] =	stream.linear.scatter [tilespmem:s11], [sflag:$0x1], $0x800, $0x38;
	[tilespmem:$0x1E800] =	vst v63  }
0x8c: {  	_ = 	snop  }
0x8d: {  	[spmem:s31] =	stream.linear.scatter [tilespmem:s11], [sflag:$0x1], $0x800, $0x38;
	[tilespmem:$0x1E800] =	vst v63  }
0x8e: {  	_ = 	snop  }
0x8f: {  	[spmem:s14] =	stream.linear.scatter [tilespmem:s11], [sflag:$0x1], $0x800, $0x38;
	[tilespmem:$0x1E800] =	vst v63  }
0x90: {  	_ = 	snop  }
0x91: {  	[spmem:s0] =	stream.linear.scatter [tilespmem:s11], [sflag:$0x1], $0x800, $0x38;
	[tilespmem:$0x1E800] =	vst v63  }
0x92: {  	_ = 	snop  }
0x93: {  	[spmem:s2] =	stream.linear.scatter [tilespmem:s11], [sflag:$0x1], $0x800, $0x38;
	[tilespmem:$0x1E800] =	vst v63  }
0x94: {  	_ = 	snop  }
0x95: {  	[spmem:s3] =	stream.linear.scatter [tilespmem:s11], [sflag:$0x1], $0x800, $0x38;
	[tilespmem:$0x1E800] =	vst v63  }
0x96: {  	_ = 	snop  }
0x97: {  	[spmem:s4] =	stream.linear.scatter [tilespmem:s11], [sflag:$0x1], $0x800, $0x38;
	[tilespmem:$0x1E800] =	vst v63  }
0x98: {  	_ = 	snop  }
0x99: {  	[spmem:s5] =	stream.linear.scatter [tilespmem:s11], [sflag:$0x1], $0x800, $0x38;
	[tilespmem:$0x1E800] =	vst v63  }
0x9a: {  	_ = 	snop  }
0x9b: {  	[spmem:s6] =	stream.linear.scatter [tilespmem:s11], [sflag:$0x1], $0x800, $0x38;
	[tilespmem:$0x1E800] =	vst v63  }
0x9c: {  	_ = 	snop  }
0x9d: {  	[spmem:s7] =	stream.linear.scatter [tilespmem:s11], [sflag:$0x1], $0x800, $0x38;
	[tilespmem:$0x1E800] =	vst v63  }
0x9e: {  	_ = 	snop  }
0x9f: {  	[spmem:s8] =	stream.linear.scatter [tilespmem:s11], [sflag:$0x1], $0x800, $0x38;
	[tilespmem:$0x1E800] =	vst v63  }
0xa0: {  	_ = 	snop  }
0xa1: {  	[spmem:s9] =	stream.linear.scatter [tilespmem:s11], [sflag:$0x1], $0x800, $0x38;
	[tilespmem:$0x1E800] =	vst v63  }
0xa2: {  	_ = 	snop  }
0xa3: {  	[spmem:s10] =	stream.linear.scatter [tilespmem:s11], [sflag:$0x1], $0x800, $0x38;
	[tilespmem:$0x1E800] =	vst v63  }
0xa4: {  	_ =	swait.ge [sflag:s12], $0x800  }
0xa5: {  	s26 =	simm.s32 $0x27;
	[sflag:s12] =	ssyncset.done $0x0  }
.LBB2_4:
0xa6: {  	p0 =	sne.s32 s26, $0x1;
	s26 =	sadd.s32 $0xFFFFFFFF, s26;
	[sflag:s12] =	ssyncadd.s32 $0xFFFFF800  }
.Ltmp1:
0xa7: {  	(pc) =	sbr.rel @p0 .LBB2_4-.Ltmp1, $3  }
0xa8: {  	_ =	sdelay $0x1  }
0xa9: {  	_ =	swait.ge [sflag:s12], $0x800  }
0xaa: {  	[sflag:s12] =	ssyncset.done $0x0  }
0xab: {  	[sflag:s12] =	ssyncadd.s32 $0xFFFFF800  }
0xac: {  	[bflag:$0x0] =	sbarrier.arrive $0xFFFF  }
0xad: {  	s26 =	simm.s32 $0x0;
	s28 =	rddreg [dreg:$0x4]  }
0xae: {  	[tilespmem:s13], [sflag:$0x3] =	stream.linear.gather [hbm4b:s28+s26], $0x1400, $0x38;
	[tilespmem:$0x1E800] =	vst v63  }
0xaf: {  	_ =	swait.ge [sflag:s15], $0x1400  }
0xb0: {  	[sflag:s15] =	ssyncset.done $0x0  }
0xb1: {  	s29 =	rddreg [dreg:$0x5];
	[sflag:s15] =	ssyncadd.s32 $0xFFFFEC00  }
0xb2: {  	[tilespmem:s17], [sflag:$0x3] =	stream.linear.gather [hbm4b:s29+s26], $0x1400, $0x38;
	[tilespmem:$0x1E800] =	vst v63  }
0xb3: {  	_ =	swait.ge [sflag:s15], $0x1400  }
0xb4: {  	[sflag:s15] =	ssyncset.done $0x0  }
0xb5: {  	[sflag:s15] =	ssyncadd.s32 $0xFFFFEC00  }
0xb6: {  	[tilespmem:s11], [sflag:$0x1] =	stream.indirect.gather [hbm4b:s18+s20], $0x80, s13, s20, $0xb8;
	[tilespmem:$0x1E800] =	vst v63  }
0xb7: {  	_ =	swait.ge [sflag:s12], $0x3E80  }
0xb8: {  	[sflag:s12] =	ssyncset.done $0x0  }
0xb9: {  	s28 =	simm.s32 $0x14080;
	[sflag:s12] =	ssyncadd.s32 $0xFFFFC180  }
0xba: {  	[tilespmem:s21], [sflag:$0x2] =	stream.indirect.gather [hbm4b:s18+s20], $0x80, s28, s20, $0xb8;
	[tilespmem:$0x1E800] =	vst v63  }
0xbb: {  	s29 =	simm.s32 $0x15400  }
0xbc: {  	[spmem:s16] =	stream.indirect.scatter.add.f32 [tilespmem:s11], [sflag:$0x3], $0x80, s29, s20, $0xb8;
	[tilespmem:$0x1E800] =	vst v63  }
0xbd: {  	_ =	swait.ge [sflag:s15], $0x3E80  }
0xbe: {  	[sflag:s15] =	ssyncset.done $0x0  }
0xbf: {  	[sflag:s15] =	ssyncadd.s32 $0xFFFFC180  }
0xc0: {  	_ =	swait.ge [sflag:s22], $0x3E80  }
0xc1: {  	[sflag:s22] =	ssyncset.done $0x0  }
0xc2: {  	s28 =	simm.s32 $0x14100;
	[sflag:s22] =	ssyncadd.s32 $0xFFFFC180  }
0xc3: {  	[tilespmem:s11], [sflag:$0x1] =	stream.indirect.gather [hbm4b:s18+s20], $0x80, s28, s20, $0xb8;
	[tilespmem:$0x1E800] =	vst v63  }
0xc4: {  	s29 =	simm.s32 $0x15480  }
0xc5: {  	[spmem:s16] =	stream.indirect.scatter.add.f32 [tilespmem:s21], [sflag:$0x3], $0x80, s29, s20, $0xb8;
	[tilespmem:$0x1E800] =	vst v63  }
0xc6: {  	_ =	swait.ge [sflag:s15], $0x3E80  }
0xc7: {  	s26 =	simm.s32 $0x400;
	[sflag:s15] =	ssyncset.done $0x0  }
.LBB2_6:
0xc8: {  	p0 =	sne.s32 s26, $0x4800  }
0xc9: {  	[sflag:s15] =	ssyncadd.s32 $0xFFFFC180;
	s28 =	smov.u32 s26;
	s26 =	sadd.s32 $0x400, s26  }
0xca: {  	_ = 	snop  }
0xcb: {  	_ =	swait.ge [sflag:s12], $0x3E80  }
0xcc: {  	s28 =	sshra.s32 s28, $0x2;
	[sflag:s12] =	ssyncset.done $0x0  }
0xcd: {  	s29 =	sadd.s32 $0x14080, s28;
	[sflag:s12] =	ssyncadd.s32 $0xFFFFC180  }
0xce: {  	[tilespmem:s21], [sflag:$0x2] =	stream.indirect.gather [hbm4b:s18+s20], $0x80, s29, s20, $0xb8;
	[tilespmem:$0x1E800] =	vst v63  }
0xcf: {  	s29 =	sadd.s32 $0x15400, s28  }
0xd0: {  	[spmem:s16] =	stream.indirect.scatter.add.f32 [tilespmem:s11], [sflag:$0x3], $0x80, s29, s20, $0xb8;
	[tilespmem:$0x1E800] =	vst v63  }
0xd1: {  	_ =	swait.ge [sflag:s15], $0x3E80  }
0xd2: {  	[sflag:s15] =	ssyncset.done $0x0  }
0xd3: {  	[sflag:s15] =	ssyncadd.s32 $0xFFFFC180  }
0xd4: {  	_ =	swait.ge [sflag:s22], $0x3E80  }
0xd5: {  	[sflag:s22] =	ssyncset.done $0x0  }
0xd6: {  	s29 =	sadd.s32 $0x14100, s28;
	[sflag:s22] =	ssyncadd.s32 $0xFFFFC180  }
0xd7: {  	[tilespmem:s11], [sflag:$0x1] =	stream.indirect.gather [hbm4b:s18+s20], $0x80, s29, s20, $0xb8;
	[tilespmem:$0x1E800] =	vst v63  }
.Ltmp2:
0xd8: {  	_ = 	snop;
	(pc) =	sbr.rel @p0 .LBB2_6-.Ltmp2, $4  }
0xd9: {  	s28 =	sadd.s32 $0x15480, s28  }
0xda: {  	[spmem:s16] =	stream.indirect.scatter.add.f32 [tilespmem:s21], [sflag:$0x3], $0x80, s28, s20, $0xb8;
	[tilespmem:$0x1E800] =	vst v63  }
0xdb: {  	_ =	swait.ge [sflag:s15], $0x3E80  }
0xdc: {  	[sflag:s15] =	ssyncset.done $0x0  }
0xdd: {  	[sflag:s15] =	ssyncadd.s32 $0xFFFFC180  }
0xde: {  	_ =	swait.ge [sflag:s12], $0x3E80  }
0xdf: {  	[sflag:s12] =	ssyncset.done $0x0  }
0xe0: {  	[sflag:s12] =	ssyncadd.s32 $0xFFFFC180  }
0xe1: {  	[tilespmem:s21], [sflag:$0x2] =	stream.indirect.gather [hbm4b:s18+s20], $0x80, s23, s20, $0xb8;
	[tilespmem:$0x1E800] =	vst v63  }
0xe2: {  	_ = 	snop  }
0xe3: {  	[spmem:s16] =	stream.indirect.scatter.add.f32 [tilespmem:s11], [sflag:$0x3], $0x80, s24, s20, $0xb8;
	[tilespmem:$0x1E800] =	vst v63  }
0xe4: {  	_ =	swait.ge [sflag:s15], $0x3E80  }
0xe5: {  	[sflag:s15] =	ssyncset.done $0x0  }
0xe6: {  	[sflag:s15] =	ssyncadd.s32 $0xFFFFC180  }
0xe7: {  	_ =	swait.ge [sflag:s22], $0x3E80  }
0xe8: {  	[sflag:s22] =	ssyncset.done $0x0  }
0xe9: {  	[sflag:s22] =	ssyncadd.s32 $0xFFFFC180  }
0xea: {  	[tilespmem:s11], [sflag:$0x1] =	stream.indirect.gather [hbm4b:s18+s20], $0x80, s13, s20, $0xb8;
	[tilespmem:$0x1E800] =	vst v63  }
0xeb: {  	_ = 	snop  }
0xec: {  	[spmem:s16] =	stream.indirect.scatter.add.f32 [tilespmem:s21], [sflag:$0x3], $0x80, s25, s20, $0xb8;
	[tilespmem:$0x1E800] =	vst v63  }
0xed: {  	_ =	swait.ge [sflag:s15], $0x3E80  }
0xee: {  	[sflag:s15] =	ssyncset.done $0x0  }
0xef: {  	[sflag:s15] =	ssyncadd.s32 $0xFFFFC180  }
0xf0: {  	_ =	swait.ge [sflag:s12], $0x3E80  }
0xf1: {  	[sflag:s12] =	ssyncset.done $0x0  }
0xf2: {  	s26 =	simm.s32 $0x0;
	s28 =	rddreg [dreg:$0x6];
	[sflag:s12] =	ssyncadd.s32 $0xFFFFC180  }
0xf3: {  	[tilespmem:s13], [sflag:$0x3] =	stream.linear.gather [hbm4b:s28+s26], $0x1400, $0x38;
	[tilespmem:$0x1E800] =	vst v63  }
0xf4: {  	_ =	swait.ge [sflag:s15], $0x1400  }
0xf5: {  	[sflag:s15] =	ssyncset.done $0x0  }
0xf6: {  	s29 =	rddreg [dreg:$0x7];
	[sflag:s15] =	ssyncadd.s32 $0xFFFFEC00  }
0xf7: {  	[tilespmem:s17], [sflag:$0x3] =	stream.linear.gather [hbm4b:s29+s26], $0x1400, $0x38;
	[tilespmem:$0x1E800] =	vst v63  }
0xf8: {  	_ =	swait.ge [sflag:s15], $0x1400  }
0xf9: {  	[sflag:s15] =	ssyncset.done $0x0  }
0xfa: {  	[sflag:s15] =	ssyncadd.s32 $0xFFFFEC00  }
0xfb: {  	[tilespmem:s11], [sflag:$0x1] =	stream.indirect.gather [hbm4b:s18+s20], $0x80, s13, s20, $0xb8;
	[tilespmem:$0x1E800] =	vst v63  }
0xfc: {  	_ =	swait.ge [sflag:s12], $0x3E80  }
0xfd: {  	[sflag:s12] =	ssyncset.done $0x0  }
0xfe: {  	s28 =	simm.s32 $0x14080;
	[sflag:s12] =	ssyncadd.s32 $0xFFFFC180  }
0xff: {  	[tilespmem:s21], [sflag:$0x2] =	stream.indirect.gather [hbm4b:s18+s20], $0x80, s28, s20, $0xb8;
	[tilespmem:$0x1E800] =	vst v63  }
0x100: {  	s29 =	simm.s32 $0x15400  }
0x101: {  	[spmem:s16] =	stream.indirect.scatter.add.f32 [tilespmem:s11], [sflag:$0x3], $0x80, s29, s20, $0xb8;
	[tilespmem:$0x1E800] =	vst v63  }
0x102: {  	_ =	swait.ge [sflag:s15], $0x3E80  }
0x103: {  	[sflag:s15] =	ssyncset.done $0x0  }
0x104: {  	[sflag:s15] =	ssyncadd.s32 $0xFFFFC180  }
0x105: {  	_ =	swait.ge [sflag:s22], $0x3E80  }
0x106: {  	[sflag:s22] =	ssyncset.done $0x0  }
0x107: {  	s28 =	simm.s32 $0x14100;
	[sflag:s22] =	ssyncadd.s32 $0xFFFFC180  }
0x108: {  	[tilespmem:s11], [sflag:$0x1] =	stream.indirect.gather [hbm4b:s18+s20], $0x80, s28, s20, $0xb8;
	[tilespmem:$0x1E800] =	vst v63  }
0x109: {  	s29 =	simm.s32 $0x15480  }
0x10a: {  	[spmem:s16] =	stream.indirect.scatter.add.f32 [tilespmem:s21], [sflag:$0x3], $0x80, s29, s20, $0xb8;
	[tilespmem:$0x1E800] =	vst v63  }
0x10b: {  	_ =	swait.ge [sflag:s15], $0x3E80  }
0x10c: {  	s26 =	simm.s32 $0x400;
	[sflag:s15] =	ssyncset.done $0x0  }
.LBB2_8:
0x10d: {  	p0 =	sne.s32 s26, $0x4800  }
0x10e: {  	[sflag:s15] =	ssyncadd.s32 $0xFFFFC180;
	s28 =	smov.u32 s26;
	s26 =	sadd.s32 $0x400, s26  }
0x10f: {  	_ = 	snop  }
0x110: {  	_ =	swait.ge [sflag:s12], $0x3E80  }
0x111: {  	s28 =	sshra.s32 s28, $0x2;
	[sflag:s12] =	ssyncset.done $0x0  }
0x112: {  	s29 =	sadd.s32 $0x14080, s28;
	[sflag:s12] =	ssyncadd.s32 $0xFFFFC180  }
0x113: {  	[tilespmem:s21], [sflag:$0x2] =	stream.indirect.gather [hbm4b:s18+s20], $0x80, s29, s20, $0xb8;
	[tilespmem:$0x1E800] =	vst v63  }
0x114: {  	s29 =	sadd.s32 $0x15400, s28  }
0x115: {  	[spmem:s16] =	stream.indirect.scatter.add.f32 [tilespmem:s11], [sflag:$0x3], $0x80, s29, s20, $0xb8;
	[tilespmem:$0x1E800] =	vst v63  }
0x116: {  	_ =	swait.ge [sflag:s15], $0x3E80  }
0x117: {  	[sflag:s15] =	ssyncset.done $0x0  }
0x118: {  	[sflag:s15] =	ssyncadd.s32 $0xFFFFC180  }
0x119: {  	_ =	swait.ge [sflag:s22], $0x3E80  }
0x11a: {  	[sflag:s22] =	ssyncset.done $0x0  }
0x11b: {  	s29 =	sadd.s32 $0x14100, s28;
	[sflag:s22] =	ssyncadd.s32 $0xFFFFC180  }
0x11c: {  	[tilespmem:s11], [sflag:$0x1] =	stream.indirect.gather [hbm4b:s18+s20], $0x80, s29, s20, $0xb8;
	[tilespmem:$0x1E800] =	vst v63  }
.Ltmp3:
0x11d: {  	_ = 	snop;
	(pc) =	sbr.rel @p0 .LBB2_8-.Ltmp3, $4  }
0x11e: {  	s28 =	sadd.s32 $0x15480, s28  }
0x11f: {  	[spmem:s16] =	stream.indirect.scatter.add.f32 [tilespmem:s21], [sflag:$0x3], $0x80, s28, s20, $0xb8;
	[tilespmem:$0x1E800] =	vst v63  }
0x120: {  	_ =	swait.ge [sflag:s15], $0x3E80  }
0x121: {  	[sflag:s15] =	ssyncset.done $0x0  }
0x122: {  	[sflag:s15] =	ssyncadd.s32 $0xFFFFC180  }
0x123: {  	_ =	swait.ge [sflag:s12], $0x3E80  }
0x124: {  	[sflag:s12] =	ssyncset.done $0x0  }
0x125: {  	[sflag:s12] =	ssyncadd.s32 $0xFFFFC180  }
0x126: {  	[tilespmem:s21], [sflag:$0x2] =	stream.indirect.gather [hbm4b:s18+s20], $0x80, s23, s20, $0xb8;
	[tilespmem:$0x1E800] =	vst v63  }
0x127: {  	_ = 	snop  }
0x128: {  	[spmem:s16] =	stream.indirect.scatter.add.f32 [tilespmem:s11], [sflag:$0x3], $0x80, s24, s20, $0xb8;
	[tilespmem:$0x1E800] =	vst v63  }
0x129: {  	_ =	swait.ge [sflag:s15], $0x3E80  }
0x12a: {  	[sflag:s15] =	ssyncset.done $0x0  }
0x12b: {  	[sflag:s15] =	ssyncadd.s32 $0xFFFFC180  }
0x12c: {  	_ =	swait.ge [sflag:s22], $0x3E80  }
0x12d: {  	[sflag:s22] =	ssyncset.done $0x0  }
0x12e: {  	[sflag:s22] =	ssyncadd.s32 $0xFFFFC180  }
0x12f: {  	[tilespmem:s11], [sflag:$0x1] =	stream.indirect.gather [hbm4b:s18+s20], $0x80, s13, s20, $0xb8;
	[tilespmem:$0x1E800] =	vst v63  }
0x130: {  	_ = 	snop  }
0x131: {  	[spmem:s16] =	stream.indirect.scatter.add.f32 [tilespmem:s21], [sflag:$0x3], $0x80, s25, s20, $0xb8;
	[tilespmem:$0x1E800] =	vst v63  }
0x132: {  	_ =	swait.ge [sflag:s15], $0x3E80  }
0x133: {  	[sflag:s15] =	ssyncset.done $0x0  }
0x134: {  	[sflag:s15] =	ssyncadd.s32 $0xFFFFC180  }
0x135: {  	_ =	swait.ge [sflag:s12], $0x3E80  }
0x136: {  	[sflag:s12] =	ssyncset.done $0x0  }
0x137: {  	s26 =	stileid.u32;
	[sflag:s12] =	ssyncadd.s32 $0xFFFFC180  }
0x138: {  	s26 =	sshll.u32 s26, $0x6;
	[bflag:$0x0] =	sbarrier.arrive $0xFFFF  }
0x139: {  	s28 =	sshrl.u32 s19, $0x3;
	s26 =	sor.u32 $0x1C01, s26;
	s29 =	rddreg [dreg:$0x8]  }
0x13a: {  	[hbm:s29], [sflag:s26] =	dma.local [spmem:s28], $0x400  }
0x13b: {  	s28 =	rddreg [dreg:$0x9]  }
0x13c: {  	s29 =	rddreg [dreg:$0x13]  }
0x13d: {  	[hbm:s28], [sflag:s26] =	dma.local [spmem:s29], $0x400  }
0x13e: {  	s28 =	rddreg [dreg:$0xa]  }
0x13f: {  	s29 =	rddreg [dreg:$0x14]  }
0x140: {  	[hbm:s28], [sflag:s26] =	dma.local [spmem:s29], $0x400  }
0x141: {  	s28 =	rddreg [dreg:$0xb]  }
0x142: {  	s29 =	rddreg [dreg:$0x15]  }
0x143: {  	[hbm:s28], [sflag:s26] =	dma.local [spmem:s29], $0x400  }
0x144: {  	s28 =	rddreg [dreg:$0xc]  }
0x145: {  	s29 =	rddreg [dreg:$0x16]  }
0x146: {  	[hbm:s28], [sflag:s26] =	dma.local [spmem:s29], $0x400  }
0x147: {  	s28 =	rddreg [dreg:$0xd]  }
0x148: {  	s29 =	rddreg [dreg:$0x17]  }
0x149: {  	[hbm:s28], [sflag:s26] =	dma.local [spmem:s29], $0x400  }
0x14a: {  	s28 =	rddreg [dreg:$0xe]  }
0x14b: {  	s29 =	rddreg [dreg:$0x18]  }
0x14c: {  	[hbm:s28], [sflag:s26] =	dma.local [spmem:s29], $0x400  }
0x14d: {  	s28 =	rddreg [dreg:$0xf]  }
0x14e: {  	s29 =	rddreg [dreg:$0x19]  }
0x14f: {  	[hbm:s28], [sflag:s26] =	dma.local [spmem:s29], $0x400  }
0x150: {  	s28 =	rddreg [dreg:$0x10]  }
0x151: {  	s29 =	rddreg [dreg:$0x1a]  }
0x152: {  	[hbm:s28], [sflag:s26] =	dma.local [spmem:s29], $0x400  }
0x153: {  	s28 =	rddreg [dreg:$0x11]  }
0x154: {  	s29 =	rddreg [dreg:$0x1b]  }
0x155: {  	[hbm:s28], [sflag:s26] =	dma.local [spmem:s29], $0x400  }
0x156: {  	_ =	swait.ge [sflag:s12], $0x400  }
0x157: {  	[sflag:s12] =	ssyncset.done $0x0  }
0x158: {  	[sflag:s12] =	ssyncadd.s32 $0xFFFFFC00  }
0x159: {  	_ =	swait.ge [sflag:s12], $0x400  }
0x15a: {  	[sflag:s12] =	ssyncset.done $0x0  }
0x15b: {  	[sflag:s12] =	ssyncadd.s32 $0xFFFFFC00  }
0x15c: {  	_ =	swait.ge [sflag:s12], $0x400  }
0x15d: {  	[sflag:s12] =	ssyncset.done $0x0  }
0x15e: {  	[sflag:s12] =	ssyncadd.s32 $0xFFFFFC00  }
0x15f: {  	_ =	swait.ge [sflag:s12], $0x400  }
0x160: {  	[sflag:s12] =	ssyncset.done $0x0  }
0x161: {  	[sflag:s12] =	ssyncadd.s32 $0xFFFFFC00  }
0x162: {  	_ =	swait.ge [sflag:s12], $0x400  }
0x163: {  	[sflag:s12] =	ssyncset.done $0x0  }
0x164: {  	[sflag:s12] =	ssyncadd.s32 $0xFFFFFC00  }
0x165: {  	_ =	swait.ge [sflag:s12], $0x400  }
0x166: {  	[sflag:s12] =	ssyncset.done $0x0  }
0x167: {  	[sflag:s12] =	ssyncadd.s32 $0xFFFFFC00  }
0x168: {  	_ =	swait.ge [sflag:s12], $0x400  }
0x169: {  	[sflag:s12] =	ssyncset.done $0x0  }
0x16a: {  	[sflag:s12] =	ssyncadd.s32 $0xFFFFFC00  }
0x16b: {  	_ =	swait.ge [sflag:s12], $0x400  }
0x16c: {  	[sflag:s12] =	ssyncset.done $0x0  }
0x16d: {  	[sflag:s12] =	ssyncadd.s32 $0xFFFFFC00  }
0x16e: {  	_ =	swait.ge [sflag:s12], $0x400  }
0x16f: {  	[sflag:s12] =	ssyncset.done $0x0  }
0x170: {  	[sflag:s12] =	ssyncadd.s32 $0xFFFFFC00  }
0x171: {  	_ =	swait.ge [sflag:s12], $0x400  }
0x172: {  	s1 =	sadd.s32 $0x1, s1;
	s29 =	rddreg [dreg:$0x12]  }
0x173: {  	p0 =	sne.s32 s1, s29  }
.Ltmp4:
0x174: {  	_ = 	snop;
	(pc) =	sbr.rel @p0 .LBB2_1-.Ltmp4, $3  }
0x175: {  	_ =	sdelay $0x1  }
0x176: {  	[sflag:s12] =	ssyncset.done $0x0  }
0x177: {  	[sflag:s12] =	ssyncadd.s32 $0xFFFFFC00  }
0x178: {  	_ =	sfence.sel $0x180000  }
0x179: {  	[bflag:$0x0] =	sbarrier.arrive $0xFFFF  }
0x17a: {  	_ =	strace $0x9000004D  }
0x17b: {  	s0 =	stileid.u32;
	[bflag:$0x2] =	sbarrier.arrive $0xFFFF  }
0x17c: {  	p0 =	sne.s32 s0, $0x0;
	s0 =	rddreg [dreg:$0x3]  }
0x17d: {  	s0 =	sadd.s32 @!p0 $0x100000, s0  }
0x17e: {  	[sflag:s0] =	ssyncadd.tile.s32 @!p0 $0x1;
	_ =	shalt  }
.Lfunc_end2:
_tile_overlayer_lowered:
.L_overlay_start_2:
0x17f: {  	(tag) =	ssettag $0x2  }
0x180: {  	s0 =	rddreg [dreg:$0x0];
	s2 =	stileid.u32  }
0x181: {  	s1 =	rddreg [dreg:$0x1];
	p0 =	sne.s32 s2, $0x0  }
0x182: {  	s3 =	rddreg [dreg:$0x2];
	[bflag:$0x3] =	sbarrier.arrive $0xFFFF;
	s2 =	simm.s32 @!p0 $0x1C03  }
0x183: {  	[timem:s3], [sflag:s2] =	dma.local @!p0 [hbm:s0], s1  }
0x184: {  	s0 =	simm.s32 @!p0 $0x3  }
0x185: {  	_ =	swait.ge @!p0 [sflag:s0], s1  }
0x186: {  	s1 =	ssub.s32 @!p0 $0x0, s1;
	[sflag:s0] =	ssyncset.done @!p0 $0x0  }
0x187: {  	[sflag:s0] =	ssyncadd.s32 @!p0 s1  }
0x188: {  	[bflag:$0x3] =	sbarrier.arrive $0xFFFF  }
0x189: {  	_ =	shalt  }

// kernel: kernel.8.cloned.1.call-start
scs
__scs_entry_jumppad:
0x0: {  	(pc) =	sbr.rel $0x88, $3  }
0x1: {  	(tag) =	ssettag $0x0;
	lr =	simm.s32 $0x1  }
0x2: {  	[smem:$0x3F9B] =	sst lr;
	_ =	strace $0xD0000000  }
0x3: {  	_ = 	snop  }
0x4: {  	_ = 	snop  }
0x5: {  	_ = 	snop  }
0x6: {  	_ = 	snop  }
0x7: {  	_ = 	snop  }
__scs_overlays_trampoline_lowered:
0x8: {  	[smem:$0x3FAA] =	sst s0  }
0x9: {  	[smem:$0x3FAB] =	sst s1  }
0xa: {  	[smem:$0x3FAC] =	sst s2  }
0xb: {  	[smem:$0x3FAD] =	sst s3  }
0xc: {  	[smem:$0x3FAE] =	sst s4  }
0xd: {  	[smem:$0x3FAF] =	sst s5  }
0xe: {  	[smem:$0x3FB0] =	sst s6  }
0xf: {  	[smem:$0x3FB1] =	sst s7  }
0x10: {  	[smem:$0x3FB2] =	sst s8  }
0x11: {  	[smem:$0x3FB3] =	sst s9;
	s0 =	simm.s32 @!p0 $0x0  }
0x12: {  	s1 =	sld [smem:$0x3F99];
	s0 =	simm.s32 @p0 $0x1  }
0x13: {  	[smem:$0x3FB4] =	sst s0;
	s0 =	simm.s32 @!p1 $0x0  }
0x14: {  	s2 =	sld [smem:$0x3F98];
	s0 =	simm.s32 @p1 $0x1  }
0x15: {  	[smem:$0x3FB5] =	sst s0;
	s0 =	simm.s32 @!p2 $0x0  }
0x16: {  	s3 =	sld [smem:$0x3FDB];
	s0 =	simm.s32 @p2 $0x1  }
0x17: {  	s4 =	simm.s32 $0x1BF5;
	[smem:$0x3FB7] =	sst s0  }
0x18: {  	s0 =	sld [smem:$0x3F9A];
	_ =	swait.ge [sflag:s4], $0x0  }
0x19: {  	s7 =	sld [smem:$0x3F9B]  }
0x1a: {  	s8 =	sadd.s32 $0xFFFFE003, lr  }
0x1b: {  	s9 =	sadd.s32 $0xFFFFFEF7, lr;
	s5 =	simm.s32 $0xFFFFFFFF;
	p2 =	slt.u32 s8, $0xFFFFF086  }
0x1c: {  	p1 =	slt.u32 s9, $0xF7A;
	s5 =	simm.s32 @!p2 $0x0  }
0x1d: {  	s5 =	simm.s32 @p1 $0x1;
	p0 =	seq.s32 s7, s2  }
0x1e: {  	s7 =	smul.u32 @!p0 $0xF7A, s2;
	p2 =	seq.s32 @!p0 s5, $0x0  }
0x1f: {  	s9 =	smul.u32 $0xF7A, s1;
	s8 =	simm.s32 @!p0 $0x1BF5;
	p2 =	por !p2, p0  }
0x20: {  	[sflag:s8] =	ssyncset.s32 @!p0 $0xFFFFF086;
	s6 =	sadd.s32 @!p0 s3, s7;
	s7 =	simm.s32 @!p0 $0x108  }
0x21: {  	s3 =	sadd.s32 s3, s9;
	s6 =	sadd.s32 @!p0 $0x88, s6;
	s7 =	simm.s32 @p2 $0x1082  }
0x22: {  	[simem:s7], [sflag:s8] =	dma.local @!p0 [hbm:s6], $0xF7A  }
0x23: {  	s9 =	sor.u32 $0xD0000000, s2;
	s6 =	simm.s32 $0x108;
	_ =	swait.ge @!p0 [sflag:s8], $0x0  }
0x24: {  	s3 =	sadd.s32 $0x88, s3;
	s6 =	simm.s32 @!p1 $0x1082;
	[sflag:s4] =	ssyncset.s32 $0xFFFFF086  }
0x25: {  	[simem:s6], [sflag:s4] =	dma.local [hbm:s3], $0xF7A  }
0x26: {  	[smem:$0x3F9B] =	sst s1;
	(tag) =	ssettag s2;
	_ =	strace s9  }
0x27: {  	s1 =	sld [smem:$0x3FAB]  }
0x28: {  	s2 =	sld [smem:$0x3FAC]  }
0x29: {  	s4 =	sld [smem:$0x3FAE]  }
0x2a: {  	p0 =	seq.s32 s5, $0x0;
	s5 =	sld [smem:$0x3FAF]  }
0x2b: {  	s6 =	sld [smem:$0x3FB0]  }
0x2c: {  	s7 =	sld [smem:$0x3FB1]  }
0x2d: {  	s3 =	simm.s32 $0x108;
	s8 =	sld [smem:$0x3FB2]  }
0x2e: {  	s3 =	simm.s32 @!p0 $0x1082;
	s9 =	sld [smem:$0x3FB3]  }
0x2f: {  	lr =	sadd.s32 s0, s3;
	s0 =	sld [smem:$0x3FAA]  }
0x30: {  	s3 =	sld [smem:$0x3FAD]  }
0x31: {  	[smem:$0x3FB6] =	sst s10  }
0x32: {  	s10 =	sld [smem:$0x3FB4];
	_ =	sdelay $0x3  }
0x33: {  	p0 =	seq.s32 s10, $0x1;
	s10 =	sld [smem:$0x3FB6];
	_ =	sdelay $0x3  }
0x34: {  	[smem:$0x3FB6] =	sst s10  }
0x35: {  	s10 =	sld [smem:$0x3FB5];
	_ =	sdelay $0x3  }
0x36: {  	p1 =	seq.s32 s10, $0x1;
	s10 =	sld [smem:$0x3FB6];
	_ =	sdelay $0x3  }
0x37: {  	[smem:$0x3FB6] =	sst s10  }
0x38: {  	s10 =	sld [smem:$0x3FB7]  }
0x39: {  	_ = 	snop;
	(pc) =	sbr.ind lr, $3  }
0x3a: {  	_ = 	snop  }
0x3b: {  	_ = 	snop  }
0x3c: {  	p2 =	seq.s32 s10, $0x1;
	s10 =	sld [smem:$0x3FB6]  }
0x3d: {  	_ =	shalt  }
0x3e: {  	_ =	shalt  }
0x3f: {  	_ =	shalt  }
0x40: {  	_ =	shalt  }
0x41: {  	_ =	shalt  }
0x42: {  	_ =	shalt  }
0x43: {  	_ =	shalt  }
0x44: {  	_ =	shalt  }
0x45: {  	_ =	shalt  }
0x46: {  	_ =	shalt  }
0x47: {  	_ =	shalt  }
0x48: {  	_ =	shalt  }
0x49: {  	_ =	shalt  }
0x4a: {  	_ =	shalt  }
0x4b: {  	_ =	shalt  }
0x4c: {  	_ =	shalt  }
0x4d: {  	_ =	shalt  }
0x4e: {  	_ =	shalt  }
0x4f: {  	_ =	shalt  }
0x50: {  	_ =	shalt  }
0x51: {  	_ =	shalt  }
0x52: {  	_ =	shalt  }
0x53: {  	_ =	shalt  }
0x54: {  	_ =	shalt  }
0x55: {  	_ =	shalt  }
0x56: {  	_ =	shalt  }
0x57: {  	_ =	shalt  }
0x58: {  	_ =	shalt  }
0x59: {  	_ =	shalt  }
0x5a: {  	_ =	shalt  }
0x5b: {  	_ =	shalt  }
0x5c: {  	_ =	shalt  }
0x5d: {  	_ =	shalt  }
0x5e: {  	_ =	shalt  }
0x5f: {  	_ =	shalt  }
0x60: {  	_ =	shalt  }
0x61: {  	_ =	shalt  }
0x62: {  	_ =	shalt  }
0x63: {  	_ =	shalt  }
0x64: {  	_ =	shalt  }
0x65: {  	_ =	shalt  }
0x66: {  	_ =	shalt  }
0x67: {  	_ =	shalt  }
0x68: {  	_ =	shalt  }
0x69: {  	_ =	shalt  }
0x6a: {  	_ =	shalt  }
0x6b: {  	_ =	shalt  }
0x6c: {  	_ =	shalt  }
0x6d: {  	_ =	shalt  }
0x6e: {  	_ =	shalt  }
0x6f: {  	_ =	shalt  }
0x70: {  	_ =	shalt  }
0x71: {  	_ =	shalt  }
0x72: {  	_ =	shalt  }
0x73: {  	_ =	shalt  }
0x74: {  	_ =	shalt  }
0x75: {  	_ =	shalt  }
0x76: {  	_ =	shalt  }
0x77: {  	_ =	shalt  }
0x78: {  	_ =	shalt  }
0x79: {  	_ =	shalt  }
0x7a: {  	_ =	shalt  }
0x7b: {  	_ =	shalt  }
0x7c: {  	_ =	shalt  }
0x7d: {  	_ =	shalt  }
0x7e: {  	_ =	shalt  }
0x7f: {  	_ =	shalt  }
0x80: {  	_ =	shalt  }
0x81: {  	_ =	shalt  }
0x82: {  	_ =	shalt  }
0x83: {  	_ =	shalt  }
0x84: {  	_ =	shalt  }
0x85: {  	_ =	shalt  }
0x86: {  	_ =	shalt  }
0x87: {  	_ =	shalt  }
.Lfunc_end0:
.L_simem_size_0:
called_computation_lowered:
.L_overlay_start_0:
0x88: {  	s2 =	sld [smem:$0x3FD9]  }
0x89: {  	s3 =	sld [smem:$0x3FFE];
	_ =	sdelay $0x1  }
0x8a: {  	s1 =	srdreg.scid  }
0x8b: {  	s0 =	sand.u32 $0x1, s1  }
0x8c: {  	s16 =	sshll.u32 s0, $0xA;
	s2 =	sadd.s32 s3, s2  }
0x8d: {  	s2 =	sadd.s32 s2, s16  }
0x8e: {  	[smem:$0x3FC2] =	sst s2  }
0x8f: {  	_ = 	snop  }
0x90: {  	(tm) =	ssettm $0x1  }
0x91: {  	s17 =	sld [smem:$0x3FFB];
	_ =	sdelay $0x3  }
0x92: {  	_ =	strace s17  }
0x93: {  	s2 =	sld [smem:$0x3FFC];
	_ =	sdelay $0x3  }
0x94: {  	_ =	strace s2  }
0x95: {  	s2 =	sld [smem:$0x3FFD];
	_ =	sdelay $0x3  }
0x96: {  	_ =	strace s2  }
0x97: {  	_ =	strace $0x8FFFFFFF  }
0x98: {  	s18 =	sld [smem:$0x3FDB];
	_ =	sdelay $0x1  }
0x99: {  	s19 =	simm.s32 $_scs_section_size  }
0x9a: {  	s4 =	simm.s32 $_size__tile_overlayer_lowered;
	s5 =	simm.s32 $_tile_overlayer_lowered  }
0x9b: {  	s22 =	simm.s32 $0x1BFF;
	s21 =	sshll.u32 s5, $0x1;
	s2 =	sadd.s32 s19, s18  }
0x9c: {  	s6 =	simm.s32 $0x0;
	s20 =	sshll.u32 s4, $0x1;
	s4 =	sadd.s32 s21, s2  }
0x9d: {  	[timem:s6], [sflag:s22] =	dma.local [hbm:s4], s20  }
0x9e: {  	_ =	swait.ge [sflag:s22], s20  }
0x9f: {  	s3 =	ssub.s32 $0x0, s20;
	[sflag:s22] =	ssyncset.done $0x0  }
0xa0: {  	[sflag:s22] =	ssyncadd.s32 s3;
	_ =	sdelay $0x1  }
0xa1: {  	s23 =	simm.s32 $0x1B8B  }
0xa2: {  	_ =	swait.ge [sflag:s23], $0x1  }
0xa3: {  	[sflag:s23] =	ssyncset.done $0x0  }
0xa4: {  	s25 =	simm.s32 $0x1B8E;
	s24 =	sld [smem:$0x3FFE];
	[sflag:s23] =	ssyncadd.s32 $0xFFFFFFFF  }
0xa5: {  	s26 =	simm.s32 $execute0_lowered;
	[smem:$0x3FD2] =	sst s25  }
0xa6: {  	s4 =	sshll.u32 s26, $0x1;
	_ =	strace $0x80000046;
	[dreg:$0x1] =	wrdreg $0xFFFFFFFF  }
0xa7: {  	s28 =	simm.s32 $_size_execute0_lowered;
	s2 =	sadd.s32 s2, s4;
	[dreg:$0x0] =	wrdreg $0x0  }
0xa8: {  	s4 =	sshll.u32 s28, $0x1;
	[dreg:$0x2] =	wrdreg s2  }
0xa9: {  	[dreg:$0x3] =	wrdreg s4  }
0xaa: {  	[dreg:$0x4] =	wrdreg $0xC0  }
0xab: {  	_ =	task [dreg:s6], $0x5FFFF  }
0xac: {  	[dreg:$0x1] =	wrdreg $0xFFFFFFFF  }
0xad: {  	[dreg:$0x0] =	wrdreg $0x60  }
0xae: {  	[dreg:$0x2] =	wrdreg s24  }
0xaf: {  	[dreg:$0x3] =	wrdreg $0x0  }
0xb0: {  	[dreg:$0x4] =	wrdreg $0x9  }
0xb1: {  	_ =	task.clear_ibuf [dreg:s6], $0x5FFFF;
	_ =	strace $0x90000046  }
0xb2: {  	s29 =	simm.s32 $0x9;
	_ =	strace $0x80000048  }
0xb3: {  	_ =	swait.ge [sflag:s29], $0x1  }
0xb4: {  	[sflag:s29] =	ssyncadd.s32 $0xFFFFFFFF  }
0xb5: {  	_ =	strace $0x90000048  }
0xb6: {  	_ =	sfence  }
0xb7: {  	s30 =	sld [smem:$0x0];
	_ =	sdelay $0x2  }
0xb8: {  	s31 =	sshll.u32 s1, $0xD;
	s1 =	sshrl.u32 s1, $0x2  }
0xb9: {  	s3 =	sand.u32 $0x4000, s31;
	s1 =	sadd.s32 s1, s30  }
0xba: {  	s0 =	sor.u32 s3, s0;
	s1 =	sshll.u32 s1, $0x11  }
0xbb: {  	s0 =	sor.u32 s1, s0  }
0xbc: {  	s0 =	sadd.s32 $0x8F2B, s0  }
0xbd: {  	[sflag:s0] =	ssyncadd.remote.s32 $0x1  }
0xbe: {  	_ =	sfence.sel $0xFFFF  }
0xbf: {  	[dreg:$0x0] =	wrdreg $0xFFFFFFFF;
	(pc) =	sbr.abs _section_cstart, $3  }
0xc0: {  	[dreg:$0x1] =	wrdreg $0xFFFFFFFF  }
0xc1: {  	_ =	task.clear_ibuf [dreg:s6], $0x2FFFF;
	_ =	strace $0x9FFFFFFF  }
0xc2: {  	(tm) =	ssettm $0x7FFFFFFF  }
0xc3: {  	_ =	shalt  }
tec
execute0_lowered:
.L_overlay_start_1:
0x0: {  	(tag) =	ssettag $0x1  }
0x1: {  	s0 =	srdreg.scid  }
0x2: {  	s7 =	stileid.u32;
	s2 =	rddreg [dreg:$0x0]  }
0x3: {  	s5 =	simm.s32 $0x0;
	s0 =	sand.u32 $0x1, s0;
	s26 =	smul.u32 $0x14000, s7  }
0x4: {  	s1 =	sshll.u32 s7, $0x1;
	[smem:$0x7FF] =	sst s5;
	s7 =	smul.u32 $0x50000, s7  }
0x5: {  	s1 =	sor.u32 s0, s1;
	s4 =	smul.u32 $0x140000, s0;
	s0 =	ssub.s32 $0x2, s0  }
0x6: {  	s3 =	smul.u32 $0x500, s1;
	s1 =	rddreg [dreg:$0x1];
	s6 =	sshrl.u32 s0, $0x1  }
0x7: {  	s7 =	sshrl.u32 s7, $0x2;
	s8 =	sor.u32 $0x2000, s26;
	s9 =	sadd.s32 $0x4000, s26  }
0x8: {  	s11 =	sadd.s32 $0x6000, s26;
	s19 =	sadd.s32 $0x8000, s26;
	s12 =	sadd.s32 $0xA000, s26  }
0x9: {  	s24 =	sadd.s32 $0xE000, s26;
	s5 =	sadd.s32 $0x12000, s26;
	s0 =	ssub.s32 s0, s6  }
0xa: {  	s14 =	sadd.s32 s4, s26;
	s15 =	sadd.s32 s4, s8;
	s10 =	sadd.s32 s4, s9  }
0xb: {  	s3 =	sadd.s32 s3, s2;
	s2 =	sadd.s32 $0xC200, s2;
	s6 =	sshrl.u32 s14, $0x3  }
0xc: {  	s17 =	sadd.s32 s4, s11;
	s20 =	sadd.s32 s4, s19;
	s6 =	sadd.s32 s2, s6  }
0xd: {  	s13 =	sadd.s32 s4, s12;
	[dreg:$0x3] =	wrdreg s6;
	s6 =	sshrl.u32 s15, $0x3  }
0xe: {  	s25 =	sadd.s32 s4, s24;
	s16 =	sshrl.u32 s10, $0x3;
	s6 =	sadd.s32 s2, s6  }
0xf: {  	s18 =	sshrl.u32 s17, $0x3;
	[dreg:$0x4] =	wrdreg s6;
	s6 =	sadd.s32 s2, s16  }
0x10: {  	s9 =	sadd.s32 s9, s1;
	[dreg:$0x5] =	wrdreg s6;
	s6 =	sadd.s32 s2, s18  }
0x11: {  	s15 =	sadd.s32 $0xC000, s26;
	[dreg:$0x6] =	wrdreg s6;
	s6 =	sshrl.u32 s20, $0x3  }
0x12: {  	s21 =	sshrl.u32 s13, $0x3;
	s22 =	sadd.s32 s4, s15;
	s6 =	sadd.s32 s2, s6  }
0x13: {  	s23 =	sshrl.u32 s22, $0x3;
	[dreg:$0x7] =	wrdreg s6;
	s6 =	sadd.s32 s2, s21  }
0x14: {  	s16 =	sadd.s32 $0x10000, s26;
	[dreg:$0x8] =	wrdreg s6;
	s6 =	sadd.s32 s2, s23  }
0x15: {  	s14 =	sadd.s32 s4, s16;
	[dreg:$0x9] =	wrdreg s6;
	s6 =	sshrl.u32 s25, $0x3  }
0x16: {  	s4 =	sadd.s32 s4, s5;
	s26 =	sshrl.u32 s14, $0x3;
	s6 =	sadd.s32 s2, s6  }
0x17: {  	s4 =	sshrl.u32 s4, $0x3;
	[dreg:$0xa] =	wrdreg s6;
	s6 =	sadd.s32 s2, s26  }
0x18: {  	s11 =	sadd.s32 s11, s1;
	s2 =	sadd.s32 s2, s4;
	[dreg:$0xb] =	wrdreg s6  }
0x19: {  	s14 =	sadd.s32 s7, s1;
	s7 =	sadd.s32 $0x2200, s3;
	[dreg:$0xc] =	wrdreg s2  }
0x1a: {  	s0 =	smax.u32 s0, $0x1;
	_ =	strace $0x80000047;
	[dreg:$0xd] =	wrdreg s7  }
0x1b: {  	s17 =	sadd.s32 s19, s1;
	s22 =	sshrl.u32 s9, $0x3;
	[dreg:$0xe] =	wrdreg s0  }
0x1c: {  	s18 =	sadd.s32 s12, s1;
	s23 =	sshrl.u32 s11, $0x3;
	[dreg:$0x10] =	wrdreg s22  }
0x1d: {  	s20 =	sadd.s32 s24, s1;
	s24 =	sshrl.u32 s17, $0x3;
	[dreg:$0x11] =	wrdreg s23  }
0x1e: {  	s19 =	sadd.s32 s15, s1;
	s25 =	sshrl.u32 s18, $0x3;
	[dreg:$0x12] =	wrdreg s24  }
0x1f: {  	s26 =	sshrl.u32 s19, $0x3;
	[dreg:$0x13] =	wrdreg s25  }
0x20: {  	s21 =	sadd.s32 s16, s1;
	s2 =	sshrl.u32 s20, $0x3;
	[dreg:$0x14] =	wrdreg s26  }
0x21: {  	s5 =	sadd.s32 s5, s1;
	s3 =	sshrl.u32 s21, $0x3;
	[dreg:$0x15] =	wrdreg s2  }
0x22: {  	s4 =	sshrl.u32 s5, $0x3;
	[dreg:$0x16] =	wrdreg s3  }
0x23: {  	s5 =	sadd.s32 $0x800, s14;
	[dreg:$0x17] =	wrdreg s4  }
0x24: {  	s6 =	sadd.s32 $0x1000, s14;
	[dreg:$0x18] =	wrdreg s5  }
0x25: {  	s9 =	sadd.s32 $0x2800, s14;
	[dreg:$0x19] =	wrdreg s6  }
0x26: {  	s10 =	sadd.s32 $0x3000, s14;
	[dreg:$0x1c] =	wrdreg s9  }
0x27: {  	s11 =	sadd.s32 $0x3800, s14;
	[dreg:$0x1d] =	wrdreg s10  }
0x28: {  	s12 =	sadd.s32 $0x4000, s14;
	[dreg:$0x1e] =	wrdreg s11  }
0x29: {  	s13 =	sadd.s32 $0x4800, s14;
	[dreg:$0x1f] =	wrdreg s12  }
0x2a: {  	s15 =	sadd.s32 $0x5000, s14;
	[smem:$0x7F1] =	sst s13  }
0x2b: {  	s8 =	sadd.s32 s8, s1;
	s16 =	sadd.s32 $0x5800, s14;
	[smem:$0x7F2] =	sst s15  }
0x2c: {  	s17 =	sadd.s32 $0x6000, s14;
	s28 =	sadd.s32 $0xF800, s14;
	[smem:$0x7F3] =	sst s16  }
0x2d: {  	s29 =	sadd.s32 $0x10000, s14;
	s18 =	sadd.s32 $0x6800, s14;
	[smem:$0x7F4] =	sst s17  }
0x2e: {  	s30 =	sadd.s32 $0x10800, s14;
	s19 =	sadd.s32 $0x7000, s14;
	[smem:$0x7F5] =	sst s18  }
0x2f: {  	s31 =	sadd.s32 $0x11000, s14;
	s20 =	sadd.s32 $0x7800, s14;
	[smem:$0x7F6] =	sst s19  }
0x30: {  	s21 =	sadd.s32 $0x8000, s14;
	s0 =	sshrl.u32 s8, $0x3;
	[smem:$0x7F7] =	sst s20  }
0x31: {  	s7 =	sadd.s32 $0x1800, s14;
	s8 =	sadd.s32 $0x2000, s14;
	[smem:$0x7F8] =	sst s21  }
0x32: {  	s22 =	sadd.s32 $0x8800, s14;
	s23 =	sadd.s32 $0x9000, s14;
	s24 =	sadd.s32 $0x9800, s14  }
0x33: {  	s25 =	sadd.s32 $0xA000, s14;
	s26 =	sadd.s32 $0xA800, s14;
	[dreg:$0xf] =	wrdreg s0  }
0x34: {  	s18 =	sadd.s32 $0xB000, s14;
	s19 =	sadd.s32 $0xB800, s14;
	[dreg:$0x1a] =	wrdreg s7  }
0x35: {  	s20 =	sadd.s32 $0xC000, s14;
	s21 =	sadd.s32 $0xC800, s14;
	[dreg:$0x1b] =	wrdreg s8  }
0x36: {  	s10 =	sadd.s32 $0x11800, s14;
	s2 =	sadd.s32 $0x12000, s14;
	[smem:$0x7F9] =	sst s22  }
0x37: {  	s3 =	sadd.s32 $0x13000, s14;
	s4 =	sadd.s32 $0x13800, s14;
	[smem:$0x7FA] =	sst s23  }
0x38: {  	s5 =	simm.s32 $0x1A800;
	s6 =	simm.s32 $0x1;
	[smem:$0x7FB] =	sst s24  }
0x39: {  	s9 =	simm.s32 $0x16800;
	s11 =	simm.s32 $0x0;
	[smem:$0x7FC] =	sst s25  }
0x3a: {  	[smem:$0x7FD] =	sst s26;
	s22 =	sadd.s32 $0xD000, s14;
	s23 =	sadd.s32 $0xD800, s14  }
0x3b: {  	s24 =	sadd.s32 $0xE000, s14;
	s25 =	sadd.s32 $0xE800, s14;
	s26 =	sadd.s32 $0xF000, s14  }
0x3c: {  	v0 =	vimm.f32 $1.000000000e+00;
	v1 =	vimm.f32 $0.0e+00;
	s0 =	sadd.s32 $0x12800, s14;
	s7 =	simm.s32 $0x2;
	s8 =	simm.s32 $0x7D  }
.LBB2_1:
0x3d: {  	s12 =	simm.s32 $0x16840;
	s13 =	simm.s32 $0x0  }
0x3e: {  	[tilespmem:s12+$0xFFFFFFC0] =	vst v0;
	s13 =	sand.u32 $0x780, s13  }
0x3f: {  	[tilespmem:s13+$0x1A800] =	vst v1  }
0x40: {  	[tilespmem:s12+$0xFFFFFFD0] =	vst v0  }
0x41: {  	[tilespmem:s13+$0x1A810] =	vst v1  }
0x42: {  	[tilespmem:s12+$0xFFFFFFE0] =	vst v0  }
0x43: {  	[tilespmem:s13+$0x1A820] =	vst v1  }
0x44: {  	[tilespmem:s12+$0xFFFFFFF0] =	vst v0  }
0x45: {  	[tilespmem:s13+$0x1A830] =	vst v1  }
0x46: {  	[tilespmem:s12+$0x0] =	vst v0  }
0x47: {  	[tilespmem:s13+$0x1A840] =	vst v1  }
0x48: {  	[tilespmem:s12+$0x10] =	vst v0  }
0x49: {  	[tilespmem:s13+$0x1A850] =	vst v1  }
0x4a: {  	[tilespmem:s12+$0x20] =	vst v0  }
0x4b: {  	[tilespmem:s13+$0x1A860] =	vst v1  }
0x4c: {  	s15 =	simm.s32 $0x80;
	[tilespmem:s12+$0x30] =	vst v0  }
.LBB2_2:
0x4d: {  	p0 =	sne.s32 s15, $0x3E00;
	[tilespmem:s13+$0x1A870] =	vst v1;
	s12 =	sadd.s32 $0x80, s12  }
0x4e: {  	s13 =	sand.u32 $0x780, s15;
	[tilespmem:s12+$0xFFFFFFC0] =	vst v0  }
0x4f: {  	[tilespmem:s13+$0x1A800] =	vst v1  }
0x50: {  	[tilespmem:s12+$0xFFFFFFD0] =	vst v0  }
0x51: {  	[tilespmem:s13+$0x1A810] =	vst v1  }
0x52: {  	[tilespmem:s12+$0xFFFFFFE0] =	vst v0  }
0x53: {  	[tilespmem:s13+$0x1A820] =	vst v1  }
0x54: {  	[tilespmem:s12+$0xFFFFFFF0] =	vst v0  }
0x55: {  	[tilespmem:s13+$0x1A830] =	vst v1  }
0x56: {  	[tilespmem:s12+$0x0] =	vst v0  }
0x57: {  	[tilespmem:s13+$0x1A840] =	vst v1  }
.Ltmp0:
0x58: {  	[tilespmem:s12+$0x10] =	vst v0;
	(pc) =	sbr.rel @p0 .LBB2_2-.Ltmp0, $4  }
0x59: {  	[tilespmem:s13+$0x1A850] =	vst v1  }
0x5a: {  	[tilespmem:s12+$0x20] =	vst v0  }
0x5b: {  	[tilespmem:s13+$0x1A860] =	vst v1  }
0x5c: {  	s15 =	sadd.s32 $0x80, s15;
	[tilespmem:s12+$0x30] =	vst v0  }
0x5d: {  	[tilespmem:s13+$0x1A870] =	vst v1;
	s12 =	rddreg [dreg:$0x18]  }
0x5e: {  	[spmem:s14] =	stream.linear.scatter [tilespmem:s5], [sflag:$0x1], $0x800, $0x38;
	[tilespmem:$0x1B000] =	vst v63  }
0x5f: {  	s13 =	rddreg [dreg:$0x19]  }
0x60: {  	[spmem:s12] =	stream.linear.scatter [tilespmem:s5], [sflag:$0x1], $0x800, $0x38;
	[tilespmem:$0x1B000] =	vst v63  }
0x61: {  	s15 =	rddreg [dreg:$0x1a]  }
0x62: {  	[spmem:s13] =	stream.linear.scatter [tilespmem:s5], [sflag:$0x1], $0x800, $0x38;
	[tilespmem:$0x1B000] =	vst v63  }
0x63: {  	s16 =	rddreg [dreg:$0x1b]  }
0x64: {  	[spmem:s15] =	stream.linear.scatter [tilespmem:s5], [sflag:$0x1], $0x800, $0x38;
	[tilespmem:$0x1B000] =	vst v63  }
0x65: {  	s17 =	rddreg [dreg:$0x1c]  }
0x66: {  	[spmem:s16] =	stream.linear.scatter [tilespmem:s5], [sflag:$0x1], $0x800, $0x38;
	[tilespmem:$0x1B000] =	vst v63  }
0x67: {  	s13 =	rddreg [dreg:$0x1d]  }
0x68: {  	[spmem:s17] =	stream.linear.scatter [tilespmem:s5], [sflag:$0x1], $0x800, $0x38;
	[tilespmem:$0x1B000] =	vst v63  }
0x69: {  	s15 =	rddreg [dreg:$0x1e]  }
0x6a: {  	[spmem:s13] =	stream.linear.scatter [tilespmem:s5], [sflag:$0x1], $0x800, $0x38;
	[tilespmem:$0x1B000] =	vst v63  }
0x6b: {  	s16 =	rddreg [dreg:$0x1f]  }
0x6c: {  	[spmem:s15] =	stream.linear.scatter [tilespmem:s5], [sflag:$0x1], $0x800, $0x38;
	[tilespmem:$0x1B000] =	vst v63  }
0x6d: {  	s17 =	sld [smem:$0x7F1]  }
0x6e: {  	[spmem:s16] =	stream.linear.scatter [tilespmem:s5], [sflag:$0x1], $0x800, $0x38;
	[tilespmem:$0x1B000] =	vst v63  }
0x6f: {  	s13 =	sld [smem:$0x7F2]  }
0x70: {  	[spmem:s17] =	stream.linear.scatter [tilespmem:s5], [sflag:$0x1], $0x800, $0x38;
	[tilespmem:$0x1B000] =	vst v63  }
0x71: {  	s15 =	sld [smem:$0x7F3]  }
0x72: {  	[spmem:s13] =	stream.linear.scatter [tilespmem:s5], [sflag:$0x1], $0x800, $0x38;
	[tilespmem:$0x1B000] =	vst v63  }
0x73: {  	s16 =	sld [smem:$0x7F4]  }
0x74: {  	[spmem:s15] =	stream.linear.scatter [tilespmem:s5], [sflag:$0x1], $0x800, $0x38;
	[tilespmem:$0x1B000] =	vst v63  }
0x75: {  	s17 =	sld [smem:$0x7F5]  }
0x76: {  	[spmem:s16] =	stream.linear.scatter [tilespmem:s5], [sflag:$0x1], $0x800, $0x38;
	[tilespmem:$0x1B000] =	vst v63  }
0x77: {  	s13 =	sld [smem:$0x7F6]  }
0x78: {  	[spmem:s17] =	stream.linear.scatter [tilespmem:s5], [sflag:$0x1], $0x800, $0x38;
	[tilespmem:$0x1B000] =	vst v63  }
0x79: {  	s15 =	sld [smem:$0x7F7]  }
0x7a: {  	[spmem:s13] =	stream.linear.scatter [tilespmem:s5], [sflag:$0x1], $0x800, $0x38;
	[tilespmem:$0x1B000] =	vst v63  }
0x7b: {  	s16 =	sld [smem:$0x7F8]  }
0x7c: {  	[spmem:s15] =	stream.linear.scatter [tilespmem:s5], [sflag:$0x1], $0x800, $0x38;
	[tilespmem:$0x1B000] =	vst v63  }
0x7d: {  	s17 =	sld [smem:$0x7F9]  }
0x7e: {  	[spmem:s16] =	stream.linear.scatter [tilespmem:s5], [sflag:$0x1], $0x800, $0x38;
	[tilespmem:$0x1B000] =	vst v63  }
0x7f: {  	s13 =	sld [smem:$0x7FA]  }
0x80: {  	[spmem:s17] =	stream.linear.scatter [tilespmem:s5], [sflag:$0x1], $0x800, $0x38;
	[tilespmem:$0x1B000] =	vst v63  }
0x81: {  	s15 =	sld [smem:$0x7FB]  }
0x82: {  	[spmem:s13] =	stream.linear.scatter [tilespmem:s5], [sflag:$0x1], $0x800, $0x38;
	[tilespmem:$0x1B000] =	vst v63  }
0x83: {  	s16 =	sld [smem:$0x7FC]  }
0x84: {  	[spmem:s15] =	stream.linear.scatter [tilespmem:s5], [sflag:$0x1], $0x800, $0x38;
	[tilespmem:$0x1B000] =	vst v63  }
0x85: {  	s17 =	sld [smem:$0x7FD]  }
0x86: {  	[spmem:s16] =	stream.linear.scatter [tilespmem:s5], [sflag:$0x1], $0x800, $0x38;
	[tilespmem:$0x1B000] =	vst v63  }
0x87: {  	_ = 	snop  }
0x88: {  	[spmem:s17] =	stream.linear.scatter [tilespmem:s5], [sflag:$0x1], $0x800, $0x38;
	[tilespmem:$0x1B000] =	vst v63  }
0x89: {  	_ = 	snop  }
0x8a: {  	[spmem:s18] =	stream.linear.scatter [tilespmem:s5], [sflag:$0x1], $0x800, $0x38;
	[tilespmem:$0x1B000] =	vst v63  }
0x8b: {  	_ = 	snop  }
0x8c: {  	[spmem:s19] =	stream.linear.scatter [tilespmem:s5], [sflag:$0x1], $0x800, $0x38;
	[tilespmem:$0x1B000] =	vst v63  }
0x8d: {  	_ = 	snop  }
0x8e: {  	[spmem:s20] =	stream.linear.scatter [tilespmem:s5], [sflag:$0x1], $0x800, $0x38;
	[tilespmem:$0x1B000] =	vst v63  }
0x8f: {  	_ = 	snop  }
0x90: {  	[spmem:s21] =	stream.linear.scatter [tilespmem:s5], [sflag:$0x1], $0x800, $0x38;
	[tilespmem:$0x1B000] =	vst v63  }
0x91: {  	_ = 	snop  }
0x92: {  	[spmem:s22] =	stream.linear.scatter [tilespmem:s5], [sflag:$0x1], $0x800, $0x38;
	[tilespmem:$0x1B000] =	vst v63  }
0x93: {  	_ = 	snop  }
0x94: {  	[spmem:s23] =	stream.linear.scatter [tilespmem:s5], [sflag:$0x1], $0x800, $0x38;
	[tilespmem:$0x1B000] =	vst v63  }
0x95: {  	_ = 	snop  }
0x96: {  	[spmem:s24] =	stream.linear.scatter [tilespmem:s5], [sflag:$0x1], $0x800, $0x38;
	[tilespmem:$0x1B000] =	vst v63  }
0x97: {  	_ = 	snop  }
0x98: {  	[spmem:s25] =	stream.linear.scatter [tilespmem:s5], [sflag:$0x1], $0x800, $0x38;
	[tilespmem:$0x1B000] =	vst v63  }
0x99: {  	_ = 	snop  }
0x9a: {  	[spmem:s26] =	stream.linear.scatter [tilespmem:s5], [sflag:$0x1], $0x800, $0x38;
	[tilespmem:$0x1B000] =	vst v63  }
0x9b: {  	_ = 	snop  }
0x9c: {  	[spmem:s28] =	stream.linear.scatter [tilespmem:s5], [sflag:$0x1], $0x800, $0x38;
	[tilespmem:$0x1B000] =	vst v63  }
0x9d: {  	_ = 	snop  }
0x9e: {  	[spmem:s29] =	stream.linear.scatter [tilespmem:s5], [sflag:$0x1], $0x800, $0x38;
	[tilespmem:$0x1B000] =	vst v63  }
0x9f: {  	_ = 	snop  }
0xa0: {  	[spmem:s30] =	stream.linear.scatter [tilespmem:s5], [sflag:$0x1], $0x800, $0x38;
	[tilespmem:$0x1B000] =	vst v63  }
0xa1: {  	_ = 	snop  }
0xa2: {  	[spmem:s31] =	stream.linear.scatter [tilespmem:s5], [sflag:$0x1], $0x800, $0x38;
	[tilespmem:$0x1B000] =	vst v63  }
0xa3: {  	_ = 	snop  }
0xa4: {  	[spmem:s10] =	stream.linear.scatter [tilespmem:s5], [sflag:$0x1], $0x800, $0x38;
	[tilespmem:$0x1B000] =	vst v63  }
0xa5: {  	_ = 	snop  }
0xa6: {  	[spmem:s2] =	stream.linear.scatter [tilespmem:s5], [sflag:$0x1], $0x800, $0x38;
	[tilespmem:$0x1B000] =	vst v63  }
0xa7: {  	_ = 	snop  }
0xa8: {  	[spmem:s0] =	stream.linear.scatter [tilespmem:s5], [sflag:$0x1], $0x800, $0x38;
	[tilespmem:$0x1B000] =	vst v63  }
0xa9: {  	_ = 	snop  }
0xaa: {  	[spmem:s3] =	stream.linear.scatter [tilespmem:s5], [sflag:$0x1], $0x800, $0x38;
	[tilespmem:$0x1B000] =	vst v63  }
0xab: {  	_ = 	snop  }
0xac: {  	[spmem:s4] =	stream.linear.scatter [tilespmem:s5], [sflag:$0x1], $0x800, $0x38;
	[tilespmem:$0x1B000] =	vst v63  }
0xad: {  	_ =	swait.ge [sflag:s6], $0x800  }
0xae: {  	s12 =	simm.s32 $0x27;
	[sflag:s6] =	ssyncset.done $0x0  }
.LBB2_4:
0xaf: {  	p0 =	sne.s32 s12, $0x1;
	s12 =	sadd.s32 $0xFFFFFFFF, s12;
	[sflag:s6] =	ssyncadd.s32 $0xFFFFF800  }
.Ltmp1:
0xb0: {  	(pc) =	sbr.rel @p0 .LBB2_4-.Ltmp1, $3  }
0xb1: {  	_ =	sdelay $0x1  }
0xb2: {  	_ =	swait.ge [sflag:s6], $0x800  }
0xb3: {  	[sflag:s6] =	ssyncset.done $0x0  }
0xb4: {  	[sflag:s6] =	ssyncadd.s32 $0xFFFFF800  }
0xb5: {  	[bflag:$0x0] =	sbarrier.arrive $0xFFFF  }
0xb6: {  	s12 =	simm.s32 $0x0;
	s15 =	simm.s32 $0x14000;
	s13 =	rddreg [dreg:$0xd]  }
0xb7: {  	[tilespmem:s15], [sflag:$0x2] =	stream.linear.gather [hbm4b:s13+s12], $0x2800, $0x38;
	[tilespmem:$0x1B000] =	vst v63  }
0xb8: {  	_ =	swait.ge [sflag:s7], $0x2800  }
0xb9: {  	[sflag:s7] =	ssyncset.done $0x0  }
0xba: {  	s13 =	simm.s32 $0x14000;
	[sflag:s7] =	ssyncadd.s32 $0xFFFFD800  }
0xbb: {  	[spmem:s1] =	stream.indirect.scatter.add.f32 [tilespmem:s9], [sflag:$0x1], $0x80, s13, s8, $0xb8;
	[tilespmem:$0x1B000] =	vst v63  }
0xbc: {  	s15 =	simm.s32 $0x14080  }
0xbd: {  	[spmem:s1] =	stream.indirect.scatter.add.f32 [tilespmem:s9], [sflag:$0x1], $0x80, s15, s8, $0xb8;
	[tilespmem:$0x1B000] =	vst v63  }
0xbe: {  	s16 =	simm.s32 $0x14100  }
0xbf: {  	[spmem:s1] =	stream.indirect.scatter.add.f32 [tilespmem:s9], [sflag:$0x1], $0x80, s16, s8, $0xb8;
	[tilespmem:$0x1B000] =	vst v63  }
0xc0: {  	s17 =	simm.s32 $0x14180  }
0xc1: {  	[spmem:s1] =	stream.indirect.scatter.add.f32 [tilespmem:s9], [sflag:$0x1], $0x80, s17, s8, $0xb8;
	[tilespmem:$0x1B000] =	vst v63  }
0xc2: {  	s13 =	simm.s32 $0x14200  }
0xc3: {  	[spmem:s1] =	stream.indirect.scatter.add.f32 [tilespmem:s9], [sflag:$0x1], $0x80, s13, s8, $0xb8;
	[tilespmem:$0x1B000] =	vst v63  }
0xc4: {  	s15 =	simm.s32 $0x14280  }
0xc5: {  	[spmem:s1] =	stream.indirect.scatter.add.f32 [tilespmem:s9], [sflag:$0x1], $0x80, s15, s8, $0xb8;
	[tilespmem:$0x1B000] =	vst v63  }
0xc6: {  	s16 =	simm.s32 $0x14300  }
0xc7: {  	[spmem:s1] =	stream.indirect.scatter.add.f32 [tilespmem:s9], [sflag:$0x1], $0x80, s16, s8, $0xb8;
	[tilespmem:$0x1B000] =	vst v63  }
0xc8: {  	s17 =	simm.s32 $0x14380  }
0xc9: {  	[spmem:s1] =	stream.indirect.scatter.add.f32 [tilespmem:s9], [sflag:$0x1], $0x80, s17, s8, $0xb8;
	[tilespmem:$0x1B000] =	vst v63  }
0xca: {  	s13 =	simm.s32 $0x14400  }
0xcb: {  	[spmem:s1] =	stream.indirect.scatter.add.f32 [tilespmem:s9], [sflag:$0x1], $0x80, s13, s8, $0xb8;
	[tilespmem:$0x1B000] =	vst v63  }
0xcc: {  	s15 =	simm.s32 $0x14480  }
0xcd: {  	[spmem:s1] =	stream.indirect.scatter.add.f32 [tilespmem:s9], [sflag:$0x1], $0x80, s15, s8, $0xb8;
	[tilespmem:$0x1B000] =	vst v63  }
0xce: {  	s16 =	simm.s32 $0x14500  }
0xcf: {  	[spmem:s1] =	stream.indirect.scatter.add.f32 [tilespmem:s9], [sflag:$0x1], $0x80, s16, s8, $0xb8;
	[tilespmem:$0x1B000] =	vst v63  }
0xd0: {  	s17 =	simm.s32 $0x14580  }
0xd1: {  	[spmem:s1] =	stream.indirect.scatter.add.f32 [tilespmem:s9], [sflag:$0x1], $0x80, s17, s8, $0xb8;
	[tilespmem:$0x1B000] =	vst v63  }
0xd2: {  	s13 =	simm.s32 $0x14600  }
0xd3: {  	[spmem:s1] =	stream.indirect.scatter.add.f32 [tilespmem:s9], [sflag:$0x1], $0x80, s13, s8, $0xb8;
	[tilespmem:$0x1B000] =	vst v63  }
0xd4: {  	s15 =	simm.s32 $0x14680  }
0xd5: {  	[spmem:s1] =	stream.indirect.scatter.add.f32 [tilespmem:s9], [sflag:$0x1], $0x80, s15, s8, $0xb8;
	[tilespmem:$0x1B000] =	vst v63  }
0xd6: {  	s16 =	simm.s32 $0x14700  }
0xd7: {  	[spmem:s1] =	stream.indirect.scatter.add.f32 [tilespmem:s9], [sflag:$0x1], $0x80, s16, s8, $0xb8;
	[tilespmem:$0x1B000] =	vst v63  }
0xd8: {  	s17 =	simm.s32 $0x14780  }
0xd9: {  	[spmem:s1] =	stream.indirect.scatter.add.f32 [tilespmem:s9], [sflag:$0x1], $0x80, s17, s8, $0xb8;
	[tilespmem:$0x1B000] =	vst v63  }
0xda: {  	_ =	swait.ge [sflag:s6], $0x3E80  }
0xdb: {  	[sflag:s6] =	ssyncset.done $0x0  }
0xdc: {  	[sflag:s6] =	ssyncadd.s32 $0xFFFFC180  }
0xdd: {  	_ =	swait.ge [sflag:s6], $0x3E80  }
0xde: {  	[sflag:s6] =	ssyncset.done $0x0  }
0xdf: {  	[sflag:s6] =	ssyncadd.s32 $0xFFFFC180  }
0xe0: {  	_ =	swait.ge [sflag:s6], $0x3E80  }
0xe1: {  	[sflag:s6] =	ssyncset.done $0x0  }
0xe2: {  	[sflag:s6] =	ssyncadd.s32 $0xFFFFC180  }
0xe3: {  	_ =	swait.ge [sflag:s6], $0x3E80  }
0xe4: {  	[sflag:s6] =	ssyncset.done $0x0  }
0xe5: {  	[sflag:s6] =	ssyncadd.s32 $0xFFFFC180  }
0xe6: {  	_ =	swait.ge [sflag:s6], $0x3E80  }
0xe7: {  	[sflag:s6] =	ssyncset.done $0x0  }
0xe8: {  	[sflag:s6] =	ssyncadd.s32 $0xFFFFC180  }
0xe9: {  	_ =	swait.ge [sflag:s6], $0x3E80  }
0xea: {  	[sflag:s6] =	ssyncset.done $0x0  }
0xeb: {  	[sflag:s6] =	ssyncadd.s32 $0xFFFFC180  }
0xec: {  	_ =	swait.ge [sflag:s6], $0x3E80  }
0xed: {  	[sflag:s6] =	ssyncset.done $0x0  }
0xee: {  	[sflag:s6] =	ssyncadd.s32 $0xFFFFC180  }
0xef: {  	_ =	swait.ge [sflag:s6], $0x3E80  }
0xf0: {  	[sflag:s6] =	ssyncset.done $0x0  }
0xf1: {  	[sflag:s6] =	ssyncadd.s32 $0xFFFFC180  }
0xf2: {  	_ =	swait.ge [sflag:s6], $0x3E80  }
0xf3: {  	[sflag:s6] =	ssyncset.done $0x0  }
0xf4: {  	[sflag:s6] =	ssyncadd.s32 $0xFFFFC180  }
0xf5: {  	_ =	swait.ge [sflag:s6], $0x3E80  }
0xf6: {  	[sflag:s6] =	ssyncset.done $0x0  }
0xf7: {  	[sflag:s6] =	ssyncadd.s32 $0xFFFFC180  }
0xf8: {  	_ =	swait.ge [sflag:s6], $0x3E80  }
0xf9: {  	[sflag:s6] =	ssyncset.done $0x0  }
0xfa: {  	[sflag:s6] =	ssyncadd.s32 $0xFFFFC180  }
0xfb: {  	_ =	swait.ge [sflag:s6], $0x3E80  }
0xfc: {  	[sflag:s6] =	ssyncset.done $0x0  }
0xfd: {  	[sflag:s6] =	ssyncadd.s32 $0xFFFFC180  }
0xfe: {  	_ =	swait.ge [sflag:s6], $0x3E80  }
0xff: {  	[sflag:s6] =	ssyncset.done $0x0  }
0x100: {  	[sflag:s6] =	ssyncadd.s32 $0xFFFFC180  }
0x101: {  	_ =	swait.ge [sflag:s6], $0x3E80  }
0x102: {  	[sflag:s6] =	ssyncset.done $0x0  }
0x103: {  	[sflag:s6] =	ssyncadd.s32 $0xFFFFC180  }
0x104: {  	_ =	swait.ge [sflag:s6], $0x3E80  }
0x105: {  	[sflag:s6] =	ssyncset.done $0x0  }
0x106: {  	[sflag:s6] =	ssyncadd.s32 $0xFFFFC180  }
0x107: {  	_ =	swait.ge [sflag:s6], $0x3E80  }
0x108: {  	s12 =	simm.s32 $0x4000;
	s15 =	simm.s32 $0x800;
	[sflag:s6] =	ssyncset.done $0x0  }
.LBB2_6:
0x109: {  	s17 =	sadd.s32 $0x14000, s15  }
0x10a: {  	[sflag:s6] =	ssyncadd.s32 $0xFFFFC180;
	s13 =	smov.u32 s12;
	s16 =	sadd.s32 $0x2000, s12  }
0x10b: {  	[spmem:s1] =	stream.indirect.scatter.add.f32 [tilespmem:s9], [sflag:$0x1], $0x80, s17, s8, $0xb8;
	[tilespmem:$0x1B000] =	vst v63  }
0x10c: {  	p0 =	sne.s32 s12, $0x8000;
	s12 =	sadd.s32 $0x14080, s15  }
0x10d: {  	[spmem:s1] =	stream.indirect.scatter.add.f32 [tilespmem:s9], [sflag:$0x1], $0x80, s12, s8, $0xb8;
	[tilespmem:$0x1B000] =	vst v63  }
0x10e: {  	s12 =	sadd.s32 $0x14100, s15  }
0x10f: {  	[spmem:s1] =	stream.indirect.scatter.add.f32 [tilespmem:s9], [sflag:$0x1], $0x80, s12, s8, $0xb8;
	[tilespmem:$0x1B000] =	vst v63  }
0x110: {  	s12 =	sadd.s32 $0x14180, s15  }
0x111: {  	[spmem:s1] =	stream.indirect.scatter.add.f32 [tilespmem:s9], [sflag:$0x1], $0x80, s12, s8, $0xb8;
	[tilespmem:$0x1B000] =	vst v63  }
0x112: {  	s12 =	sadd.s32 $0x14200, s15  }
0x113: {  	[spmem:s1] =	stream.indirect.scatter.add.f32 [tilespmem:s9], [sflag:$0x1], $0x80, s12, s8, $0xb8;
	[tilespmem:$0x1B000] =	vst v63  }
0x114: {  	s12 =	sadd.s32 $0x14280, s15  }
0x115: {  	[spmem:s1] =	stream.indirect.scatter.add.f32 [tilespmem:s9], [sflag:$0x1], $0x80, s12, s8, $0xb8;
	[tilespmem:$0x1B000] =	vst v63  }
0x116: {  	s12 =	sadd.s32 $0x14300, s15  }
0x117: {  	[spmem:s1] =	stream.indirect.scatter.add.f32 [tilespmem:s9], [sflag:$0x1], $0x80, s12, s8, $0xb8;
	[tilespmem:$0x1B000] =	vst v63  }
0x118: {  	s12 =	sadd.s32 $0x14380, s15  }
0x119: {  	[spmem:s1] =	stream.indirect.scatter.add.f32 [tilespmem:s9], [sflag:$0x1], $0x80, s12, s8, $0xb8;
	[tilespmem:$0x1B000] =	vst v63  }
0x11a: {  	s12 =	sadd.s32 $0x14400, s15  }
0x11b: {  	[spmem:s1] =	stream.indirect.scatter.add.f32 [tilespmem:s9], [sflag:$0x1], $0x80, s12, s8, $0xb8;
	[tilespmem:$0x1B000] =	vst v63  }
0x11c: {  	s12 =	sadd.s32 $0x14480, s15  }
0x11d: {  	[spmem:s1] =	stream.indirect.scatter.add.f32 [tilespmem:s9], [sflag:$0x1], $0x80, s12, s8, $0xb8;
	[tilespmem:$0x1B000] =	vst v63  }
0x11e: {  	s12 =	sadd.s32 $0x14500, s15  }
0x11f: {  	[spmem:s1] =	stream.indirect.scatter.add.f32 [tilespmem:s9], [sflag:$0x1], $0x80, s12, s8, $0xb8;
	[tilespmem:$0x1B000] =	vst v63  }
0x120: {  	s12 =	sadd.s32 $0x14580, s15  }
0x121: {  	[spmem:s1] =	stream.indirect.scatter.add.f32 [tilespmem:s9], [sflag:$0x1], $0x80, s12, s8, $0xb8;
	[tilespmem:$0x1B000] =	vst v63  }
0x122: {  	s12 =	sadd.s32 $0x14600, s15  }
0x123: {  	[spmem:s1] =	stream.indirect.scatter.add.f32 [tilespmem:s9], [sflag:$0x1], $0x80, s12, s8, $0xb8;
	[tilespmem:$0x1B000] =	vst v63  }
0x124: {  	s12 =	sadd.s32 $0x14680, s15  }
0x125: {  	[spmem:s1] =	stream.indirect.scatter.add.f32 [tilespmem:s9], [sflag:$0x1], $0x80, s12, s8, $0xb8;
	[tilespmem:$0x1B000] =	vst v63  }
0x126: {  	s12 =	sadd.s32 $0x14700, s15  }
0x127: {  	[spmem:s1] =	stream.indirect.scatter.add.f32 [tilespmem:s9], [sflag:$0x1], $0x80, s12, s8, $0xb8;
	[tilespmem:$0x1B000] =	vst v63  }
0x128: {  	s12 =	sadd.s32 $0x14780, s15  }
0x129: {  	[spmem:s1] =	stream.indirect.scatter.add.f32 [tilespmem:s9], [sflag:$0x1], $0x80, s12, s8, $0xb8;
	[tilespmem:$0x1B000] =	vst v63  }
0x12a: {  	_ =	swait.ge [sflag:s6], $0x3E80  }
0x12b: {  	[sflag:s6] =	ssyncset.done $0x0  }
0x12c: {  	[sflag:s6] =	ssyncadd.s32 $0xFFFFC180  }
0x12d: {  	_ =	swait.ge [sflag:s6], $0x3E80  }
0x12e: {  	[sflag:s6] =	ssyncset.done $0x0  }
0x12f: {  	[sflag:s6] =	ssyncadd.s32 $0xFFFFC180  }
0x130: {  	_ =	swait.ge [sflag:s6], $0x3E80  }
0x131: {  	[sflag:s6] =	ssyncset.done $0x0  }
0x132: {  	[sflag:s6] =	ssyncadd.s32 $0xFFFFC180  }
0x133: {  	_ =	swait.ge [sflag:s6], $0x3E80  }
0x134: {  	[sflag:s6] =	ssyncset.done $0x0  }
0x135: {  	[sflag:s6] =	ssyncadd.s32 $0xFFFFC180  }
0x136: {  	_ =	swait.ge [sflag:s6], $0x3E80  }
0x137: {  	[sflag:s6] =	ssyncset.done $0x0  }
0x138: {  	[sflag:s6] =	ssyncadd.s32 $0xFFFFC180  }
0x139: {  	_ =	swait.ge [sflag:s6], $0x3E80  }
0x13a: {  	[sflag:s6] =	ssyncset.done $0x0  }
0x13b: {  	[sflag:s6] =	ssyncadd.s32 $0xFFFFC180  }
0x13c: {  	_ =	swait.ge [sflag:s6], $0x3E80  }
0x13d: {  	[sflag:s6] =	ssyncset.done $0x0  }
0x13e: {  	[sflag:s6] =	ssyncadd.s32 $0xFFFFC180  }
0x13f: {  	_ =	swait.ge [sflag:s6], $0x3E80  }
0x140: {  	[sflag:s6] =	ssyncset.done $0x0  }
0x141: {  	[sflag:s6] =	ssyncadd.s32 $0xFFFFC180  }
0x142: {  	_ =	swait.ge [sflag:s6], $0x3E80  }
0x143: {  	[sflag:s6] =	ssyncset.done $0x0  }
0x144: {  	[sflag:s6] =	ssyncadd.s32 $0xFFFFC180  }
0x145: {  	_ =	swait.ge [sflag:s6], $0x3E80  }
0x146: {  	[sflag:s6] =	ssyncset.done $0x0  }
0x147: {  	[sflag:s6] =	ssyncadd.s32 $0xFFFFC180  }
0x148: {  	_ =	swait.ge [sflag:s6], $0x3E80  }
0x149: {  	[sflag:s6] =	ssyncset.done $0x0  }
0x14a: {  	[sflag:s6] =	ssyncadd.s32 $0xFFFFC180  }
0x14b: {  	_ =	swait.ge [sflag:s6], $0x3E80  }
0x14c: {  	[sflag:s6] =	ssyncset.done $0x0  }
0x14d: {  	[sflag:s6] =	ssyncadd.s32 $0xFFFFC180  }
0x14e: {  	_ =	swait.ge [sflag:s6], $0x3E80  }
0x14f: {  	[sflag:s6] =	ssyncset.done $0x0  }
0x150: {  	[sflag:s6] =	ssyncadd.s32 $0xFFFFC180  }
0x151: {  	_ =	swait.ge [sflag:s6], $0x3E80  }
0x152: {  	[sflag:s6] =	ssyncset.done $0x0  }
0x153: {  	[sflag:s6] =	ssyncadd.s32 $0xFFFFC180  }
.Ltmp2:
0x154: {  	_ =	swait.ge [sflag:s6], $0x3E80;
	(pc) =	sbr.rel @p0 .LBB2_6-.Ltmp2, $4  }
0x155: {  	[sflag:s6] =	ssyncset.done $0x0  }
0x156: {  	[sflag:s6] =	ssyncadd.s32 $0xFFFFC180  }
0x157: {  	_ =	swait.ge [sflag:s6], $0x3E80  }
0x158: {  	s15 =	sshra.s32 s13, $0x2;
	s12 =	smov.u32 s16;
	[sflag:s6] =	ssyncset.done $0x0  }
0x159: {  	s12 =	sadd.s32 $0x14000, s15;
	[sflag:s6] =	ssyncadd.s32 $0xFFFFC180  }
0x15a: {  	[spmem:s1] =	stream.indirect.scatter.add.f32 [tilespmem:s9], [sflag:$0x1], $0x80, s12, s8, $0xb8;
	[tilespmem:$0x1B000] =	vst v63  }
0x15b: {  	s16 =	sadd.s32 $0x14080, s15  }
0x15c: {  	[spmem:s1] =	stream.indirect.scatter.add.f32 [tilespmem:s9], [sflag:$0x1], $0x80, s16, s8, $0xb8;
	[tilespmem:$0x1B000] =	vst v63  }
0x15d: {  	s17 =	sadd.s32 $0x14100, s15  }
0x15e: {  	[spmem:s1] =	stream.indirect.scatter.add.f32 [tilespmem:s9], [sflag:$0x1], $0x80, s17, s8, $0xb8;
	[tilespmem:$0x1B000] =	vst v63  }
0x15f: {  	s13 =	sadd.s32 $0x14180, s15  }
0x160: {  	[spmem:s1] =	stream.indirect.scatter.add.f32 [tilespmem:s9], [sflag:$0x1], $0x80, s13, s8, $0xb8;
	[tilespmem:$0x1B000] =	vst v63  }
0x161: {  	s16 =	sadd.s32 $0x14200, s15  }
0x162: {  	[spmem:s1] =	stream.indirect.scatter.add.f32 [tilespmem:s9], [sflag:$0x1], $0x80, s16, s8, $0xb8;
	[tilespmem:$0x1B000] =	vst v63  }
0x163: {  	s17 =	sadd.s32 $0x14280, s15  }
0x164: {  	[spmem:s1] =	stream.indirect.scatter.add.f32 [tilespmem:s9], [sflag:$0x1], $0x80, s17, s8, $0xb8;
	[tilespmem:$0x1B000] =	vst v63  }
0x165: {  	s13 =	sadd.s32 $0x14300, s15  }
0x166: {  	[spmem:s1] =	stream.indirect.scatter.add.f32 [tilespmem:s9], [sflag:$0x1], $0x80, s13, s8, $0xb8;
	[tilespmem:$0x1B000] =	vst v63  }
0x167: {  	s16 =	sadd.s32 $0x14380, s15  }
0x168: {  	[spmem:s1] =	stream.indirect.scatter.add.f32 [tilespmem:s9], [sflag:$0x1], $0x80, s16, s8, $0xb8;
	[tilespmem:$0x1B000] =	vst v63  }
0x169: {  	s17 =	sadd.s32 $0x14400, s15  }
0x16a: {  	[spmem:s1] =	stream.indirect.scatter.add.f32 [tilespmem:s9], [sflag:$0x1], $0x80, s17, s8, $0xb8;
	[tilespmem:$0x1B000] =	vst v63  }
0x16b: {  	s13 =	sadd.s32 $0x14480, s15  }
0x16c: {  	[spmem:s1] =	stream.indirect.scatter.add.f32 [tilespmem:s9], [sflag:$0x1], $0x80, s13, s8, $0xb8;
	[tilespmem:$0x1B000] =	vst v63  }
0x16d: {  	s16 =	sadd.s32 $0x14500, s15  }
0x16e: {  	[spmem:s1] =	stream.indirect.scatter.add.f32 [tilespmem:s9], [sflag:$0x1], $0x80, s16, s8, $0xb8;
	[tilespmem:$0x1B000] =	vst v63  }
0x16f: {  	s17 =	sadd.s32 $0x14580, s15  }
0x170: {  	[spmem:s1] =	stream.indirect.scatter.add.f32 [tilespmem:s9], [sflag:$0x1], $0x80, s17, s8, $0xb8;
	[tilespmem:$0x1B000] =	vst v63  }
0x171: {  	s13 =	sadd.s32 $0x14600, s15  }
0x172: {  	[spmem:s1] =	stream.indirect.scatter.add.f32 [tilespmem:s9], [sflag:$0x1], $0x80, s13, s8, $0xb8;
	[tilespmem:$0x1B000] =	vst v63  }
0x173: {  	s16 =	sadd.s32 $0x14680, s15  }
0x174: {  	[spmem:s1] =	stream.indirect.scatter.add.f32 [tilespmem:s9], [sflag:$0x1], $0x80, s16, s8, $0xb8;
	[tilespmem:$0x1B000] =	vst v63  }
0x175: {  	s17 =	sadd.s32 $0x14700, s15  }
0x176: {  	[spmem:s1] =	stream.indirect.scatter.add.f32 [tilespmem:s9], [sflag:$0x1], $0x80, s17, s8, $0xb8;
	[tilespmem:$0x1B000] =	vst v63  }
0x177: {  	s13 =	sadd.s32 $0x14780, s15  }
0x178: {  	[spmem:s1] =	stream.indirect.scatter.add.f32 [tilespmem:s9], [sflag:$0x1], $0x80, s13, s8, $0xb8;
	[tilespmem:$0x1B000] =	vst v63  }
0x179: {  	_ =	swait.ge [sflag:s6], $0x3E80  }
0x17a: {  	[sflag:s6] =	ssyncset.done $0x0  }
0x17b: {  	[sflag:s6] =	ssyncadd.s32 $0xFFFFC180  }
0x17c: {  	_ =	swait.ge [sflag:s6], $0x3E80  }
0x17d: {  	[sflag:s6] =	ssyncset.done $0x0  }
0x17e: {  	[sflag:s6] =	ssyncadd.s32 $0xFFFFC180  }
0x17f: {  	_ =	swait.ge [sflag:s6], $0x3E80  }
0x180: {  	[sflag:s6] =	ssyncset.done $0x0  }
0x181: {  	[sflag:s6] =	ssyncadd.s32 $0xFFFFC180  }
0x182: {  	_ =	swait.ge [sflag:s6], $0x3E80  }
0x183: {  	[sflag:s6] =	ssyncset.done $0x0  }
0x184: {  	[sflag:s6] =	ssyncadd.s32 $0xFFFFC180  }
0x185: {  	_ =	swait.ge [sflag:s6], $0x3E80  }
0x186: {  	[sflag:s6] =	ssyncset.done $0x0  }
0x187: {  	[sflag:s6] =	ssyncadd.s32 $0xFFFFC180  }
0x188: {  	_ =	swait.ge [sflag:s6], $0x3E80  }
0x189: {  	[sflag:s6] =	ssyncset.done $0x0  }
0x18a: {  	[sflag:s6] =	ssyncadd.s32 $0xFFFFC180  }
0x18b: {  	_ =	swait.ge [sflag:s6], $0x3E80  }
0x18c: {  	[sflag:s6] =	ssyncset.done $0x0  }
0x18d: {  	[sflag:s6] =	ssyncadd.s32 $0xFFFFC180  }
0x18e: {  	_ =	swait.ge [sflag:s6], $0x3E80  }
0x18f: {  	[sflag:s6] =	ssyncset.done $0x0  }
0x190: {  	[sflag:s6] =	ssyncadd.s32 $0xFFFFC180  }
0x191: {  	_ =	swait.ge [sflag:s6], $0x3E80  }
0x192: {  	[sflag:s6] =	ssyncset.done $0x0  }
0x193: {  	[sflag:s6] =	ssyncadd.s32 $0xFFFFC180  }
0x194: {  	_ =	swait.ge [sflag:s6], $0x3E80  }
0x195: {  	[sflag:s6] =	ssyncset.done $0x0  }
0x196: {  	[sflag:s6] =	ssyncadd.s32 $0xFFFFC180  }
0x197: {  	_ =	swait.ge [sflag:s6], $0x3E80  }
0x198: {  	[sflag:s6] =	ssyncset.done $0x0  }
0x199: {  	[sflag:s6] =	ssyncadd.s32 $0xFFFFC180  }
0x19a: {  	_ =	swait.ge [sflag:s6], $0x3E80  }
0x19b: {  	[sflag:s6] =	ssyncset.done $0x0  }
0x19c: {  	[sflag:s6] =	ssyncadd.s32 $0xFFFFC180  }
0x19d: {  	_ =	swait.ge [sflag:s6], $0x3E80  }
0x19e: {  	[sflag:s6] =	ssyncset.done $0x0  }
0x19f: {  	[sflag:s6] =	ssyncadd.s32 $0xFFFFC180  }
0x1a0: {  	_ =	swait.ge [sflag:s6], $0x3E80  }
0x1a1: {  	[sflag:s6] =	ssyncset.done $0x0  }
0x1a2: {  	[sflag:s6] =	ssyncadd.s32 $0xFFFFC180  }
0x1a3: {  	_ =	swait.ge [sflag:s6], $0x3E80  }
0x1a4: {  	[sflag:s6] =	ssyncset.done $0x0  }
0x1a5: {  	[sflag:s6] =	ssyncadd.s32 $0xFFFFC180  }
0x1a6: {  	_ =	swait.ge [sflag:s6], $0x3E80  }
0x1a7: {  	[sflag:s6] =	ssyncset.done $0x0  }
0x1a8: {  	s15 =	stileid.u32;
	[sflag:s6] =	ssyncadd.s32 $0xFFFFC180  }
0x1a9: {  	s12 =	sshll.u32 s15, $0x6;
	[bflag:$0x0] =	sbarrier.arrive $0xFFFF  }
0x1aa: {  	s12 =	sor.u32 $0x1C01, s12;
	s13 =	sshrl.u32 s14, $0x3;
	s16 =	rddreg [dreg:$0x3]  }
0x1ab: {  	[hbm:s16], [sflag:s12] =	dma.local [spmem:s13], $0x400  }
0x1ac: {  	s13 =	rddreg [dreg:$0x4]  }
0x1ad: {  	s15 =	rddreg [dreg:$0xf]  }
0x1ae: {  	[hbm:s13], [sflag:s12] =	dma.local [spmem:s15], $0x400  }
0x1af: {  	s13 =	rddreg [dreg:$0x5]  }
0x1b0: {  	s15 =	rddreg [dreg:$0x10]  }
0x1b1: {  	[hbm:s13], [sflag:s12] =	dma.local [spmem:s15], $0x400  }
0x1b2: {  	s13 =	rddreg [dreg:$0x6]  }
0x1b3: {  	s15 =	rddreg [dreg:$0x11]  }
0x1b4: {  	[hbm:s13], [sflag:s12] =	dma.local [spmem:s15], $0x400  }
0x1b5: {  	s13 =	rddreg [dreg:$0x7]  }
0x1b6: {  	s15 =	rddreg [dreg:$0x12]  }
0x1b7: {  	[hbm:s13], [sflag:s12] =	dma.local [spmem:s15], $0x400  }
0x1b8: {  	s13 =	rddreg [dreg:$0x8]  }
0x1b9: {  	s15 =	rddreg [dreg:$0x13]  }
0x1ba: {  	[hbm:s13], [sflag:s12] =	dma.local [spmem:s15], $0x400  }
0x1bb: {  	s13 =	rddreg [dreg:$0x9]  }
0x1bc: {  	s15 =	rddreg [dreg:$0x14]  }
0x1bd: {  	[hbm:s13], [sflag:s12] =	dma.local [spmem:s15], $0x400  }
0x1be: {  	s13 =	rddreg [dreg:$0xa]  }
0x1bf: {  	s15 =	rddreg [dreg:$0x15]  }
0x1c0: {  	[hbm:s13], [sflag:s12] =	dma.local [spmem:s15], $0x400  }
0x1c1: {  	s13 =	rddreg [dreg:$0xb]  }
0x1c2: {  	s15 =	rddreg [dreg:$0x16]  }
0x1c3: {  	[hbm:s13], [sflag:s12] =	dma.local [spmem:s15], $0x400  }
0x1c4: {  	s13 =	rddreg [dreg:$0xc]  }
0x1c5: {  	s15 =	rddreg [dreg:$0x17]  }
0x1c6: {  	[hbm:s13], [sflag:s12] =	dma.local [spmem:s15], $0x400  }
0x1c7: {  	_ =	swait.ge [sflag:s6], $0x400  }
0x1c8: {  	[sflag:s6] =	ssyncset.done $0x0  }
0x1c9: {  	[sflag:s6] =	ssyncadd.s32 $0xFFFFFC00  }
0x1ca: {  	_ =	swait.ge [sflag:s6], $0x400  }
0x1cb: {  	[sflag:s6] =	ssyncset.done $0x0  }
0x1cc: {  	[sflag:s6] =	ssyncadd.s32 $0xFFFFFC00  }
0x1cd: {  	_ =	swait.ge [sflag:s6], $0x400  }
0x1ce: {  	[sflag:s6] =	ssyncset.done $0x0  }
0x1cf: {  	[sflag:s6] =	ssyncadd.s32 $0xFFFFFC00  }
0x1d0: {  	_ =	swait.ge [sflag:s6], $0x400  }
0x1d1: {  	[sflag:s6] =	ssyncset.done $0x0  }
0x1d2: {  	[sflag:s6] =	ssyncadd.s32 $0xFFFFFC00  }
0x1d3: {  	_ =	swait.ge [sflag:s6], $0x400  }
0x1d4: {  	[sflag:s6] =	ssyncset.done $0x0  }
0x1d5: {  	[sflag:s6] =	ssyncadd.s32 $0xFFFFFC00  }
0x1d6: {  	_ =	swait.ge [sflag:s6], $0x400  }
0x1d7: {  	[sflag:s6] =	ssyncset.done $0x0  }
0x1d8: {  	[sflag:s6] =	ssyncadd.s32 $0xFFFFFC00  }
0x1d9: {  	_ =	swait.ge [sflag:s6], $0x400  }
0x1da: {  	[sflag:s6] =	ssyncset.done $0x0  }
0x1db: {  	[sflag:s6] =	ssyncadd.s32 $0xFFFFFC00  }
0x1dc: {  	_ =	swait.ge [sflag:s6], $0x400  }
0x1dd: {  	[sflag:s6] =	ssyncset.done $0x0  }
0x1de: {  	[sflag:s6] =	ssyncadd.s32 $0xFFFFFC00  }
0x1df: {  	_ =	swait.ge [sflag:s6], $0x400  }
0x1e0: {  	[sflag:s6] =	ssyncset.done $0x0  }
0x1e1: {  	[sflag:s6] =	ssyncadd.s32 $0xFFFFFC00  }
0x1e2: {  	_ =	swait.ge [sflag:s6], $0x400  }
0x1e3: {  	s11 =	sadd.s32 $0x1, s11;
	s17 =	rddreg [dreg:$0xe]  }
0x1e4: {  	p0 =	sne.s32 s11, s17  }
.Ltmp3:
0x1e5: {  	_ = 	snop;
	(pc) =	sbr.rel @p0 .LBB2_1-.Ltmp3, $3  }
0x1e6: {  	_ =	sdelay $0x1  }
0x1e7: {  	[sflag:s6] =	ssyncset.done $0x0  }
0x1e8: {  	[sflag:s6] =	ssyncadd.s32 $0xFFFFFC00  }
0x1e9: {  	_ =	sfence.sel $0x180000  }
0x1ea: {  	[bflag:$0x0] =	sbarrier.arrive $0xFFFF  }
0x1eb: {  	_ =	strace $0x90000047  }
0x1ec: {  	s0 =	stileid.u32;
	[bflag:$0x2] =	sbarrier.arrive $0xFFFF  }
0x1ed: {  	p0 =	sne.s32 s0, $0x0;
	s0 =	rddreg [dreg:$0x2]  }
0x1ee: {  	s0 =	sadd.s32 @!p0 $0x100000, s0  }
0x1ef: {  	[sflag:s0] =	ssyncadd.tile.s32 @!p0 $0x1;
	_ =	shalt  }
.Lfunc_end2:
_tile_overlayer_lowered:
.L_overlay_start_2:
0x1f0: {  	(tag) =	ssettag $0x2  }
0x1f1: {  	s0 =	rddreg [dreg:$0x0];
	s2 =	stileid.u32  }
0x1f2: {  	s1 =	rddreg [dreg:$0x1];
	p0 =	sne.s32 s2, $0x0  }
0x1f3: {  	s3 =	rddreg [dreg:$0x2];
	[bflag:$0x3] =	sbarrier.arrive $0xFFFF;
	s2 =	simm.s32 @!p0 $0x1C02  }
0x1f4: {  	[timem:s3], [sflag:s2] =	dma.local @!p0 [hbm:s0], s1  }
0x1f5: {  	s0 =	simm.s32 @!p0 $0x2  }
0x1f6: {  	_ =	swait.ge @!p0 [sflag:s0], s1  }
0x1f7: {  	s1 =	ssub.s32 @!p0 $0x0, s1;
	[sflag:s0] =	ssyncset.done @!p0 $0x0  }
0x1f8: {  	[sflag:s0] =	ssyncadd.s32 @!p0 s1  }
0x1f9: {  	[bflag:$0x3] =	sbarrier.arrive $0xFFFF  }
0x1fa: {  	_ =	shalt  }

</sc_bundles>
